<compile_context>
chip_gen: v7x
topology: tpu7x:2x2x1
jax: 0.10.2.dev20260603
libtpu: 0.0.44.dev20260713+nightly
codegen_flags: <defaults>
</compile_context>

<pallas_src>
import functools

import jax
import jax.numpy as jnp
from jax import lax
from jax.experimental import pallas as pl
from jax.experimental.pallas import tpu as pltpu
from jax.experimental.pallas import tpu_sc as plsc

NN = 10000
NE = 2500
NNZ = 320000
HID = 256
HALF = 128
ALPHA = -1.5
BETA = -0.5
F32 = jnp.float32

RN = 80
RE = 24
CHUNKS = 160
K = 128
PADNNZ = 16 * CHUNKS * K
IDXB = 16
RDN = 10240
RDE = 2560
NW = 32
PERW = NNZ // NW


def _mesh():
    return plsc.VectorSubcoreMesh(core_axis_name="c", subcore_axis_name="s")


def _split16(x):
    return lax.shift_right_logical(x, 7), jnp.bitwise_and(x, 127)


@functools.partial(
    pl.kernel,
    out_type=(
        jax.ShapeDtypeStruct((2, 16, RN * 128), F32),
        jax.ShapeDtypeStruct((2, 16, RE * 128), F32),
    ),
    mesh=_mesh(),
    compiler_params=pltpu.CompilerParams(needs_layout_passes=False),
    scratch_types=[
        pltpu.VMEM((PERW,), jnp.int32),
        pltpu.VMEM((PERW,), jnp.int32),
        pltpu.VMEM((RN * 128,), F32),
        pltpu.VMEM((RE * 128,), F32),
    ],
)
def _deg(nidx, eidx, zeros1, outn, oute, nvm, evm, dn, de):
    c = lax.axis_index("c")
    s = lax.axis_index("s")
    w = s * 2 + c
    pltpu.sync_copy(nidx.at[w], nvm)
    pltpu.sync_copy(eidx.at[w], evm)
    pltpu.sync_copy(zeros1.at[pl.ds(0, RN * 128)], dn)
    pltpu.sync_copy(zeros1.at[pl.ds(0, RE * 128)], de)
    ones = jnp.ones((16,), F32)

    def it(i, carry):
        nid = nvm[pl.ds(i * 16, 16)]
        eid = evm[pl.ds(i * 16, 16)]
        plsc.addupdate_scatter(dn, [nid], ones)
        plsc.addupdate_scatter(de, [eid], ones)
        return carry

    lax.fori_loop(0, PERW // 16, it, 0)
    pltpu.sync_copy(dn, outn.at[c, s])
    pltpu.sync_copy(de, oute.at[c, s])


@functools.partial(
    pl.kernel,
    out_type=(
        jax.ShapeDtypeStruct((2, 16, RN * 128), F32),
        jax.ShapeDtypeStruct((2, 16, RE * 128), F32),
    ),
    mesh=_mesh(),
    compiler_params=pltpu.CompilerParams(needs_layout_passes=False),
    scratch_types=[
        pltpu.VMEM((PERW,), jnp.int32),
        pltpu.VMEM((PERW,), jnp.int32),
        pltpu.VMEM((RN * 128,), F32),
        pltpu.VMEM((RE * 128,), F32),
        pltpu.VMEM((RN * 128,), F32),
        pltpu.VMEM((RE * 128,), F32),
    ],
)
def _dsum(nidx, eidx, ncard, ecard, zeros1, outd0, outd1, nvm, evm, ncv, ecv, d0v, d1v):
    c = lax.axis_index("c")
    s = lax.axis_index("s")
    w = s * 2 + c
    pltpu.sync_copy(nidx.at[w], nvm)
    pltpu.sync_copy(eidx.at[w], evm)
    pltpu.sync_copy(ncard, ncv)
    pltpu.sync_copy(ecard, ecv)
    pltpu.sync_copy(zeros1.at[pl.ds(0, RN * 128)], d0v)
    pltpu.sync_copy(zeros1.at[pl.ds(0, RE * 128)], d1v)

    def it(i, carry):
        nid = nvm[pl.ds(i * 16, 16)]
        eid = evm[pl.ds(i * 16, 16)]
        ec = plsc.load_gather(ecv, [eid])
        plsc.addupdate_scatter(d0v, [nid], ec)
        nc = plsc.load_gather(ncv, [nid])
        plsc.addupdate_scatter(d1v, [eid], nc)
        return carry

    lax.fori_loop(0, PERW // 16, it, 0)
    pltpu.sync_copy(d0v, outd0.at[c, s])
    pltpu.sync_copy(d1v, outd1.at[c, s])


def _make_spmm(rd):
    @functools.partial(
        pl.kernel,
        out_type=jax.ShapeDtypeStruct((2, rd, 128), F32),
        mesh=_mesh(),
        compiler_params=pltpu.CompilerParams(needs_layout_passes=False),
        scratch_types=[
            pltpu.VMEM((IDXB, K), jnp.int32),
            pltpu.VMEM((IDXB, K), jnp.int32),
            pltpu.VMEM((K, 128), F32),
            pltpu.VMEM_SHARED((rd, 128), F32),
            pltpu.SemaphoreType.DMA,
        ],
    )
    def spmm(table, gidx, sidx, zeros, out, gvm, svm, rbuf, accum, sem):
        c = lax.axis_index("c")
        s = lax.axis_index("s")
        rpt = rd // 16
        pltpu.sync_copy(zeros.at[pl.ds(0, rpt)], accum.at[pl.ds(s * rpt, rpt)])
        plsc.subcore_barrier()
        tbl = table.at[c]

        def blk(b, carry):
            pltpu.sync_copy(gidx.at[s, pl.ds(b * IDXB, IDXB)], gvm)
            pltpu.sync_copy(sidx.at[s, pl.ds(b * IDXB, IDXB)], svm)

            def it(j, carry2):
                pltpu.async_copy(tbl.at[gvm.at[j]], rbuf, sem).wait()
                pltpu.sync_copy(rbuf, accum.at[svm.at[j]], add=True)
                return carry2

            lax.fori_loop(0, IDXB, it, 0)
            return carry

        lax.fori_loop(0, CHUNKS // IDXB, blk, 0)
        plsc.subcore_barrier()
        pltpu.sync_copy(accum.at[pl.ds(s * rpt, rpt)], out.at[c, pl.ds(s * rpt, rpt)])

    return spmm


_spmm_edge = _make_spmm(RDE)
_spmm_node = _make_spmm(RDN)


def _cards_body(dnp_ref, dep_ref, nc_ref, ec_ref):
    dn = jnp.sum(dnp_ref[...], axis=0)
    de = jnp.sum(dep_ref[...], axis=0)
    dns = jnp.where(dn > 0, dn, 1.0)
    des = jnp.where(de > 0, de, 1.0)
    nc_ref[...] = jnp.exp(BETA * jnp.log(dns))
    ec_ref[...] = jnp.exp(ALPHA * jnp.log(des))


def _tc_cards(dnp, dep):
    return pl.pallas_call(
        _cards_body,
        out_shape=(
            jax.ShapeDtypeStruct((RN, 128), F32),
            jax.ShapeDtypeStruct((RE, 128), F32),
        ),
    )(dnp, dep)


def _dinv_body(d0p_ref, d1p_ref, d0i_ref, d1i_ref):
    d0 = jnp.sum(d0p_ref[...], axis=0)
    d1 = jnp.sum(d1p_ref[...], axis=0)
    d0i_ref[...] = 1.0 / jnp.maximum(d0, 1e-12)
    d1i_ref[...] = 1.0 / jnp.maximum(d1, 1e-12)


def _tc_dinv(d0p, d1p):
    return pl.pallas_call(
        _dinv_body,
        out_shape=(
            jax.ShapeDtypeStruct((RN, 128), F32),
            jax.ShapeDtypeStruct((RE, 128), F32),
        ),
    )(d0p, d1p)


def _l0_body(x_ref, w_ref, nc_ref, out_ref):
    m = jnp.dot(x_ref[...], w_ref[...], preferred_element_type=F32)
    m = m * nc_ref[...]
    out_ref[0] = m[:, :HALF]
    out_ref[1] = m[:, HALF:]


def _tc_l0(x0, w01, nc_col):
    return pl.pallas_call(
        _l0_body,
        out_shape=jax.ShapeDtypeStruct((2, NN, 128), F32),
    )(x0, w01, nc_col)


def _edge_body(agg_ref, d1i_ref, b1_ref, w_ref, ec_ref, out_ref):
    d1i = d1i_ref[...]
    lo = agg_ref[0, :NE, :]
    hi = agg_ref[1, :NE, :]
    b1 = b1_ref[...]
    x1lo = jnp.maximum(lo * d1i + b1[:, :HALF], 0.0)
    x1hi = jnp.maximum(hi * d1i + b1[:, HALF:], 0.0)
    m = jnp.dot(x1lo, w_ref[:HALF, :], preferred_element_type=F32)
    m = m + jnp.dot(x1hi, w_ref[HALF:, :], preferred_element_type=F32)
    m = m * ec_ref[...]
    out_ref[0] = m[:, :HALF]
    out_ref[1] = m[:, HALF:]


def _tc_edge(agg, d1i_col, b1, w10, ec_col):
    return pl.pallas_call(
        _edge_body,
        out_shape=jax.ShapeDtypeStruct((2, NE, 128), F32),
    )(agg, d1i_col, b1, w10, ec_col)


def _node_body(agg_ref, d0i_ref, b0_ref, w_ref, nc_ref, out_ref):
    d0i = d0i_ref[...]
    lo = agg_ref[0, :NN, :]
    hi = agg_ref[1, :NN, :]
    b0 = b0_ref[...]
    x0lo = jnp.maximum(lo * d0i + b0[:, :HALF], 0.0)
    x0hi = jnp.maximum(hi * d0i + b0[:, HALF:], 0.0)
    m = jnp.dot(x0lo, w_ref[:HALF, :], preferred_element_type=F32)
    m = m + jnp.dot(x0hi, w_ref[HALF:, :], preferred_element_type=F32)
    m = m * nc_ref[...]
    out_ref[0] = m[:, :HALF]
    out_ref[1] = m[:, HALF:]


def _tc_node(agg, d0i_col, b0, w01, nc_col):
    return pl.pallas_call(
        _node_body,
        out_shape=jax.ShapeDtypeStruct((2, NN, 128), F32),
    )(agg, d0i_col, b0, w01, nc_col)


def _final_body(agg_ref, d0i_ref, b0_ref, wl_ref, bl_ref, out_ref):
    d0i = d0i_ref[...]
    lo = agg_ref[0, :NN, :]
    hi = agg_ref[1, :NN, :]
    b0 = b0_ref[...]
    x0lo = jnp.maximum(lo * d0i + b0[:, :HALF], 0.0)
    x0hi = jnp.maximum(hi * d0i + b0[:, HALF:], 0.0)
    mxlo = jnp.max(x0lo, axis=0, keepdims=True)
    mxhi = jnp.max(x0hi, axis=0, keepdims=True)
    r = jnp.dot(mxlo, wl_ref[:HALF, :], preferred_element_type=F32)
    r = r + jnp.dot(mxhi, wl_ref[HALF:, :], preferred_element_type=F32)
    out_ref[...] = r + bl_ref[...]


def _tc_final(agg, d0i_col, b0, wl, bl):
    return pl.pallas_call(
        _final_body,
        out_shape=jax.ShapeDtypeStruct((1, 1), F32),
    )(agg, d0i_col, b0, wl, bl)


def kernel(x_0, node_idx, edge_idx, W01_0, W10_0, b1_0, b0_0,
           W01_1, W10_1, b1_1, b0_1, W_lin, b_lin):
    i32 = jnp.int32
    pad = PADNNZ - NNZ
    nidx32 = node_idx.reshape(NW, PERW)
    eidx32 = edge_idx.reshape(NW, PERW)
    nidx_g = jnp.concatenate([node_idx, jnp.zeros((pad,), i32)]).reshape(16, CHUNKS, K)
    nidx_s = jnp.concatenate([node_idx, jnp.full((pad,), NN, i32)]).reshape(16, CHUNKS, K)
    eidx_g = jnp.concatenate([edge_idx, jnp.zeros((pad,), i32)]).reshape(16, CHUNKS, K)
    eidx_s = jnp.concatenate([edge_idx, jnp.full((pad,), NE, i32)]).reshape(16, CHUNKS, K)
    zeros = jnp.zeros((RDN // 16, 128), F32)
    zeros1 = jnp.zeros((RN * 128,), F32)

    dnp, dep = _deg(nidx32, eidx32, zeros1)
    dnp = dnp.reshape(NW, RN, 128)
    dep = dep.reshape(NW, RE, 128)
    ncard, ecard = _tc_cards(dnp, dep)

    d0p, d1p = _dsum(nidx32, eidx32, ncard.reshape(RN * 128), ecard.reshape(RE * 128), zeros1)
    d0i, d1i = _tc_dinv(d0p.reshape(NW, RN, 128), d1p.reshape(NW, RE, 128))
    d0i_col = d0i.reshape(RN * 128, 1)[:NN]
    d1i_col = d1i.reshape(RE * 128, 1)[:NE]
    nc_col = ncard.reshape(RN * 128, 1)[:NN]
    ec_col = ecard.reshape(RE * 128, 1)[:NE]
    b1_0r = b1_0.reshape(1, HID)
    b0_0r = b0_0.reshape(1, HID)
    b1_1r = b1_1.reshape(1, HID)
    b0_1r = b0_1.reshape(1, HID)

    m0 = _tc_l0(x_0, W01_0, nc_col)
    a1 = _spmm_edge(m0, nidx_g, eidx_s, zeros)
    m1 = _tc_edge(a1, d1i_col, b1_0r, W10_0, ec_col)
    a0 = _spmm_node(m1, eidx_g, nidx_s, zeros)
    m2 = _tc_node(a0, d0i_col, b0_0r, W01_1, nc_col)
    a2 = _spmm_edge(m2, nidx_g, eidx_s, zeros)
    m3 = _tc_edge(a2, d1i_col, b1_1r, W10_1, ec_col)
    a3 = _spmm_node(m3, eidx_g, nidx_s, zeros)
    out = _tc_final(a3, d0i_col, b0_1r, W_lin, b_lin.reshape(1, 1))
    return out.reshape(1)

# --- scband reference (transcript-rebuilt; emitter-appended) ---
"""Pipeline reference for scband-hnhnmodel-18803366822573 (READ-ONLY COPY).

The authoritative reference and input builder live on the scoring server;
editing this copy changes nothing except your own understanding.
"""

import jax, jax.numpy as jnp
import numpy as np

N_NODES = 10000
N_HYPEREDGES = 2500
NNZ = 320000
IN_CH = 128
HID = 256
ALPHA = -1.5
BETA = -0.5


def _glorot(k, shape):
    lim = float(np.sqrt(6.0 / (shape[0] + shape[1])))
    return jax.random.uniform(k, shape, jnp.float32, -lim, lim)


def setup_inputs(seed: int = 0):
    key = jax.random.key(seed)
    ks = jax.random.split(key, 16)
    inp = {}
    inp["x_0"] = jax.random.normal(ks[0], (N_NODES, IN_CH), dtype=jnp.float32)
    inp["node_idx"] = jax.random.randint(ks[1], (NNZ,), 0, N_NODES, dtype=jnp.int32)
    inp["edge_idx"] = jax.random.randint(ks[2], (NNZ,), 0, N_HYPEREDGES, dtype=jnp.int32)
    inp["W01_0"] = _glorot(ks[3], (IN_CH, HID))
    inp["W10_0"] = _glorot(ks[4], (HID, HID))
    inp["b1_0"] = jax.random.uniform(ks[5], (HID,), jnp.float32, -0.1, 0.1)
    inp["b0_0"] = jax.random.uniform(ks[6], (HID,), jnp.float32, -0.1, 0.1)
    inp["W01_1"] = _glorot(ks[7], (HID, HID))
    inp["W10_1"] = _glorot(ks[8], (HID, HID))
    inp["b1_1"] = jax.random.uniform(ks[9], (HID,), jnp.float32, -0.1, 0.1)
    inp["b0_1"] = jax.random.uniform(ks[10], (HID,), jnp.float32, -0.1, 0.1)
    inp["W_lin"] = _glorot(ks[11], (HID, 1))
    inp["b_lin"] = jnp.zeros((1,), jnp.float32)
    return inp


def _norm_vals(node_idx, edge_idx):
    # HNHN normalized incidence: B1_norm = D0_left_alpha^-1 @ B1 @ D1_right_alpha,
    # B1T_norm = D1_left_beta^-1 @ B1^T @ D0_right_beta, expressed per COO membership.
    ones = jnp.ones(node_idx.shape[0], jnp.float32)
    deg_e = jax.ops.segment_sum(ones, edge_idx, num_segments=N_HYPEREDGES)
    deg_n = jax.ops.segment_sum(ones, node_idx, num_segments=N_NODES)
    edge_card = jnp.where(deg_e > 0, deg_e, 1.0) ** ALPHA
    node_card = jnp.where(deg_n > 0, deg_n, 1.0) ** BETA
    d0_inv = 1.0 / jnp.maximum(jax.ops.segment_sum(edge_card[edge_idx], node_idx, num_segments=N_NODES), 1e-12)
    d1_inv = 1.0 / jnp.maximum(jax.ops.segment_sum(node_card[node_idx], edge_idx, num_segments=N_HYPEREDGES), 1e-12)
    b_vals = d0_inv[node_idx] * edge_card[edge_idx]
    bt_vals = d1_inv[edge_idx] * node_card[node_idx]
    return b_vals, bt_vals


def _hnhn_layer(x0, W01, W10, b1, b0, node_idx, edge_idx, b_vals, bt_vals):
    # conv_0_to_1: x_1 = B1T_norm @ (x_0 @ W01)
    m01 = x0 @ W01
    x1 = jax.ops.segment_sum(m01[node_idx] * bt_vals[:, None], edge_idx, num_segments=N_HYPEREDGES)
    x1 = jax.nn.relu(x1 + b1)
    # conv_1_to_0: x_0 = B1_norm @ (x_1 @ W10)
    m10 = x1 @ W10
    x0n = jax.ops.segment_sum(m10[edge_idx] * b_vals[:, None], node_idx, num_segments=N_NODES)
    x0n = jax.nn.relu(x0n + b0)
    return x0n, x1


def reference(x_0, node_idx, edge_idx, W01_0, W10_0, b1_0, b0_0, W01_1, W10_1, b1_1, b0_1, W_lin, b_lin):
    b_vals, bt_vals = _norm_vals(node_idx, edge_idx)
    x0, x1 = _hnhn_layer(x_0, W01_0, W10_0, b1_0, b0_0, node_idx, edge_idx, b_vals, bt_vals)
    x0, x1 = _hnhn_layer(x0, W01_1, W10_1, b1_1, b0_1, node_idx, edge_idx, b_vals, bt_vals)
    x = jnp.max(x0, axis=0)
    return x @ W_lin + b_lin

if __name__ == "__main__":
    import jax
    _d = setup_inputs()
    print(jax.jit(kernel)(*tuple(_d.values())))

</pallas_src>

<mosaic_0001>
#map = affine_map<(d0, d1) -> (0, 0)>
#map1 = affine_map<(d0, d1) -> (0)>
#map2 = affine_map<(d0, d1) -> (0, 0, 0)>
module attributes {stable_mosaic.version = 14 : i64} {
  func.func @_dsum(%arg0: i32, %arg1: i32, %arg2: memref<32x10000xi32, #tpu.memory_space<hbm>>, %arg3: memref<32x10000xi32, #tpu.memory_space<hbm>>, %arg4: memref<10240xf32, #tpu.memory_space<hbm>>, %arg5: memref<3072xf32, #tpu.memory_space<hbm>>, %arg6: memref<10240xf32, #tpu.memory_space<hbm>>, %arg7: memref<2x16x10240xf32, #tpu.memory_space<hbm>>, %arg8: memref<2x16x3072xf32, #tpu.memory_space<hbm>>, %arg9: memref<10000xi32, #tpu.memory_space<vmem>>, %arg10: memref<10000xi32, #tpu.memory_space<vmem>>, %arg11: memref<10240xf32, #tpu.memory_space<vmem>>, %arg12: memref<3072xf32, #tpu.memory_space<vmem>>, %arg13: memref<10240xf32, #tpu.memory_space<vmem>>, %arg14: memref<3072xf32, #tpu.memory_space<vmem>>) attributes {dimension_semantics = [#tpu.dimension_semantics<core_parallel>, #tpu.dimension_semantics<subcore_parallel>], iteration_bounds = array<i64: 2, 16>, scalar_prefetch = 0 : i64, scratch_operands = 6 : i64, tpu.core_type = #tpu.core_type<sc_vector_subcore>, window_params = [{transform_indices = #map}, {transform_indices = #map}, {transform_indices = #map1}, {transform_indices = #map1}, {transform_indices = #map1}, {transform_indices = #map2}, {transform_indices = #map2}]} {
    %mul3A = arith.constant 2 : i32
    %mul3A_0 = arith.muli %arg1, %mul3A : i32
    %add3A = arith.addi %mul3A_0, %arg0 : i32
    "tpu.region"() ({
      %run_scoped3A = tpu.sem_alloc : memref<!tpu.dma_semaphore, #tpu.memory_space<semaphore_mem>>
      %dma_start3A = arith.constant 0 : i32
      %dma_start3A_6 = tpu.memref_slice %arg2[%add3A, %dma_start3A] : memref<32x10000xi32, #tpu.memory_space<hbm>> -> memref<1x10000xi32, #tpu.memory_space<hbm>>
      %dma_start3A_7 = tpu.memref_squeeze %dma_start3A_6 : memref<1x10000xi32, #tpu.memory_space<hbm>> -> memref<10000xi32, #tpu.memory_space<hbm>>
      %dma_start3A_8 = arith.constant 0 : i32
      %dma_start3A_9 = tpu.memref_slice %arg2[%add3A, %dma_start3A_8] : memref<32x10000xi32, #tpu.memory_space<hbm>> -> memref<1x10000xi32, #tpu.memory_space<hbm>>
      %dma_start3A_10 = tpu.memref_squeeze %dma_start3A_9 : memref<1x10000xi32, #tpu.memory_space<hbm>> -> memref<10000xi32, #tpu.memory_space<hbm>>
      tpu.enqueue_dma source(%dma_start3A_10 : memref<10000xi32, #tpu.memory_space<hbm>>) target(%arg9 : memref<10000xi32, #tpu.memory_space<vmem>>) target_semaphore(%run_scoped3A : memref<!tpu.dma_semaphore, #tpu.memory_space<semaphore_mem>>)
      %dma_wait3A = arith.constant 0 : i32
      %dma_wait3A_11 = tpu.memref_slice %arg2[%add3A, %dma_wait3A] : memref<32x10000xi32, #tpu.memory_space<hbm>> -> memref<1x10000xi32, #tpu.memory_space<hbm>>
      %dma_wait3A_12 = tpu.memref_squeeze %dma_wait3A_11 : memref<1x10000xi32, #tpu.memory_space<hbm>> -> memref<10000xi32, #tpu.memory_space<hbm>>
      %dma_wait3A_13 = arith.constant 0 : i32
      %dma_wait3A_14 = tpu.memref_slice %arg2[%add3A, %dma_wait3A_13] : memref<32x10000xi32, #tpu.memory_space<hbm>> -> memref<1x10000xi32, #tpu.memory_space<hbm>>
      %dma_wait3A_15 = tpu.memref_squeeze %dma_wait3A_14 : memref<1x10000xi32, #tpu.memory_space<hbm>> -> memref<10000xi32, #tpu.memory_space<hbm>>
      tpu.wait_dma2 semaphore(%run_scoped3A : memref<!tpu.dma_semaphore, #tpu.memory_space<semaphore_mem>>) src(%dma_wait3A_15 : memref<10000xi32, #tpu.memory_space<hbm>>) dst(%arg9 : memref<10000xi32, #tpu.memory_space<vmem>>)
      tpu.yield
    }) : () -> ()
    "tpu.region"() ({
      %run_scoped3A = tpu.sem_alloc : memref<!tpu.dma_semaphore, #tpu.memory_space<semaphore_mem>>
      %dma_start3A = arith.constant 0 : i32
      %dma_start3A_6 = tpu.memref_slice %arg3[%add3A, %dma_start3A] : memref<32x10000xi32, #tpu.memory_space<hbm>> -> memref<1x10000xi32, #tpu.memory_space<hbm>>
      %dma_start3A_7 = tpu.memref_squeeze %dma_start3A_6 : memref<1x10000xi32, #tpu.memory_space<hbm>> -> memref<10000xi32, #tpu.memory_space<hbm>>
      %dma_start3A_8 = arith.constant 0 : i32
      %dma_start3A_9 = tpu.memref_slice %arg3[%add3A, %dma_start3A_8] : memref<32x10000xi32, #tpu.memory_space<hbm>> -> memref<1x10000xi32, #tpu.memory_space<hbm>>
      %dma_start3A_10 = tpu.memref_squeeze %dma_start3A_9 : memref<1x10000xi32, #tpu.memory_space<hbm>> -> memref<10000xi32, #tpu.memory_space<hbm>>
      tpu.enqueue_dma source(%dma_start3A_10 : memref<10000xi32, #tpu.memory_space<hbm>>) target(%arg10 : memref<10000xi32, #tpu.memory_space<vmem>>) target_semaphore(%run_scoped3A : memref<!tpu.dma_semaphore, #tpu.memory_space<semaphore_mem>>)
      %dma_wait3A = arith.constant 0 : i32
      %dma_wait3A_11 = tpu.memref_slice %arg3[%add3A, %dma_wait3A] : memref<32x10000xi32, #tpu.memory_space<hbm>> -> memref<1x10000xi32, #tpu.memory_space<hbm>>
      %dma_wait3A_12 = tpu.memref_squeeze %dma_wait3A_11 : memref<1x10000xi32, #tpu.memory_space<hbm>> -> memref<10000xi32, #tpu.memory_space<hbm>>
      %dma_wait3A_13 = arith.constant 0 : i32
      %dma_wait3A_14 = tpu.memref_slice %arg3[%add3A, %dma_wait3A_13] : memref<32x10000xi32, #tpu.memory_space<hbm>> -> memref<1x10000xi32, #tpu.memory_space<hbm>>
      %dma_wait3A_15 = tpu.memref_squeeze %dma_wait3A_14 : memref<1x10000xi32, #tpu.memory_space<hbm>> -> memref<10000xi32, #tpu.memory_space<hbm>>
      tpu.wait_dma2 semaphore(%run_scoped3A : memref<!tpu.dma_semaphore, #tpu.memory_space<semaphore_mem>>) src(%dma_wait3A_15 : memref<10000xi32, #tpu.memory_space<hbm>>) dst(%arg10 : memref<10000xi32, #tpu.memory_space<vmem>>)
      tpu.yield
    }) : () -> ()
    "tpu.region"() ({
      %run_scoped3A = tpu.sem_alloc : memref<!tpu.dma_semaphore, #tpu.memory_space<semaphore_mem>>
      tpu.enqueue_dma source(%arg4 : memref<10240xf32, #tpu.memory_space<hbm>>) target(%arg11 : memref<10240xf32, #tpu.memory_space<vmem>>) target_semaphore(%run_scoped3A : memref<!tpu.dma_semaphore, #tpu.memory_space<semaphore_mem>>)
      tpu.wait_dma2 semaphore(%run_scoped3A : memref<!tpu.dma_semaphore, #tpu.memory_space<semaphore_mem>>) src(%arg4 : memref<10240xf32, #tpu.memory_space<hbm>>) dst(%arg11 : memref<10240xf32, #tpu.memory_space<vmem>>)
      tpu.yield
    }) : () -> ()
    "tpu.region"() ({
      %run_scoped3A = tpu.sem_alloc : memref<!tpu.dma_semaphore, #tpu.memory_space<semaphore_mem>>
      tpu.enqueue_dma source(%arg5 : memref<3072xf32, #tpu.memory_space<hbm>>) target(%arg12 : memref<3072xf32, #tpu.memory_space<vmem>>) target_semaphore(%run_scoped3A : memref<!tpu.dma_semaphore, #tpu.memory_space<semaphore_mem>>)
      tpu.wait_dma2 semaphore(%run_scoped3A : memref<!tpu.dma_semaphore, #tpu.memory_space<semaphore_mem>>) src(%arg5 : memref<3072xf32, #tpu.memory_space<hbm>>) dst(%arg12 : memref<3072xf32, #tpu.memory_space<vmem>>)
      tpu.yield
    }) : () -> ()
    "tpu.region"() ({
      %run_scoped3A = tpu.sem_alloc : memref<!tpu.dma_semaphore, #tpu.memory_space<semaphore_mem>>
      %dma_start3A = arith.constant 0 : i32
      %dma_start3A_6 = tpu.memref_slice %arg6[%dma_start3A] : memref<10240xf32, #tpu.memory_space<hbm>> -> memref<10240xf32, #tpu.memory_space<hbm>>
      %dma_start3A_7 = arith.constant 0 : i32
      %dma_start3A_8 = tpu.memref_slice %arg6[%dma_start3A_7] : memref<10240xf32, #tpu.memory_space<hbm>> -> memref<10240xf32, #tpu.memory_space<hbm>>
      tpu.enqueue_dma source(%dma_start3A_8 : memref<10240xf32, #tpu.memory_space<hbm>>) target(%arg13 : memref<10240xf32, #tpu.memory_space<vmem>>) target_semaphore(%run_scoped3A : memref<!tpu.dma_semaphore, #tpu.memory_space<semaphore_mem>>)
      %dma_wait3A = arith.constant 0 : i32
      %dma_wait3A_9 = tpu.memref_slice %arg6[%dma_wait3A] : memref<10240xf32, #tpu.memory_space<hbm>> -> memref<10240xf32, #tpu.memory_space<hbm>>
      %dma_wait3A_10 = arith.constant 0 : i32
      %dma_wait3A_11 = tpu.memref_slice %arg6[%dma_wait3A_10] : memref<10240xf32, #tpu.memory_space<hbm>> -> memref<10240xf32, #tpu.memory_space<hbm>>
      tpu.wait_dma2 semaphore(%run_scoped3A : memref<!tpu.dma_semaphore, #tpu.memory_space<semaphore_mem>>) src(%dma_wait3A_11 : memref<10240xf32, #tpu.memory_space<hbm>>) dst(%arg13 : memref<10240xf32, #tpu.memory_space<vmem>>)
      tpu.yield
    }) : () -> ()
    "tpu.region"() ({
      %run_scoped3A = tpu.sem_alloc : memref<!tpu.dma_semaphore, #tpu.memory_space<semaphore_mem>>
      %dma_start3A = arith.constant 0 : i32
      %dma_start3A_6 = tpu.memref_slice %arg6[%dma_start3A] : memref<10240xf32, #tpu.memory_space<hbm>> -> memref<3072xf32, #tpu.memory_space<hbm>>
      %dma_start3A_7 = arith.constant 0 : i32
      %dma_start3A_8 = tpu.memref_slice %arg6[%dma_start3A_7] : memref<10240xf32, #tpu.memory_space<hbm>> -> memref<3072xf32, #tpu.memory_space<hbm>>
      tpu.enqueue_dma source(%dma_start3A_8 : memref<3072xf32, #tpu.memory_space<hbm>>) target(%arg14 : memref<3072xf32, #tpu.memory_space<vmem>>) target_semaphore(%run_scoped3A : memref<!tpu.dma_semaphore, #tpu.memory_space<semaphore_mem>>)
      %dma_wait3A = arith.constant 0 : i32
      %dma_wait3A_9 = tpu.memref_slice %arg6[%dma_wait3A] : memref<10240xf32, #tpu.memory_space<hbm>> -> memref<3072xf32, #tpu.memory_space<hbm>>
      %dma_wait3A_10 = arith.constant 0 : i32
      %dma_wait3A_11 = tpu.memref_slice %arg6[%dma_wait3A_10] : memref<10240xf32, #tpu.memory_space<hbm>> -> memref<3072xf32, #tpu.memory_space<hbm>>
      tpu.wait_dma2 semaphore(%run_scoped3A : memref<!tpu.dma_semaphore, #tpu.memory_space<semaphore_mem>>) src(%dma_wait3A_11 : memref<3072xf32, #tpu.memory_space<hbm>>) dst(%arg14 : memref<3072xf32, #tpu.memory_space<vmem>>)
      tpu.yield
    }) : () -> ()
    %scan3A = arith.constant 0 : i32
    %scan3A_1 = arith.constant 0 : i32
    %scan3A_2 = arith.constant 625 : i32
    %scan3A_3 = arith.addi %scan3A_1, %scan3A_2 : i32
    %scan3A_4 = arith.constant 1 : i32
    scf.for %scan3A_6 = %scan3A_1 to %scan3A_3 step %scan3A_4  : i32 {
      %mul3A_7 = arith.constant 16 : i32
      %mul3A_8 = arith.muli %scan3A_6, %mul3A_7 : i32
      %get3A = arith.index_cast %mul3A_8 : i32 to index
      %get3A_9 = tpu.vector_load %arg9[%get3A] {strides = array<i32>} : memref<10000xi32, #tpu.memory_space<vmem>>, vector<16xi32>,
      %mul3A_10 = arith.constant 16 : i32
      %mul3A_11 = arith.muli %scan3A_6, %mul3A_10 : i32
      %get3A_12 = arith.index_cast %mul3A_11 : i32 to index
      %get3A_13 = tpu.vector_load %arg10[%get3A_12] {strides = array<i32>} : memref<10000xi32, #tpu.memory_space<vmem>>, vector<16xi32>,
      %gather3A = tpu.vector_load_idx %arg12[%get3A_13] : memref<3072xf32, #tpu.memory_space<vmem>>[vector<16xi32>], vector<16xf32>,
      tpu.vector_store_idx %arg13[%get3A_9], %gather3A {add = true} : memref<10240xf32, #tpu.memory_space<vmem>>[vector<16xi32>], vector<16xf32>,
      %gather3A_14 = tpu.vector_load_idx %arg11[%get3A_9] : memref<10240xf32, #tpu.memory_space<vmem>>[vector<16xi32>], vector<16xf32>,
      tpu.vector_store_idx %arg14[%get3A_13], %gather3A_14 {add = true} : memref<3072xf32, #tpu.memory_space<vmem>>[vector<16xi32>], vector<16xf32>,
    }
    %scan3A_5 = arith.constant 625 : i32
    "tpu.region"() ({
      %run_scoped3A = tpu.sem_alloc : memref<!tpu.dma_semaphore, #tpu.memory_space<semaphore_mem>>
      %dma_start3A = arith.constant 0 : i32
      %dma_start3A_6 = tpu.memref_slice %arg7[%arg0, %arg1, %dma_start3A] : memref<2x16x10240xf32, #tpu.memory_space<hbm>> -> memref<1x1x10240xf32, #tpu.memory_space<hbm>>
      %dma_start3A_7 = tpu.memref_squeeze %dma_start3A_6 : memref<1x1x10240xf32, #tpu.memory_space<hbm>> -> memref<10240xf32, #tpu.memory_space<hbm>>
      %dma_start3A_8 = arith.constant 0 : i32
      %dma_start3A_9 = tpu.memref_slice %arg7[%arg0, %arg1, %dma_start3A_8] : memref<2x16x10240xf32, #tpu.memory_space<hbm>> -> memref<1x1x10240xf32, #tpu.memory_space<hbm>>
      %dma_start3A_10 = tpu.memref_squeeze %dma_start3A_9 : memref<1x1x10240xf32, #tpu.memory_space<hbm>> -> memref<10240xf32, #tpu.memory_space<hbm>>
      tpu.enqueue_dma source(%arg13 : memref<10240xf32, #tpu.memory_space<vmem>>) target(%dma_start3A_10 : memref<10240xf32, #tpu.memory_space<hbm>>) target_semaphore(%run_scoped3A : memref<!tpu.dma_semaphore, #tpu.memory_space<semaphore_mem>>)
      %dma_wait3A = arith.constant 0 : i32
      %dma_wait3A_11 = tpu.memref_slice %arg7[%arg0, %arg1, %dma_wait3A] : memref<2x16x10240xf32, #tpu.memory_space<hbm>> -> memref<1x1x10240xf32, #tpu.memory_space<hbm>>
      %dma_wait3A_12 = tpu.memref_squeeze %dma_wait3A_11 : memref<1x1x10240xf32, #tpu.memory_space<hbm>> -> memref<10240xf32, #tpu.memory_space<hbm>>
      %dma_wait3A_13 = arith.constant 0 : i32
      %dma_wait3A_14 = tpu.memref_slice %arg7[%arg0, %arg1, %dma_wait3A_13] : memref<2x16x10240xf32, #tpu.memory_space<hbm>> -> memref<1x1x10240xf32, #tpu.memory_space<hbm>>
      %dma_wait3A_15 = tpu.memref_squeeze %dma_wait3A_14 : memref<1x1x10240xf32, #tpu.memory_space<hbm>> -> memref<10240xf32, #tpu.memory_space<hbm>>
      tpu.wait_dma2 semaphore(%run_scoped3A : memref<!tpu.dma_semaphore, #tpu.memory_space<semaphore_mem>>) src(%arg13 : memref<10240xf32, #tpu.memory_space<vmem>>) dst(%dma_wait3A_15 : memref<10240xf32, #tpu.memory_space<hbm>>)
      tpu.yield
    }) : () -> ()
    "tpu.region"() ({
      %run_scoped3A = tpu.sem_alloc : memref<!tpu.dma_semaphore, #tpu.memory_space<semaphore_mem>>
      %dma_start3A = arith.constant 0 : i32
      %dma_start3A_6 = tpu.memref_slice %arg8[%arg0, %arg1, %dma_start3A] : memref<2x16x3072xf32, #tpu.memory_space<hbm>> -> memref<1x1x3072xf32, #tpu.memory_space<hbm>>
      %dma_start3A_7 = tpu.memref_squeeze %dma_start3A_6 : memref<1x1x3072xf32, #tpu.memory_space<hbm>> -> memref<3072xf32, #tpu.memory_space<hbm>>
      %dma_start3A_8 = arith.constant 0 : i32
      %dma_start3A_9 = tpu.memref_slice %arg8[%arg0, %arg1, %dma_start3A_8] : memref<2x16x3072xf32, #tpu.memory_space<hbm>> -> memref<1x1x3072xf32, #tpu.memory_space<hbm>>
      %dma_start3A_10 = tpu.memref_squeeze %dma_start3A_9 : memref<1x1x3072xf32, #tpu.memory_space<hbm>> -> memref<3072xf32, #tpu.memory_space<hbm>>
      tpu.enqueue_dma source(%arg14 : memref<3072xf32, #tpu.memory_space<vmem>>) target(%dma_start3A_10 : memref<3072xf32, #tpu.memory_space<hbm>>) target_semaphore(%run_scoped3A : memref<!tpu.dma_semaphore, #tpu.memory_space<semaphore_mem>>)
      %dma_wait3A = arith.constant 0 : i32
      %dma_wait3A_11 = tpu.memref_slice %arg8[%arg0, %arg1, %dma_wait3A] : memref<2x16x3072xf32, #tpu.memory_space<hbm>> -> memref<1x1x3072xf32, #tpu.memory_space<hbm>>
      %dma_wait3A_12 = tpu.memref_squeeze %dma_wait3A_11 : memref<1x1x3072xf32, #tpu.memory_space<hbm>> -> memref<3072xf32, #tpu.memory_space<hbm>>
      %dma_wait3A_13 = arith.constant 0 : i32
      %dma_wait3A_14 = tpu.memref_slice %arg8[%arg0, %arg1, %dma_wait3A_13] : memref<2x16x3072xf32, #tpu.memory_space<hbm>> -> memref<1x1x3072xf32, #tpu.memory_space<hbm>>
      %dma_wait3A_15 = tpu.memref_squeeze %dma_wait3A_14 : memref<1x1x3072xf32, #tpu.memory_space<hbm>> -> memref<3072xf32, #tpu.memory_space<hbm>>
      tpu.wait_dma2 semaphore(%run_scoped3A : memref<!tpu.dma_semaphore, #tpu.memory_space<semaphore_mem>>) src(%arg14 : memref<3072xf32, #tpu.memory_space<vmem>>) dst(%dma_wait3A_15 : memref<3072xf32, #tpu.memory_space<hbm>>)
      tpu.yield
    }) : () -> ()
    return
  }
}

#map = affine_map<(d0, d1) -> (0, 0)>
#map1 = affine_map<(d0, d1) -> (0)>
#map2 = affine_map<(d0, d1) -> (0, 0, 0)>
module attributes {stable_mosaic.version = 14 : i64} {
  func.func @_deg(%arg0: i32, %arg1: i32, %arg2: memref<32x10000xi32, #tpu.memory_space<hbm>>, %arg3: memref<32x10000xi32, #tpu.memory_space<hbm>>, %arg4: memref<10240xf32, #tpu.memory_space<hbm>>, %arg5: memref<2x16x10240xf32, #tpu.memory_space<hbm>>, %arg6: memref<2x16x3072xf32, #tpu.memory_space<hbm>>, %arg7: memref<10000xi32, #tpu.memory_space<vmem>>, %arg8: memref<10000xi32, #tpu.memory_space<vmem>>, %arg9: memref<10240xf32, #tpu.memory_space<vmem>>, %arg10: memref<3072xf32, #tpu.memory_space<vmem>>) attributes {dimension_semantics = [#tpu.dimension_semantics<core_parallel>, #tpu.dimension_semantics<subcore_parallel>], iteration_bounds = array<i64: 2, 16>, scalar_prefetch = 0 : i64, scratch_operands = 4 : i64, tpu.core_type = #tpu.core_type<sc_vector_subcore>, window_params = [{transform_indices = #map}, {transform_indices = #map}, {transform_indices = #map1}, {transform_indices = #map2}, {transform_indices = #map2}]} {
    %mul3A = arith.constant 2 : i32
    %mul3A_0 = arith.muli %arg1, %mul3A : i32
    %add3A = arith.addi %mul3A_0, %arg0 : i32
    "tpu.region"() ({
      %run_scoped3A = tpu.sem_alloc : memref<!tpu.dma_semaphore, #tpu.memory_space<semaphore_mem>>
      %dma_start3A = arith.constant 0 : i32
      %dma_start3A_7 = tpu.memref_slice %arg2[%add3A, %dma_start3A] : memref<32x10000xi32, #tpu.memory_space<hbm>> -> memref<1x10000xi32, #tpu.memory_space<hbm>>
      %dma_start3A_8 = tpu.memref_squeeze %dma_start3A_7 : memref<1x10000xi32, #tpu.memory_space<hbm>> -> memref<10000xi32, #tpu.memory_space<hbm>>
      %dma_start3A_9 = arith.constant 0 : i32
      %dma_start3A_10 = tpu.memref_slice %arg2[%add3A, %dma_start3A_9] : memref<32x10000xi32, #tpu.memory_space<hbm>> -> memref<1x10000xi32, #tpu.memory_space<hbm>>
      %dma_start3A_11 = tpu.memref_squeeze %dma_start3A_10 : memref<1x10000xi32, #tpu.memory_space<hbm>> -> memref<10000xi32, #tpu.memory_space<hbm>>
      tpu.enqueue_dma source(%dma_start3A_11 : memref<10000xi32, #tpu.memory_space<hbm>>) target(%arg7 : memref<10000xi32, #tpu.memory_space<vmem>>) target_semaphore(%run_scoped3A : memref<!tpu.dma_semaphore, #tpu.memory_space<semaphore_mem>>)
      %dma_wait3A = arith.constant 0 : i32
      %dma_wait3A_12 = tpu.memref_slice %arg2[%add3A, %dma_wait3A] : memref<32x10000xi32, #tpu.memory_space<hbm>> -> memref<1x10000xi32, #tpu.memory_space<hbm>>
      %dma_wait3A_13 = tpu.memref_squeeze %dma_wait3A_12 : memref<1x10000xi32, #tpu.memory_space<hbm>> -> memref<10000xi32, #tpu.memory_space<hbm>>
      %dma_wait3A_14 = arith.constant 0 : i32
      %dma_wait3A_15 = tpu.memref_slice %arg2[%add3A, %dma_wait3A_14] : memref<32x10000xi32, #tpu.memory_space<hbm>> -> memref<1x10000xi32, #tpu.memory_space<hbm>>
      %dma_wait3A_16 = tpu.memref_squeeze %dma_wait3A_15 : memref<1x10000xi32, #tpu.memory_space<hbm>> -> memref<10000xi32, #tpu.memory_space<hbm>>
      tpu.wait_dma2 semaphore(%run_scoped3A : memref<!tpu.dma_semaphore, #tpu.memory_space<semaphore_mem>>) src(%dma_wait3A_16 : memref<10000xi32, #tpu.memory_space<hbm>>) dst(%arg7 : memref<10000xi32, #tpu.memory_space<vmem>>)
      tpu.yield
    }) : () -> ()
    "tpu.region"() ({
      %run_scoped3A = tpu.sem_alloc : memref<!tpu.dma_semaphore, #tpu.memory_space<semaphore_mem>>
      %dma_start3A = arith.constant 0 : i32
      %dma_start3A_7 = tpu.memref_slice %arg3[%add3A, %dma_start3A] : memref<32x10000xi32, #tpu.memory_space<hbm>> -> memref<1x10000xi32, #tpu.memory_space<hbm>>
      %dma_start3A_8 = tpu.memref_squeeze %dma_start3A_7 : memref<1x10000xi32, #tpu.memory_space<hbm>> -> memref<10000xi32, #tpu.memory_space<hbm>>
      %dma_start3A_9 = arith.constant 0 : i32
      %dma_start3A_10 = tpu.memref_slice %arg3[%add3A, %dma_start3A_9] : memref<32x10000xi32, #tpu.memory_space<hbm>> -> memref<1x10000xi32, #tpu.memory_space<hbm>>
      %dma_start3A_11 = tpu.memref_squeeze %dma_start3A_10 : memref<1x10000xi32, #tpu.memory_space<hbm>> -> memref<10000xi32, #tpu.memory_space<hbm>>
      tpu.enqueue_dma source(%dma_start3A_11 : memref<10000xi32, #tpu.memory_space<hbm>>) target(%arg8 : memref<10000xi32, #tpu.memory_space<vmem>>) target_semaphore(%run_scoped3A : memref<!tpu.dma_semaphore, #tpu.memory_space<semaphore_mem>>)
      %dma_wait3A = arith.constant 0 : i32
      %dma_wait3A_12 = tpu.memref_slice %arg3[%add3A, %dma_wait3A] : memref<32x10000xi32, #tpu.memory_space<hbm>> -> memref<1x10000xi32, #tpu.memory_space<hbm>>
      %dma_wait3A_13 = tpu.memref_squeeze %dma_wait3A_12 : memref<1x10000xi32, #tpu.memory_space<hbm>> -> memref<10000xi32, #tpu.memory_space<hbm>>
      %dma_wait3A_14 = arith.constant 0 : i32
      %dma_wait3A_15 = tpu.memref_slice %arg3[%add3A, %dma_wait3A_14] : memref<32x10000xi32, #tpu.memory_space<hbm>> -> memref<1x10000xi32, #tpu.memory_space<hbm>>
      %dma_wait3A_16 = tpu.memref_squeeze %dma_wait3A_15 : memref<1x10000xi32, #tpu.memory_space<hbm>> -> memref<10000xi32, #tpu.memory_space<hbm>>
      tpu.wait_dma2 semaphore(%run_scoped3A : memref<!tpu.dma_semaphore, #tpu.memory_space<semaphore_mem>>) src(%dma_wait3A_16 : memref<10000xi32, #tpu.memory_space<hbm>>) dst(%arg8 : memref<10000xi32, #tpu.memory_space<vmem>>)
      tpu.yield
    }) : () -> ()
    "tpu.region"() ({
      %run_scoped3A = tpu.sem_alloc : memref<!tpu.dma_semaphore, #tpu.memory_space<semaphore_mem>>
      %dma_start3A = arith.constant 0 : i32
      %dma_start3A_7 = tpu.memref_slice %arg4[%dma_start3A] : memref<10240xf32, #tpu.memory_space<hbm>> -> memref<10240xf32, #tpu.memory_space<hbm>>
      %dma_start3A_8 = arith.constant 0 : i32
      %dma_start3A_9 = tpu.memref_slice %arg4[%dma_start3A_8] : memref<10240xf32, #tpu.memory_space<hbm>> -> memref<10240xf32, #tpu.memory_space<hbm>>
      tpu.enqueue_dma source(%dma_start3A_9 : memref<10240xf32, #tpu.memory_space<hbm>>) target(%arg9 : memref<10240xf32, #tpu.memory_space<vmem>>) target_semaphore(%run_scoped3A : memref<!tpu.dma_semaphore, #tpu.memory_space<semaphore_mem>>)
      %dma_wait3A = arith.constant 0 : i32
      %dma_wait3A_10 = tpu.memref_slice %arg4[%dma_wait3A] : memref<10240xf32, #tpu.memory_space<hbm>> -> memref<10240xf32, #tpu.memory_space<hbm>>
      %dma_wait3A_11 = arith.constant 0 : i32
      %dma_wait3A_12 = tpu.memref_slice %arg4[%dma_wait3A_11] : memref<10240xf32, #tpu.memory_space<hbm>> -> memref<10240xf32, #tpu.memory_space<hbm>>
      tpu.wait_dma2 semaphore(%run_scoped3A : memref<!tpu.dma_semaphore, #tpu.memory_space<semaphore_mem>>) src(%dma_wait3A_12 : memref<10240xf32, #tpu.memory_space<hbm>>) dst(%arg9 : memref<10240xf32, #tpu.memory_space<vmem>>)
      tpu.yield
    }) : () -> ()
    "tpu.region"() ({
      %run_scoped3A = tpu.sem_alloc : memref<!tpu.dma_semaphore, #tpu.memory_space<semaphore_mem>>
      %dma_start3A = arith.constant 0 : i32
      %dma_start3A_7 = tpu.memref_slice %arg4[%dma_start3A] : memref<10240xf32, #tpu.memory_space<hbm>> -> memref<3072xf32, #tpu.memory_space<hbm>>
      %dma_start3A_8 = arith.constant 0 : i32
      %dma_start3A_9 = tpu.memref_slice %arg4[%dma_start3A_8] : memref<10240xf32, #tpu.memory_space<hbm>> -> memref<3072xf32, #tpu.memory_space<hbm>>
      tpu.enqueue_dma source(%dma_start3A_9 : memref<3072xf32, #tpu.memory_space<hbm>>) target(%arg10 : memref<3072xf32, #tpu.memory_space<vmem>>) target_semaphore(%run_scoped3A : memref<!tpu.dma_semaphore, #tpu.memory_space<semaphore_mem>>)
      %dma_wait3A = arith.constant 0 : i32
      %dma_wait3A_10 = tpu.memref_slice %arg4[%dma_wait3A] : memref<10240xf32, #tpu.memory_space<hbm>> -> memref<3072xf32, #tpu.memory_space<hbm>>
      %dma_wait3A_11 = arith.constant 0 : i32
      %dma_wait3A_12 = tpu.memref_slice %arg4[%dma_wait3A_11] : memref<10240xf32, #tpu.memory_space<hbm>> -> memref<3072xf32, #tpu.memory_space<hbm>>
      tpu.wait_dma2 semaphore(%run_scoped3A : memref<!tpu.dma_semaphore, #tpu.memory_space<semaphore_mem>>) src(%dma_wait3A_12 : memref<3072xf32, #tpu.memory_space<hbm>>) dst(%arg10 : memref<3072xf32, #tpu.memory_space<vmem>>)
      tpu.yield
    }) : () -> ()
    %broadcast_in_dim3A = arith.constant 1.000000e+00 : f32
    %broadcast_in_dim3A_1 = vector.broadcast %broadcast_in_dim3A : f32 to vector<16xf32>
    %scan3A = arith.constant 0 : i32
    %scan3A_2 = arith.constant 0 : i32
    %scan3A_3 = arith.constant 625 : i32
    %scan3A_4 = arith.addi %scan3A_2, %scan3A_3 : i32
    %scan3A_5 = arith.constant 1 : i32
    scf.for %scan3A_7 = %scan3A_2 to %scan3A_4 step %scan3A_5  : i32 {
      %mul3A_8 = arith.constant 16 : i32
      %mul3A_9 = arith.muli %scan3A_7, %mul3A_8 : i32
      %get3A = arith.index_cast %mul3A_9 : i32 to index
      %get3A_10 = tpu.vector_load %arg7[%get3A] {strides = array<i32>} : memref<10000xi32, #tpu.memory_space<vmem>>, vector<16xi32>,
      %mul3A_11 = arith.constant 16 : i32
      %mul3A_12 = arith.muli %scan3A_7, %mul3A_11 : i32
      %get3A_13 = arith.index_cast %mul3A_12 : i32 to index
      %get3A_14 = tpu.vector_load %arg8[%get3A_13] {strides = array<i32>} : memref<10000xi32, #tpu.memory_space<vmem>>, vector<16xi32>,
      tpu.vector_store_idx %arg9[%get3A_10], %broadcast_in_dim3A_1 {add = true} : memref<10240xf32, #tpu.memory_space<vmem>>[vector<16xi32>], vector<16xf32>,
      tpu.vector_store_idx %arg10[%get3A_14], %broadcast_in_dim3A_1 {add = true} : memref<3072xf32, #tpu.memory_space<vmem>>[vector<16xi32>], vector<16xf32>,
    }
    %scan3A_6 = arith.constant 625 : i32
    "tpu.region"() ({
      %run_scoped3A = tpu.sem_alloc : memref<!tpu.dma_semaphore, #tpu.memory_space<semaphore_mem>>
      %dma_start3A = arith.constant 0 : i32
      %dma_start3A_7 = tpu.memref_slice %arg5[%arg0, %arg1, %dma_start3A] : memref<2x16x10240xf32, #tpu.memory_space<hbm>> -> memref<1x1x10240xf32, #tpu.memory_space<hbm>>
      %dma_start3A_8 = tpu.memref_squeeze %dma_start3A_7 : memref<1x1x10240xf32, #tpu.memory_space<hbm>> -> memref<10240xf32, #tpu.memory_space<hbm>>
      %dma_start3A_9 = arith.constant 0 : i32
      %dma_start3A_10 = tpu.memref_slice %arg5[%arg0, %arg1, %dma_start3A_9] : memref<2x16x10240xf32, #tpu.memory_space<hbm>> -> memref<1x1x10240xf32, #tpu.memory_space<hbm>>
      %dma_start3A_11 = tpu.memref_squeeze %dma_start3A_10 : memref<1x1x10240xf32, #tpu.memory_space<hbm>> -> memref<10240xf32, #tpu.memory_space<hbm>>
      tpu.enqueue_dma source(%arg9 : memref<10240xf32, #tpu.memory_space<vmem>>) target(%dma_start3A_11 : memref<10240xf32, #tpu.memory_space<hbm>>) target_semaphore(%run_scoped3A : memref<!tpu.dma_semaphore, #tpu.memory_space<semaphore_mem>>)
      %dma_wait3A = arith.constant 0 : i32
      %dma_wait3A_12 = tpu.memref_slice %arg5[%arg0, %arg1, %dma_wait3A] : memref<2x16x10240xf32, #tpu.memory_space<hbm>> -> memref<1x1x10240xf32, #tpu.memory_space<hbm>>
      %dma_wait3A_13 = tpu.memref_squeeze %dma_wait3A_12 : memref<1x1x10240xf32, #tpu.memory_space<hbm>> -> memref<10240xf32, #tpu.memory_space<hbm>>
      %dma_wait3A_14 = arith.constant 0 : i32
      %dma_wait3A_15 = tpu.memref_slice %arg5[%arg0, %arg1, %dma_wait3A_14] : memref<2x16x10240xf32, #tpu.memory_space<hbm>> -> memref<1x1x10240xf32, #tpu.memory_space<hbm>>
      %dma_wait3A_16 = tpu.memref_squeeze %dma_wait3A_15 : memref<1x1x10240xf32, #tpu.memory_space<hbm>> -> memref<10240xf32, #tpu.memory_space<hbm>>
      tpu.wait_dma2 semaphore(%run_scoped3A : memref<!tpu.dma_semaphore, #tpu.memory_space<semaphore_mem>>) src(%arg9 : memref<10240xf32, #tpu.memory_space<vmem>>) dst(%dma_wait3A_16 : memref<10240xf32, #tpu.memory_space<hbm>>)
      tpu.yield
    }) : () -> ()
    "tpu.region"() ({
      %run_scoped3A = tpu.sem_alloc : memref<!tpu.dma_semaphore, #tpu.memory_space<semaphore_mem>>
      %dma_start3A = arith.constant 0 : i32
      %dma_start3A_7 = tpu.memref_slice %arg6[%arg0, %arg1, %dma_start3A] : memref<2x16x3072xf32, #tpu.memory_space<hbm>> -> memref<1x1x3072xf32, #tpu.memory_space<hbm>>
      %dma_start3A_8 = tpu.memref_squeeze %dma_start3A_7 : memref<1x1x3072xf32, #tpu.memory_space<hbm>> -> memref<3072xf32, #tpu.memory_space<hbm>>
      %dma_start3A_9 = arith.constant 0 : i32
      %dma_start3A_10 = tpu.memref_slice %arg6[%arg0, %arg1, %dma_start3A_9] : memref<2x16x3072xf32, #tpu.memory_space<hbm>> -> memref<1x1x3072xf32, #tpu.memory_space<hbm>>
      %dma_start3A_11 = tpu.memref_squeeze %dma_start3A_10 : memref<1x1x3072xf32, #tpu.memory_space<hbm>> -> memref<3072xf32, #tpu.memory_space<hbm>>
      tpu.enqueue_dma source(%arg10 : memref<3072xf32, #tpu.memory_space<vmem>>) target(%dma_start3A_11 : memref<3072xf32, #tpu.memory_space<hbm>>) target_semaphore(%run_scoped3A : memref<!tpu.dma_semaphore, #tpu.memory_space<semaphore_mem>>)
      %dma_wait3A = arith.constant 0 : i32
      %dma_wait3A_12 = tpu.memref_slice %arg6[%arg0, %arg1, %dma_wait3A] : memref<2x16x3072xf32, #tpu.memory_space<hbm>> -> memref<1x1x3072xf32, #tpu.memory_space<hbm>>
      %dma_wait3A_13 = tpu.memref_squeeze %dma_wait3A_12 : memref<1x1x3072xf32, #tpu.memory_space<hbm>> -> memref<3072xf32, #tpu.memory_space<hbm>>
      %dma_wait3A_14 = arith.constant 0 : i32
      %dma_wait3A_15 = tpu.memref_slice %arg6[%arg0, %arg1, %dma_wait3A_14] : memref<2x16x3072xf32, #tpu.memory_space<hbm>> -> memref<1x1x3072xf32, #tpu.memory_space<hbm>>
      %dma_wait3A_16 = tpu.memref_squeeze %dma_wait3A_15 : memref<1x1x3072xf32, #tpu.memory_space<hbm>> -> memref<3072xf32, #tpu.memory_space<hbm>>
      tpu.wait_dma2 semaphore(%run_scoped3A : memref<!tpu.dma_semaphore, #tpu.memory_space<semaphore_mem>>) src(%arg10 : memref<3072xf32, #tpu.memory_space<vmem>>) dst(%dma_wait3A_16 : memref<3072xf32, #tpu.memory_space<hbm>>)
      tpu.yield
    }) : () -> ()
    return
  }
}

#map = affine_map<(d0, d1) -> (0, 0, 0)>
#map1 = affine_map<(d0, d1) -> (0, 0)>
module attributes {stable_mosaic.version = 14 : i64} {
  func.func @spmm(%arg0: i32, %arg1: i32, %arg2: memref<2x2500x128xf32, #tpu.memory_space<hbm>>, %arg3: memref<16x160x128xi32, #tpu.memory_space<hbm>>, %arg4: memref<16x160x128xi32, #tpu.memory_space<hbm>>, %arg5: memref<640x128xf32, #tpu.memory_space<hbm>>, %arg6: memref<2x10240x128xf32, #tpu.memory_space<hbm>>, %arg7: memref<16x128xi32, #tpu.memory_space<vmem>>, %arg8: memref<16x128xi32, #tpu.memory_space<vmem>>, %arg9: memref<128x128xf32, #tpu.memory_space<vmem>>, %arg10: memref<10240x128xf32, #tpu.memory_space<vmem_shared>>, %arg11: memref<!tpu.dma_semaphore, #tpu.memory_space<semaphore_mem>>) attributes {dimension_semantics = [#tpu.dimension_semantics<core_parallel>, #tpu.dimension_semantics<subcore_parallel>], iteration_bounds = array<i64: 2, 16>, scalar_prefetch = 0 : i64, scratch_operands = 5 : i64, tpu.core_type = #tpu.core_type<sc_vector_subcore>, window_params = [{transform_indices = #map}, {transform_indices = #map}, {transform_indices = #map}, {transform_indices = #map1}, {transform_indices = #map}]} {
    %mul3A = arith.constant 640 : i32
    %mul3A_0 = arith.muli %arg1, %mul3A : i32
    "tpu.region"() ({
      %run_scoped3A = tpu.sem_alloc : memref<!tpu.dma_semaphore, #tpu.memory_space<semaphore_mem>>
      %dma_start3A = arith.constant 0 : i32
      %dma_start3A_11 = tpu.memref_slice %arg10[%mul3A_0, %dma_start3A] : memref<10240x128xf32, #tpu.memory_space<vmem_shared>> -> memref<640x128xf32, #tpu.memory_space<vmem_shared>>
      %dma_start3A_12 = arith.constant 0 : i32
      %dma_start3A_13 = arith.constant 0 : i32
      %dma_start3A_14 = tpu.memref_slice %arg5[%dma_start3A_12, %dma_start3A_13] : memref<640x128xf32, #tpu.memory_space<hbm>> -> memref<640x128xf32, #tpu.memory_space<hbm>>
      tpu.enqueue_dma source(%dma_start3A_14 : memref<640x128xf32, #tpu.memory_space<hbm>>) target(%dma_start3A_11 : memref<640x128xf32, #tpu.memory_space<vmem_shared>>) target_semaphore(%run_scoped3A : memref<!tpu.dma_semaphore, #tpu.memory_space<semaphore_mem>>)
      %dma_wait3A = arith.constant 0 : i32
      %dma_wait3A_15 = tpu.memref_slice %arg10[%mul3A_0, %dma_wait3A] : memref<10240x128xf32, #tpu.memory_space<vmem_shared>> -> memref<640x128xf32, #tpu.memory_space<vmem_shared>>
      %dma_wait3A_16 = arith.constant 0 : i32
      %dma_wait3A_17 = arith.constant 0 : i32
      %dma_wait3A_18 = tpu.memref_slice %arg5[%dma_wait3A_16, %dma_wait3A_17] : memref<640x128xf32, #tpu.memory_space<hbm>> -> memref<640x128xf32, #tpu.memory_space<hbm>>
      tpu.wait_dma2 semaphore(%run_scoped3A : memref<!tpu.dma_semaphore, #tpu.memory_space<semaphore_mem>>) src(%dma_wait3A_18 : memref<640x128xf32, #tpu.memory_space<hbm>>) dst(%dma_wait3A_15 : memref<640x128xf32, #tpu.memory_space<vmem_shared>>)
      tpu.yield
    }) : () -> ()
    %barrier3A = arith.constant 0 : index
    tpu.barrier barrier_id(%barrier3A)
    %scan3A = arith.constant 0 : i32
    %scan3A_1 = arith.constant 0 : i32
    %scan3A_2 = arith.constant 10 : i32
    %scan3A_3 = arith.addi %scan3A_1, %scan3A_2 : i32
    %scan3A_4 = arith.constant 1 : i32
    scf.for %scan3A_11 = %scan3A_1 to %scan3A_3 step %scan3A_4  : i32 {
      %mul3A_12 = arith.constant 16 : i32
      %mul3A_13 = arith.muli %scan3A_11, %mul3A_12 : i32
      "tpu.region"() ({
        %run_scoped3A = tpu.sem_alloc : memref<!tpu.dma_semaphore, #tpu.memory_space<semaphore_mem>>
        %dma_start3A = arith.constant 0 : i32
        %dma_start3A_22 = tpu.memref_slice %arg3[%arg1, %mul3A_13, %dma_start3A] : memref<16x160x128xi32, #tpu.memory_space<hbm>> -> memref<1x16x128xi32, #tpu.memory_space<hbm>>
        %dma_start3A_23 = tpu.memref_squeeze %dma_start3A_22 : memref<1x16x128xi32, #tpu.memory_space<hbm>> -> memref<16x128xi32, #tpu.memory_space<hbm>>
        %dma_start3A_24 = arith.constant 0 : i32
        %dma_start3A_25 = tpu.memref_slice %arg3[%arg1, %mul3A_13, %dma_start3A_24] : memref<16x160x128xi32, #tpu.memory_space<hbm>> -> memref<1x16x128xi32, #tpu.memory_space<hbm>>
        %dma_start3A_26 = tpu.memref_squeeze %dma_start3A_25 : memref<1x16x128xi32, #tpu.memory_space<hbm>> -> memref<16x128xi32, #tpu.memory_space<hbm>>
        tpu.enqueue_dma source(%dma_start3A_26 : memref<16x128xi32, #tpu.memory_space<hbm>>) target(%arg7 : memref<16x128xi32, #tpu.memory_space<vmem>>) target_semaphore(%run_scoped3A : memref<!tpu.dma_semaphore, #tpu.memory_space<semaphore_mem>>)
        %dma_wait3A = arith.constant 0 : i32
        %dma_wait3A_27 = tpu.memref_slice %arg3[%arg1, %mul3A_13, %dma_wait3A] : memref<16x160x128xi32, #tpu.memory_space<hbm>> -> memref<1x16x128xi32, #tpu.memory_space<hbm>>
        %dma_wait3A_28 = tpu.memref_squeeze %dma_wait3A_27 : memref<1x16x128xi32, #tpu.memory_space<hbm>> -> memref<16x128xi32, #tpu.memory_space<hbm>>
        %dma_wait3A_29 = arith.constant 0 : i32
        %dma_wait3A_30 = tpu.memref_slice %arg3[%arg1, %mul3A_13, %dma_wait3A_29] : memref<16x160x128xi32, #tpu.memory_space<hbm>> -> memref<1x16x128xi32, #tpu.memory_space<hbm>>
        %dma_wait3A_31 = tpu.memref_squeeze %dma_wait3A_30 : memref<1x16x128xi32, #tpu.memory_space<hbm>> -> memref<16x128xi32, #tpu.memory_space<hbm>>
        tpu.wait_dma2 semaphore(%run_scoped3A : memref<!tpu.dma_semaphore, #tpu.memory_space<semaphore_mem>>) src(%dma_wait3A_31 : memref<16x128xi32, #tpu.memory_space<hbm>>) dst(%arg7 : memref<16x128xi32, #tpu.memory_space<vmem>>)
        tpu.yield
      }) : () -> ()
      %mul3A_14 = arith.constant 16 : i32
      %mul3A_15 = arith.muli %scan3A_11, %mul3A_14 : i32
      "tpu.region"() ({
        %run_scoped3A = tpu.sem_alloc : memref<!tpu.dma_semaphore, #tpu.memory_space<semaphore_mem>>
        %dma_start3A = arith.constant 0 : i32
        %dma_start3A_22 = tpu.memref_slice %arg4[%arg1, %mul3A_15, %dma_start3A] : memref<16x160x128xi32, #tpu.memory_space<hbm>> -> memref<1x16x128xi32, #tpu.memory_space<hbm>>
        %dma_start3A_23 = tpu.memref_squeeze %dma_start3A_22 : memref<1x16x128xi32, #tpu.memory_space<hbm>> -> memref<16x128xi32, #tpu.memory_space<hbm>>
        %dma_start3A_24 = arith.constant 0 : i32
        %dma_start3A_25 = tpu.memref_slice %arg4[%arg1, %mul3A_15, %dma_start3A_24] : memref<16x160x128xi32, #tpu.memory_space<hbm>> -> memref<1x16x128xi32, #tpu.memory_space<hbm>>
        %dma_start3A_26 = tpu.memref_squeeze %dma_start3A_25 : memref<1x16x128xi32, #tpu.memory_space<hbm>> -> memref<16x128xi32, #tpu.memory_space<hbm>>
        tpu.enqueue_dma source(%dma_start3A_26 : memref<16x128xi32, #tpu.memory_space<hbm>>) target(%arg8 : memref<16x128xi32, #tpu.memory_space<vmem>>) target_semaphore(%run_scoped3A : memref<!tpu.dma_semaphore, #tpu.memory_space<semaphore_mem>>)
        %dma_wait3A = arith.constant 0 : i32
        %dma_wait3A_27 = tpu.memref_slice %arg4[%arg1, %mul3A_15, %dma_wait3A] : memref<16x160x128xi32, #tpu.memory_space<hbm>> -> memref<1x16x128xi32, #tpu.memory_space<hbm>>
        %dma_wait3A_28 = tpu.memref_squeeze %dma_wait3A_27 : memref<1x16x128xi32, #tpu.memory_space<hbm>> -> memref<16x128xi32, #tpu.memory_space<hbm>>
        %dma_wait3A_29 = arith.constant 0 : i32
        %dma_wait3A_30 = tpu.memref_slice %arg4[%arg1, %mul3A_15, %dma_wait3A_29] : memref<16x160x128xi32, #tpu.memory_space<hbm>> -> memref<1x16x128xi32, #tpu.memory_space<hbm>>
        %dma_wait3A_31 = tpu.memref_squeeze %dma_wait3A_30 : memref<1x16x128xi32, #tpu.memory_space<hbm>> -> memref<16x128xi32, #tpu.memory_space<hbm>>
        tpu.wait_dma2 semaphore(%run_scoped3A : memref<!tpu.dma_semaphore, #tpu.memory_space<semaphore_mem>>) src(%dma_wait3A_31 : memref<16x128xi32, #tpu.memory_space<hbm>>) dst(%arg8 : memref<16x128xi32, #tpu.memory_space<vmem>>)
        tpu.yield
      }) : () -> ()
      %scan3A_16 = arith.constant 0 : i32
      %scan3A_17 = arith.constant 0 : i32
      %scan3A_18 = arith.constant 16 : i32
      %scan3A_19 = arith.addi %scan3A_17, %scan3A_18 : i32
      %scan3A_20 = arith.constant 1 : i32
      scf.for %scan3A_22 = %scan3A_17 to %scan3A_19 step %scan3A_20  : i32 {
        %dma_start3A = arith.constant 0 : i32
        %dma_start3A_23 = tpu.memref_slice %arg7[%scan3A_22, %dma_start3A] : memref<16x128xi32, #tpu.memory_space<vmem>> -> memref<1x128xi32, #tpu.memory_space<vmem>>
        %dma_start3A_24 = tpu.memref_squeeze %dma_start3A_23 : memref<1x128xi32, #tpu.memory_space<vmem>> -> memref<128xi32, #tpu.memory_space<vmem>>
        %dma_start3A_25 = arith.constant 0 : i32
        %dma_start3A_26 = arith.constant 0 : i32
        %dma_start3A_27 = tpu.memref_slice %arg2[%arg0, %dma_start3A_25, %dma_start3A_26] : memref<2x2500x128xf32, #tpu.memory_space<hbm>> -> memref<1x2500x128xf32, #tpu.memory_space<hbm>>
        %dma_start3A_28 = tpu.memref_squeeze %dma_start3A_27 : memref<1x2500x128xf32, #tpu.memory_space<hbm>> -> memref<2500x128xf32, #tpu.memory_space<hbm>>
        %dma_start3A_29 = arith.constant 0 : i32
        %dma_start3A_30 = arith.constant 0 : i32
        %dma_start3A_31 = tpu.memref_slice %dma_start3A_28[%dma_start3A_29, %dma_start3A_30] : memref<2500x128xf32, #tpu.memory_space<hbm>> -> memref<2500x128xf32, #tpu.memory_space<hbm>>
        tpu.enqueue_indirect_dma source(%dma_start3A_31 : memref<2500x128xf32, #tpu.memory_space<hbm>>) target(%arg9 : memref<128x128xf32, #tpu.memory_space<vmem>>) offsets(%dma_start3A_24 : memref<128xi32, #tpu.memory_space<vmem>>) semaphore(%arg11 : memref<!tpu.dma_semaphore, #tpu.memory_space<semaphore_mem>>)
        %dma_wait3A = arith.constant 0 : i32
        %dma_wait3A_32 = tpu.memref_slice %arg7[%scan3A_22, %dma_wait3A] : memref<16x128xi32, #tpu.memory_space<vmem>> -> memref<1x128xi32, #tpu.memory_space<vmem>>
        %dma_wait3A_33 = tpu.memref_squeeze %dma_wait3A_32 : memref<1x128xi32, #tpu.memory_space<vmem>> -> memref<128xi32, #tpu.memory_space<vmem>>
        %dma_wait3A_34 = arith.constant 0 : i32
        %dma_wait3A_35 = arith.constant 0 : i32
        %dma_wait3A_36 = tpu.memref_slice %arg2[%arg0, %dma_wait3A_34, %dma_wait3A_35] : memref<2x2500x128xf32, #tpu.memory_space<hbm>> -> memref<1x2500x128xf32, #tpu.memory_space<hbm>>
        %dma_wait3A_37 = tpu.memref_squeeze %dma_wait3A_36 : memref<1x2500x128xf32, #tpu.memory_space<hbm>> -> memref<2500x128xf32, #tpu.memory_space<hbm>>
        %dma_wait3A_38 = arith.constant 0 : i32
        %dma_wait3A_39 = arith.constant 0 : i32
        %dma_wait3A_40 = tpu.memref_slice %dma_wait3A_37[%dma_wait3A_38, %dma_wait3A_39] : memref<2500x128xf32, #tpu.memory_space<hbm>> -> memref<2500x128xf32, #tpu.memory_space<hbm>>
        tpu.wait_indirect_dma semaphore(%arg11 : memref<!tpu.dma_semaphore, #tpu.memory_space<semaphore_mem>>) src(%dma_wait3A_40 : memref<2500x128xf32, #tpu.memory_space<hbm>>) dst(%arg9 : memref<128x128xf32, #tpu.memory_space<vmem>>)
        "tpu.region"() ({
          %run_scoped3A = tpu.sem_alloc : memref<!tpu.dma_semaphore, #tpu.memory_space<semaphore_mem>>
          %dma_start3A_41 = arith.constant 0 : i32
          %dma_start3A_42 = tpu.memref_slice %arg8[%scan3A_22, %dma_start3A_41] : memref<16x128xi32, #tpu.memory_space<vmem>> -> memref<1x128xi32, #tpu.memory_space<vmem>>
          %dma_start3A_43 = tpu.memref_squeeze %dma_start3A_42 : memref<1x128xi32, #tpu.memory_space<vmem>> -> memref<128xi32, #tpu.memory_space<vmem>>
          %dma_start3A_44 = arith.constant 0 : i32
          %dma_start3A_45 = arith.constant 0 : i32
          %dma_start3A_46 = tpu.memref_slice %arg10[%dma_start3A_44, %dma_start3A_45] : memref<10240x128xf32, #tpu.memory_space<vmem_shared>> -> memref<10240x128xf32, #tpu.memory_space<vmem_shared>>
          tpu.enqueue_indirect_dma source(%arg9 : memref<128x128xf32, #tpu.memory_space<vmem>>) target(%dma_start3A_46 : memref<10240x128xf32, #tpu.memory_space<vmem_shared>>) offsets(%dma_start3A_43 : memref<128xi32, #tpu.memory_space<vmem>>) semaphore(%run_scoped3A : memref<!tpu.dma_semaphore, #tpu.memory_space<semaphore_mem>>) {add = true}
          %dma_wait3A_47 = arith.constant 0 : i32
          %dma_wait3A_48 = tpu.memref_slice %arg8[%scan3A_22, %dma_wait3A_47] : memref<16x128xi32, #tpu.memory_space<vmem>> -> memref<1x128xi32, #tpu.memory_space<vmem>>
          %dma_wait3A_49 = tpu.memref_squeeze %dma_wait3A_48 : memref<1x128xi32, #tpu.memory_space<vmem>> -> memref<128xi32, #tpu.memory_space<vmem>>
          %dma_wait3A_50 = arith.constant 0 : i32
          %dma_wait3A_51 = arith.constant 0 : i32
          %dma_wait3A_52 = tpu.memref_slice %arg10[%dma_wait3A_50, %dma_wait3A_51] : memref<10240x128xf32, #tpu.memory_space<vmem_shared>> -> memref<10240x128xf32, #tpu.memory_space<vmem_shared>>
          tpu.wait_indirect_dma semaphore(%run_scoped3A : memref<!tpu.dma_semaphore, #tpu.memory_space<semaphore_mem>>) src(%arg9 : memref<128x128xf32, #tpu.memory_space<vmem>>) dst(%dma_wait3A_52 : memref<10240x128xf32, #tpu.memory_space<vmem_shared>>)
          tpu.yield
        }) : () -> ()
      }
      %scan3A_21 = arith.constant 16 : i32
    }
    %scan3A_5 = arith.constant 10 : i32
    %barrier3A_6 = arith.constant 0 : index
    tpu.barrier barrier_id(%barrier3A_6)
    %mul3A_7 = arith.constant 640 : i32
    %mul3A_8 = arith.muli %arg1, %mul3A_7 : i32
    %mul3A_9 = arith.constant 640 : i32
    %mul3A_10 = arith.muli %arg1, %mul3A_9 : i32
    "tpu.region"() ({
      %run_scoped3A = tpu.sem_alloc : memref<!tpu.dma_semaphore, #tpu.memory_space<semaphore_mem>>
      %dma_start3A = arith.constant 0 : i32
      %dma_start3A_11 = tpu.memref_slice %arg6[%arg0, %mul3A_10, %dma_start3A] : memref<2x10240x128xf32, #tpu.memory_space<hbm>> -> memref<1x640x128xf32, #tpu.memory_space<hbm>>
      %dma_start3A_12 = tpu.memref_squeeze %dma_start3A_11 : memref<1x640x128xf32, #tpu.memory_space<hbm>> -> memref<640x128xf32, #tpu.memory_space<hbm>>
      %dma_start3A_13 = arith.constant 0 : i32
      %dma_start3A_14 = tpu.memref_slice %arg10[%mul3A_8, %dma_start3A_13] : memref<10240x128xf32, #tpu.memory_space<vmem_shared>> -> memref<640x128xf32, #tpu.memory_space<vmem_shared>>
      tpu.enqueue_dma source(%dma_start3A_14 : memref<640x128xf32, #tpu.memory_space<vmem_shared>>) target(%dma_start3A_12 : memref<640x128xf32, #tpu.memory_space<hbm>>) target_semaphore(%run_scoped3A : memref<!tpu.dma_semaphore, #tpu.memory_space<semaphore_mem>>)
      %dma_wait3A = arith.constant 0 : i32
      %dma_wait3A_15 = tpu.memref_slice %arg6[%arg0, %mul3A_10, %dma_wait3A] : memref<2x10240x128xf32, #tpu.memory_space<hbm>> -> memref<1x640x128xf32, #tpu.memory_space<hbm>>
      %dma_wait3A_16 = tpu.memref_squeeze %dma_wait3A_15 : memref<1x640x128xf32, #tpu.memory_space<hbm>> -> memref<640x128xf32, #tpu.memory_space<hbm>>
      %dma_wait3A_17 = arith.constant 0 : i32
      %dma_wait3A_18 = tpu.memref_slice %arg10[%mul3A_8, %dma_wait3A_17] : memref<10240x128xf32, #tpu.memory_space<vmem_shared>> -> memref<640x128xf32, #tpu.memory_space<vmem_shared>>
      tpu.wait_dma2 semaphore(%run_scoped3A : memref<!tpu.dma_semaphore, #tpu.memory_space<semaphore_mem>>) src(%dma_wait3A_18 : memref<640x128xf32, #tpu.memory_space<vmem_shared>>) dst(%dma_wait3A_16 : memref<640x128xf32, #tpu.memory_space<hbm>>)
      tpu.yield
    }) : () -> ()
    return
  }
}

#map = affine_map<(d0, d1) -> (0, 0, 0)>
#map1 = affine_map<(d0, d1) -> (0, 0)>
module attributes {stable_mosaic.version = 14 : i64} {
  func.func @spmm(%arg0: i32, %arg1: i32, %arg2: memref<2x10000x128xf32, #tpu.memory_space<hbm>>, %arg3: memref<16x160x128xi32, #tpu.memory_space<hbm>>, %arg4: memref<16x160x128xi32, #tpu.memory_space<hbm>>, %arg5: memref<640x128xf32, #tpu.memory_space<hbm>>, %arg6: memref<2x2560x128xf32, #tpu.memory_space<hbm>>, %arg7: memref<16x128xi32, #tpu.memory_space<vmem>>, %arg8: memref<16x128xi32, #tpu.memory_space<vmem>>, %arg9: memref<128x128xf32, #tpu.memory_space<vmem>>, %arg10: memref<2560x128xf32, #tpu.memory_space<vmem_shared>>, %arg11: memref<!tpu.dma_semaphore, #tpu.memory_space<semaphore_mem>>) attributes {dimension_semantics = [#tpu.dimension_semantics<core_parallel>, #tpu.dimension_semantics<subcore_parallel>], iteration_bounds = array<i64: 2, 16>, scalar_prefetch = 0 : i64, scratch_operands = 5 : i64, tpu.core_type = #tpu.core_type<sc_vector_subcore>, window_params = [{transform_indices = #map}, {transform_indices = #map}, {transform_indices = #map}, {transform_indices = #map1}, {transform_indices = #map}]} {
    %mul3A = arith.constant 160 : i32
    %mul3A_0 = arith.muli %arg1, %mul3A : i32
    "tpu.region"() ({
      %run_scoped3A = tpu.sem_alloc : memref<!tpu.dma_semaphore, #tpu.memory_space<semaphore_mem>>
      %dma_start3A = arith.constant 0 : i32
      %dma_start3A_11 = tpu.memref_slice %arg10[%mul3A_0, %dma_start3A] : memref<2560x128xf32, #tpu.memory_space<vmem_shared>> -> memref<160x128xf32, #tpu.memory_space<vmem_shared>>
      %dma_start3A_12 = arith.constant 0 : i32
      %dma_start3A_13 = arith.constant 0 : i32
      %dma_start3A_14 = tpu.memref_slice %arg5[%dma_start3A_12, %dma_start3A_13] : memref<640x128xf32, #tpu.memory_space<hbm>> -> memref<160x128xf32, #tpu.memory_space<hbm>>
      tpu.enqueue_dma source(%dma_start3A_14 : memref<160x128xf32, #tpu.memory_space<hbm>>) target(%dma_start3A_11 : memref<160x128xf32, #tpu.memory_space<vmem_shared>>) target_semaphore(%run_scoped3A : memref<!tpu.dma_semaphore, #tpu.memory_space<semaphore_mem>>)
      %dma_wait3A = arith.constant 0 : i32
      %dma_wait3A_15 = tpu.memref_slice %arg10[%mul3A_0, %dma_wait3A] : memref<2560x128xf32, #tpu.memory_space<vmem_shared>> -> memref<160x128xf32, #tpu.memory_space<vmem_shared>>
      %dma_wait3A_16 = arith.constant 0 : i32
      %dma_wait3A_17 = arith.constant 0 : i32
      %dma_wait3A_18 = tpu.memref_slice %arg5[%dma_wait3A_16, %dma_wait3A_17] : memref<640x128xf32, #tpu.memory_space<hbm>> -> memref<160x128xf32, #tpu.memory_space<hbm>>
      tpu.wait_dma2 semaphore(%run_scoped3A : memref<!tpu.dma_semaphore, #tpu.memory_space<semaphore_mem>>) src(%dma_wait3A_18 : memref<160x128xf32, #tpu.memory_space<hbm>>) dst(%dma_wait3A_15 : memref<160x128xf32, #tpu.memory_space<vmem_shared>>)
      tpu.yield
    }) : () -> ()
    %barrier3A = arith.constant 0 : index
    tpu.barrier barrier_id(%barrier3A)
    %scan3A = arith.constant 0 : i32
    %scan3A_1 = arith.constant 0 : i32
    %scan3A_2 = arith.constant 10 : i32
    %scan3A_3 = arith.addi %scan3A_1, %scan3A_2 : i32
    %scan3A_4 = arith.constant 1 : i32
    scf.for %scan3A_11 = %scan3A_1 to %scan3A_3 step %scan3A_4  : i32 {
      %mul3A_12 = arith.constant 16 : i32
      %mul3A_13 = arith.muli %scan3A_11, %mul3A_12 : i32
      "tpu.region"() ({
        %run_scoped3A = tpu.sem_alloc : memref<!tpu.dma_semaphore, #tpu.memory_space<semaphore_mem>>
        %dma_start3A = arith.constant 0 : i32
        %dma_start3A_22 = tpu.memref_slice %arg3[%arg1, %mul3A_13, %dma_start3A] : memref<16x160x128xi32, #tpu.memory_space<hbm>> -> memref<1x16x128xi32, #tpu.memory_space<hbm>>
        %dma_start3A_23 = tpu.memref_squeeze %dma_start3A_22 : memref<1x16x128xi32, #tpu.memory_space<hbm>> -> memref<16x128xi32, #tpu.memory_space<hbm>>
        %dma_start3A_24 = arith.constant 0 : i32
        %dma_start3A_25 = tpu.memref_slice %arg3[%arg1, %mul3A_13, %dma_start3A_24] : memref<16x160x128xi32, #tpu.memory_space<hbm>> -> memref<1x16x128xi32, #tpu.memory_space<hbm>>
        %dma_start3A_26 = tpu.memref_squeeze %dma_start3A_25 : memref<1x16x128xi32, #tpu.memory_space<hbm>> -> memref<16x128xi32, #tpu.memory_space<hbm>>
        tpu.enqueue_dma source(%dma_start3A_26 : memref<16x128xi32, #tpu.memory_space<hbm>>) target(%arg7 : memref<16x128xi32, #tpu.memory_space<vmem>>) target_semaphore(%run_scoped3A : memref<!tpu.dma_semaphore, #tpu.memory_space<semaphore_mem>>)
        %dma_wait3A = arith.constant 0 : i32
        %dma_wait3A_27 = tpu.memref_slice %arg3[%arg1, %mul3A_13, %dma_wait3A] : memref<16x160x128xi32, #tpu.memory_space<hbm>> -> memref<1x16x128xi32, #tpu.memory_space<hbm>>
        %dma_wait3A_28 = tpu.memref_squeeze %dma_wait3A_27 : memref<1x16x128xi32, #tpu.memory_space<hbm>> -> memref<16x128xi32, #tpu.memory_space<hbm>>
        %dma_wait3A_29 = arith.constant 0 : i32
        %dma_wait3A_30 = tpu.memref_slice %arg3[%arg1, %mul3A_13, %dma_wait3A_29] : memref<16x160x128xi32, #tpu.memory_space<hbm>> -> memref<1x16x128xi32, #tpu.memory_space<hbm>>
        %dma_wait3A_31 = tpu.memref_squeeze %dma_wait3A_30 : memref<1x16x128xi32, #tpu.memory_space<hbm>> -> memref<16x128xi32, #tpu.memory_space<hbm>>
        tpu.wait_dma2 semaphore(%run_scoped3A : memref<!tpu.dma_semaphore, #tpu.memory_space<semaphore_mem>>) src(%dma_wait3A_31 : memref<16x128xi32, #tpu.memory_space<hbm>>) dst(%arg7 : memref<16x128xi32, #tpu.memory_space<vmem>>)
        tpu.yield
      }) : () -> ()
      %mul3A_14 = arith.constant 16 : i32
      %mul3A_15 = arith.muli %scan3A_11, %mul3A_14 : i32
      "tpu.region"() ({
        %run_scoped3A = tpu.sem_alloc : memref<!tpu.dma_semaphore, #tpu.memory_space<semaphore_mem>>
        %dma_start3A = arith.constant 0 : i32
        %dma_start3A_22 = tpu.memref_slice %arg4[%arg1, %mul3A_15, %dma_start3A] : memref<16x160x128xi32, #tpu.memory_space<hbm>> -> memref<1x16x128xi32, #tpu.memory_space<hbm>>
        %dma_start3A_23 = tpu.memref_squeeze %dma_start3A_22 : memref<1x16x128xi32, #tpu.memory_space<hbm>> -> memref<16x128xi32, #tpu.memory_space<hbm>>
        %dma_start3A_24 = arith.constant 0 : i32
        %dma_start3A_25 = tpu.memref_slice %arg4[%arg1, %mul3A_15, %dma_start3A_24] : memref<16x160x128xi32, #tpu.memory_space<hbm>> -> memref<1x16x128xi32, #tpu.memory_space<hbm>>
        %dma_start3A_26 = tpu.memref_squeeze %dma_start3A_25 : memref<1x16x128xi32, #tpu.memory_space<hbm>> -> memref<16x128xi32, #tpu.memory_space<hbm>>
        tpu.enqueue_dma source(%dma_start3A_26 : memref<16x128xi32, #tpu.memory_space<hbm>>) target(%arg8 : memref<16x128xi32, #tpu.memory_space<vmem>>) target_semaphore(%run_scoped3A : memref<!tpu.dma_semaphore, #tpu.memory_space<semaphore_mem>>)
        %dma_wait3A = arith.constant 0 : i32
        %dma_wait3A_27 = tpu.memref_slice %arg4[%arg1, %mul3A_15, %dma_wait3A] : memref<16x160x128xi32, #tpu.memory_space<hbm>> -> memref<1x16x128xi32, #tpu.memory_space<hbm>>
        %dma_wait3A_28 = tpu.memref_squeeze %dma_wait3A_27 : memref<1x16x128xi32, #tpu.memory_space<hbm>> -> memref<16x128xi32, #tpu.memory_space<hbm>>
        %dma_wait3A_29 = arith.constant 0 : i32
        %dma_wait3A_30 = tpu.memref_slice %arg4[%arg1, %mul3A_15, %dma_wait3A_29] : memref<16x160x128xi32, #tpu.memory_space<hbm>> -> memref<1x16x128xi32, #tpu.memory_space<hbm>>
        %dma_wait3A_31 = tpu.memref_squeeze %dma_wait3A_30 : memref<1x16x128xi32, #tpu.memory_space<hbm>> -> memref<16x128xi32, #tpu.memory_space<hbm>>
        tpu.wait_dma2 semaphore(%run_scoped3A : memref<!tpu.dma_semaphore, #tpu.memory_space<semaphore_mem>>) src(%dma_wait3A_31 : memref<16x128xi32, #tpu.memory_space<hbm>>) dst(%arg8 : memref<16x128xi32, #tpu.memory_space<vmem>>)
        tpu.yield
      }) : () -> ()
      %scan3A_16 = arith.constant 0 : i32
      %scan3A_17 = arith.constant 0 : i32
      %scan3A_18 = arith.constant 16 : i32
      %scan3A_19 = arith.addi %scan3A_17, %scan3A_18 : i32
      %scan3A_20 = arith.constant 1 : i32
      scf.for %scan3A_22 = %scan3A_17 to %scan3A_19 step %scan3A_20  : i32 {
        %dma_start3A = arith.constant 0 : i32
        %dma_start3A_23 = tpu.memref_slice %arg7[%scan3A_22, %dma_start3A] : memref<16x128xi32, #tpu.memory_space<vmem>> -> memref<1x128xi32, #tpu.memory_space<vmem>>
        %dma_start3A_24 = tpu.memref_squeeze %dma_start3A_23 : memref<1x128xi32, #tpu.memory_space<vmem>> -> memref<128xi32, #tpu.memory_space<vmem>>
        %dma_start3A_25 = arith.constant 0 : i32
        %dma_start3A_26 = arith.constant 0 : i32
        %dma_start3A_27 = tpu.memref_slice %arg2[%arg0, %dma_start3A_25, %dma_start3A_26] : memref<2x10000x128xf32, #tpu.memory_space<hbm>> -> memref<1x10000x128xf32, #tpu.memory_space<hbm>>
        %dma_start3A_28 = tpu.memref_squeeze %dma_start3A_27 : memref<1x10000x128xf32, #tpu.memory_space<hbm>> -> memref<10000x128xf32, #tpu.memory_space<hbm>>
        %dma_start3A_29 = arith.constant 0 : i32
        %dma_start3A_30 = arith.constant 0 : i32
        %dma_start3A_31 = tpu.memref_slice %dma_start3A_28[%dma_start3A_29, %dma_start3A_30] : memref<10000x128xf32, #tpu.memory_space<hbm>> -> memref<10000x128xf32, #tpu.memory_space<hbm>>
        tpu.enqueue_indirect_dma source(%dma_start3A_31 : memref<10000x128xf32, #tpu.memory_space<hbm>>) target(%arg9 : memref<128x128xf32, #tpu.memory_space<vmem>>) offsets(%dma_start3A_24 : memref<128xi32, #tpu.memory_space<vmem>>) semaphore(%arg11 : memref<!tpu.dma_semaphore, #tpu.memory_space<semaphore_mem>>)
        %dma_wait3A = arith.constant 0 : i32
        %dma_wait3A_32 = tpu.memref_slice %arg7[%scan3A_22, %dma_wait3A] : memref<16x128xi32, #tpu.memory_space<vmem>> -> memref<1x128xi32, #tpu.memory_space<vmem>>
        %dma_wait3A_33 = tpu.memref_squeeze %dma_wait3A_32 : memref<1x128xi32, #tpu.memory_space<vmem>> -> memref<128xi32, #tpu.memory_space<vmem>>
        %dma_wait3A_34 = arith.constant 0 : i32
        %dma_wait3A_35 = arith.constant 0 : i32
        %dma_wait3A_36 = tpu.memref_slice %arg2[%arg0, %dma_wait3A_34, %dma_wait3A_35] : memref<2x10000x128xf32, #tpu.memory_space<hbm>> -> memref<1x10000x128xf32, #tpu.memory_space<hbm>>
        %dma_wait3A_37 = tpu.memref_squeeze %dma_wait3A_36 : memref<1x10000x128xf32, #tpu.memory_space<hbm>> -> memref<10000x128xf32, #tpu.memory_space<hbm>>
        %dma_wait3A_38 = arith.constant 0 : i32
        %dma_wait3A_39 = arith.constant 0 : i32
        %dma_wait3A_40 = tpu.memref_slice %dma_wait3A_37[%dma_wait3A_38, %dma_wait3A_39] : memref<10000x128xf32, #tpu.memory_space<hbm>> -> memref<10000x128xf32, #tpu.memory_space<hbm>>
        tpu.wait_indirect_dma semaphore(%arg11 : memref<!tpu.dma_semaphore, #tpu.memory_space<semaphore_mem>>) src(%dma_wait3A_40 : memref<10000x128xf32, #tpu.memory_space<hbm>>) dst(%arg9 : memref<128x128xf32, #tpu.memory_space<vmem>>)
        "tpu.region"() ({
          %run_scoped3A = tpu.sem_alloc : memref<!tpu.dma_semaphore, #tpu.memory_space<semaphore_mem>>
          %dma_start3A_41 = arith.constant 0 : i32
          %dma_start3A_42 = tpu.memref_slice %arg8[%scan3A_22, %dma_start3A_41] : memref<16x128xi32, #tpu.memory_space<vmem>> -> memref<1x128xi32, #tpu.memory_space<vmem>>
          %dma_start3A_43 = tpu.memref_squeeze %dma_start3A_42 : memref<1x128xi32, #tpu.memory_space<vmem>> -> memref<128xi32, #tpu.memory_space<vmem>>
          %dma_start3A_44 = arith.constant 0 : i32
          %dma_start3A_45 = arith.constant 0 : i32
          %dma_start3A_46 = tpu.memref_slice %arg10[%dma_start3A_44, %dma_start3A_45] : memref<2560x128xf32, #tpu.memory_space<vmem_shared>> -> memref<2560x128xf32, #tpu.memory_space<vmem_shared>>
          tpu.enqueue_indirect_dma source(%arg9 : memref<128x128xf32, #tpu.memory_space<vmem>>) target(%dma_start3A_46 : memref<2560x128xf32, #tpu.memory_space<vmem_shared>>) offsets(%dma_start3A_43 : memref<128xi32, #tpu.memory_space<vmem>>) semaphore(%run_scoped3A : memref<!tpu.dma_semaphore, #tpu.memory_space<semaphore_mem>>) {add = true}
          %dma_wait3A_47 = arith.constant 0 : i32
          %dma_wait3A_48 = tpu.memref_slice %arg8[%scan3A_22, %dma_wait3A_47] : memref<16x128xi32, #tpu.memory_space<vmem>> -> memref<1x128xi32, #tpu.memory_space<vmem>>
          %dma_wait3A_49 = tpu.memref_squeeze %dma_wait3A_48 : memref<1x128xi32, #tpu.memory_space<vmem>> -> memref<128xi32, #tpu.memory_space<vmem>>
          %dma_wait3A_50 = arith.constant 0 : i32
          %dma_wait3A_51 = arith.constant 0 : i32
          %dma_wait3A_52 = tpu.memref_slice %arg10[%dma_wait3A_50, %dma_wait3A_51] : memref<2560x128xf32, #tpu.memory_space<vmem_shared>> -> memref<2560x128xf32, #tpu.memory_space<vmem_shared>>
          tpu.wait_indirect_dma semaphore(%run_scoped3A : memref<!tpu.dma_semaphore, #tpu.memory_space<semaphore_mem>>) src(%arg9 : memref<128x128xf32, #tpu.memory_space<vmem>>) dst(%dma_wait3A_52 : memref<2560x128xf32, #tpu.memory_space<vmem_shared>>)
          tpu.yield
        }) : () -> ()
      }
      %scan3A_21 = arith.constant 16 : i32
    }
    %scan3A_5 = arith.constant 10 : i32
    %barrier3A_6 = arith.constant 0 : index
    tpu.barrier barrier_id(%barrier3A_6)
    %mul3A_7 = arith.constant 160 : i32
    %mul3A_8 = arith.muli %arg1, %mul3A_7 : i32
    %mul3A_9 = arith.constant 160 : i32
    %mul3A_10 = arith.muli %arg1, %mul3A_9 : i32
    "tpu.region"() ({
      %run_scoped3A = tpu.sem_alloc : memref<!tpu.dma_semaphore, #tpu.memory_space<semaphore_mem>>
      %dma_start3A = arith.constant 0 : i32
      %dma_start3A_11 = tpu.memref_slice %arg6[%arg0, %mul3A_10, %dma_start3A] : memref<2x2560x128xf32, #tpu.memory_space<hbm>> -> memref<1x160x128xf32, #tpu.memory_space<hbm>>
      %dma_start3A_12 = tpu.memref_squeeze %dma_start3A_11 : memref<1x160x128xf32, #tpu.memory_space<hbm>> -> memref<160x128xf32, #tpu.memory_space<hbm>>
      %dma_start3A_13 = arith.constant 0 : i32
      %dma_start3A_14 = tpu.memref_slice %arg10[%mul3A_8, %dma_start3A_13] : memref<2560x128xf32, #tpu.memory_space<vmem_shared>> -> memref<160x128xf32, #tpu.memory_space<vmem_shared>>
      tpu.enqueue_dma source(%dma_start3A_14 : memref<160x128xf32, #tpu.memory_space<vmem_shared>>) target(%dma_start3A_12 : memref<160x128xf32, #tpu.memory_space<hbm>>) target_semaphore(%run_scoped3A : memref<!tpu.dma_semaphore, #tpu.memory_space<semaphore_mem>>)
      %dma_wait3A = arith.constant 0 : i32
      %dma_wait3A_15 = tpu.memref_slice %arg6[%arg0, %mul3A_10, %dma_wait3A] : memref<2x2560x128xf32, #tpu.memory_space<hbm>> -> memref<1x160x128xf32, #tpu.memory_space<hbm>>
      %dma_wait3A_16 = tpu.memref_squeeze %dma_wait3A_15 : memref<1x160x128xf32, #tpu.memory_space<hbm>> -> memref<160x128xf32, #tpu.memory_space<hbm>>
      %dma_wait3A_17 = arith.constant 0 : i32
      %dma_wait3A_18 = tpu.memref_slice %arg10[%mul3A_8, %dma_wait3A_17] : memref<2560x128xf32, #tpu.memory_space<vmem_shared>> -> memref<160x128xf32, #tpu.memory_space<vmem_shared>>
      tpu.wait_dma2 semaphore(%run_scoped3A : memref<!tpu.dma_semaphore, #tpu.memory_space<semaphore_mem>>) src(%dma_wait3A_18 : memref<160x128xf32, #tpu.memory_space<vmem_shared>>) dst(%dma_wait3A_16 : memref<160x128xf32, #tpu.memory_space<hbm>>)
      tpu.yield
    }) : () -> ()
    return
  }
}

#map = affine_map<(d0, d1) -> (0, 0, 0)>
#map1 = affine_map<(d0, d1) -> (0, 0)>
module attributes {stable_mosaic.version = 14 : i64} {
  func.func @spmm(%arg0: i32, %arg1: i32, %arg2: memref<2x10000x128xf32, #tpu.memory_space<hbm>>, %arg3: memref<16x160x128xi32, #tpu.memory_space<hbm>>, %arg4: memref<16x160x128xi32, #tpu.memory_space<hbm>>, %arg5: memref<640x128xf32, #tpu.memory_space<hbm>>, %arg6: memref<2x2560x128xf32, #tpu.memory_space<hbm>>, %arg7: memref<16x128xi32, #tpu.memory_space<vmem>>, %arg8: memref<16x128xi32, #tpu.memory_space<vmem>>, %arg9: memref<128x128xf32, #tpu.memory_space<vmem>>, %arg10: memref<2560x128xf32, #tpu.memory_space<vmem_shared>>, %arg11: memref<!tpu.dma_semaphore, #tpu.memory_space<semaphore_mem>>) attributes {dimension_semantics = [#tpu.dimension_semantics<core_parallel>, #tpu.dimension_semantics<subcore_parallel>], iteration_bounds = array<i64: 2, 16>, scalar_prefetch = 0 : i64, scratch_operands = 5 : i64, tpu.core_type = #tpu.core_type<sc_vector_subcore>, window_params = [{transform_indices = #map}, {transform_indices = #map}, {transform_indices = #map}, {transform_indices = #map1}, {transform_indices = #map}]} {
    %mul3A = arith.constant 160 : i32
    %mul3A_0 = arith.muli %arg1, %mul3A : i32
    "tpu.region"() ({
      %run_scoped3A = tpu.sem_alloc : memref<!tpu.dma_semaphore, #tpu.memory_space<semaphore_mem>>
      %dma_start3A = arith.constant 0 : i32
      %dma_start3A_11 = tpu.memref_slice %arg10[%mul3A_0, %dma_start3A] : memref<2560x128xf32, #tpu.memory_space<vmem_shared>> -> memref<160x128xf32, #tpu.memory_space<vmem_shared>>
      %dma_start3A_12 = arith.constant 0 : i32
      %dma_start3A_13 = arith.constant 0 : i32
      %dma_start3A_14 = tpu.memref_slice %arg5[%dma_start3A_12, %dma_start3A_13] : memref<640x128xf32, #tpu.memory_space<hbm>> -> memref<160x128xf32, #tpu.memory_space<hbm>>
      tpu.enqueue_dma source(%dma_start3A_14 : memref<160x128xf32, #tpu.memory_space<hbm>>) target(%dma_start3A_11 : memref<160x128xf32, #tpu.memory_space<vmem_shared>>) target_semaphore(%run_scoped3A : memref<!tpu.dma_semaphore, #tpu.memory_space<semaphore_mem>>)
      %dma_wait3A = arith.constant 0 : i32
      %dma_wait3A_15 = tpu.memref_slice %arg10[%mul3A_0, %dma_wait3A] : memref<2560x128xf32, #tpu.memory_space<vmem_shared>> -> memref<160x128xf32, #tpu.memory_space<vmem_shared>>
      %dma_wait3A_16 = arith.constant 0 : i32
      %dma_wait3A_17 = arith.constant 0 : i32
      %dma_wait3A_18 = tpu.memref_slice %arg5[%dma_wait3A_16, %dma_wait3A_17] : memref<640x128xf32, #tpu.memory_space<hbm>> -> memref<160x128xf32, #tpu.memory_space<hbm>>
      tpu.wait_dma2 semaphore(%run_scoped3A : memref<!tpu.dma_semaphore, #tpu.memory_space<semaphore_mem>>) src(%dma_wait3A_18 : memref<160x128xf32, #tpu.memory_space<hbm>>) dst(%dma_wait3A_15 : memref<160x128xf32, #tpu.memory_space<vmem_shared>>)
      tpu.yield
    }) : () -> ()
    %barrier3A = arith.constant 0 : index
    tpu.barrier barrier_id(%barrier3A)
    %scan3A = arith.constant 0 : i32
    %scan3A_1 = arith.constant 0 : i32
    %scan3A_2 = arith.constant 10 : i32
    %scan3A_3 = arith.addi %scan3A_1, %scan3A_2 : i32
    %scan3A_4 = arith.constant 1 : i32
    scf.for %scan3A_11 = %scan3A_1 to %scan3A_3 step %scan3A_4  : i32 {
      %mul3A_12 = arith.constant 16 : i32
      %mul3A_13 = arith.muli %scan3A_11, %mul3A_12 : i32
      "tpu.region"() ({
        %run_scoped3A = tpu.sem_alloc : memref<!tpu.dma_semaphore, #tpu.memory_space<semaphore_mem>>
        %dma_start3A = arith.constant 0 : i32
        %dma_start3A_22 = tpu.memref_slice %arg3[%arg1, %mul3A_13, %dma_start3A] : memref<16x160x128xi32, #tpu.memory_space<hbm>> -> memref<1x16x128xi32, #tpu.memory_space<hbm>>
        %dma_start3A_23 = tpu.memref_squeeze %dma_start3A_22 : memref<1x16x128xi32, #tpu.memory_space<hbm>> -> memref<16x128xi32, #tpu.memory_space<hbm>>
        %dma_start3A_24 = arith.constant 0 : i32
        %dma_start3A_25 = tpu.memref_slice %arg3[%arg1, %mul3A_13, %dma_start3A_24] : memref<16x160x128xi32, #tpu.memory_space<hbm>> -> memref<1x16x128xi32, #tpu.memory_space<hbm>>
        %dma_start3A_26 = tpu.memref_squeeze %dma_start3A_25 : memref<1x16x128xi32, #tpu.memory_space<hbm>> -> memref<16x128xi32, #tpu.memory_space<hbm>>
        tpu.enqueue_dma source(%dma_start3A_26 : memref<16x128xi32, #tpu.memory_space<hbm>>) target(%arg7 : memref<16x128xi32, #tpu.memory_space<vmem>>) target_semaphore(%run_scoped3A : memref<!tpu.dma_semaphore, #tpu.memory_space<semaphore_mem>>)
        %dma_wait3A = arith.constant 0 : i32
        %dma_wait3A_27 = tpu.memref_slice %arg3[%arg1, %mul3A_13, %dma_wait3A] : memref<16x160x128xi32, #tpu.memory_space<hbm>> -> memref<1x16x128xi32, #tpu.memory_space<hbm>>
        %dma_wait3A_28 = tpu.memref_squeeze %dma_wait3A_27 : memref<1x16x128xi32, #tpu.memory_space<hbm>> -> memref<16x128xi32, #tpu.memory_space<hbm>>
        %dma_wait3A_29 = arith.constant 0 : i32
        %dma_wait3A_30 = tpu.memref_slice %arg3[%arg1, %mul3A_13, %dma_wait3A_29] : memref<16x160x128xi32, #tpu.memory_space<hbm>> -> memref<1x16x128xi32, #tpu.memory_space<hbm>>
        %dma_wait3A_31 = tpu.memref_squeeze %dma_wait3A_30 : memref<1x16x128xi32, #tpu.memory_space<hbm>> -> memref<16x128xi32, #tpu.memory_space<hbm>>
        tpu.wait_dma2 semaphore(%run_scoped3A : memref<!tpu.dma_semaphore, #tpu.memory_space<semaphore_mem>>) src(%dma_wait3A_31 : memref<16x128xi32, #tpu.memory_space<hbm>>) dst(%arg7 : memref<16x128xi32, #tpu.memory_space<vmem>>)
        tpu.yield
      }) : () -> ()
      %mul3A_14 = arith.constant 16 : i32
      %mul3A_15 = arith.muli %scan3A_11, %mul3A_14 : i32
      "tpu.region"() ({
        %run_scoped3A = tpu.sem_alloc : memref<!tpu.dma_semaphore, #tpu.memory_space<semaphore_mem>>
        %dma_start3A = arith.constant 0 : i32
        %dma_start3A_22 = tpu.memref_slice %arg4[%arg1, %mul3A_15, %dma_start3A] : memref<16x160x128xi32, #tpu.memory_space<hbm>> -> memref<1x16x128xi32, #tpu.memory_space<hbm>>
        %dma_start3A_23 = tpu.memref_squeeze %dma_start3A_22 : memref<1x16x128xi32, #tpu.memory_space<hbm>> -> memref<16x128xi32, #tpu.memory_space<hbm>>
        %dma_start3A_24 = arith.constant 0 : i32
        %dma_start3A_25 = tpu.memref_slice %arg4[%arg1, %mul3A_15, %dma_start3A_24] : memref<16x160x128xi32, #tpu.memory_space<hbm>> -> memref<1x16x128xi32, #tpu.memory_space<hbm>>
        %dma_start3A_26 = tpu.memref_squeeze %dma_start3A_25 : memref<1x16x128xi32, #tpu.memory_space<hbm>> -> memref<16x128xi32, #tpu.memory_space<hbm>>
        tpu.enqueue_dma source(%dma_start3A_26 : memref<16x128xi32, #tpu.memory_space<hbm>>) target(%arg8 : memref<16x128xi32, #tpu.memory_space<vmem>>) target_semaphore(%run_scoped3A : memref<!tpu.dma_semaphore, #tpu.memory_space<semaphore_mem>>)
        %dma_wait3A = arith.constant 0 : i32
        %dma_wait3A_27 = tpu.memref_slice %arg4[%arg1, %mul3A_15, %dma_wait3A] : memref<16x160x128xi32, #tpu.memory_space<hbm>> -> memref<1x16x128xi32, #tpu.memory_space<hbm>>
        %dma_wait3A_28 = tpu.memref_squeeze %dma_wait3A_27 : memref<1x16x128xi32, #tpu.memory_space<hbm>> -> memref<16x128xi32, #tpu.memory_space<hbm>>
        %dma_wait3A_29 = arith.constant 0 : i32
        %dma_wait3A_30 = tpu.memref_slice %arg4[%arg1, %mul3A_15, %dma_wait3A_29] : memref<16x160x128xi32, #tpu.memory_space<hbm>> -> memref<1x16x128xi32, #tpu.memory_space<hbm>>
        %dma_wait3A_31 = tpu.memref_squeeze %dma_wait3A_30 : memref<1x16x128xi32, #tpu.memory_space<hbm>> -> memref<16x128xi32, #tpu.memory_space<hbm>>
        tpu.wait_dma2 semaphore(%run_scoped3A : memref<!tpu.dma_semaphore, #tpu.memory_space<semaphore_mem>>) src(%dma_wait3A_31 : memref<16x128xi32, #tpu.memory_space<hbm>>) dst(%arg8 : memref<16x128xi32, #tpu.memory_space<vmem>>)
        tpu.yield
      }) : () -> ()
      %scan3A_16 = arith.constant 0 : i32
      %scan3A_17 = arith.constant 0 : i32
      %scan3A_18 = arith.constant 16 : i32
      %scan3A_19 = arith.addi %scan3A_17, %scan3A_18 : i32
      %scan3A_20 = arith.constant 1 : i32
      scf.for %scan3A_22 = %scan3A_17 to %scan3A_19 step %scan3A_20  : i32 {
        %dma_start3A = arith.constant 0 : i32
        %dma_start3A_23 = tpu.memref_slice %arg7[%scan3A_22, %dma_start3A] : memref<16x128xi32, #tpu.memory_space<vmem>> -> memref<1x128xi32, #tpu.memory_space<vmem>>
        %dma_start3A_24 = tpu.memref_squeeze %dma_start3A_23 : memref<1x128xi32, #tpu.memory_space<vmem>> -> memref<128xi32, #tpu.memory_space<vmem>>
        %dma_start3A_25 = arith.constant 0 : i32
        %dma_start3A_26 = arith.constant 0 : i32
        %dma_start3A_27 = tpu.memref_slice %arg2[%arg0, %dma_start3A_25, %dma_start3A_26] : memref<2x10000x128xf32, #tpu.memory_space<hbm>> -> memref<1x10000x128xf32, #tpu.memory_space<hbm>>
        %dma_start3A_28 = tpu.memref_squeeze %dma_start3A_27 : memref<1x10000x128xf32, #tpu.memory_space<hbm>> -> memref<10000x128xf32, #tpu.memory_space<hbm>>
        %dma_start3A_29 = arith.constant 0 : i32
        %dma_start3A_30 = arith.constant 0 : i32
        %dma_start3A_31 = tpu.memref_slice %dma_start3A_28[%dma_start3A_29, %dma_start3A_30] : memref<10000x128xf32, #tpu.memory_space<hbm>> -> memref<10000x128xf32, #tpu.memory_space<hbm>>
        tpu.enqueue_indirect_dma source(%dma_start3A_31 : memref<10000x128xf32, #tpu.memory_space<hbm>>) target(%arg9 : memref<128x128xf32, #tpu.memory_space<vmem>>) offsets(%dma_start3A_24 : memref<128xi32, #tpu.memory_space<vmem>>) semaphore(%arg11 : memref<!tpu.dma_semaphore, #tpu.memory_space<semaphore_mem>>)
        %dma_wait3A = arith.constant 0 : i32
        %dma_wait3A_32 = tpu.memref_slice %arg7[%scan3A_22, %dma_wait3A] : memref<16x128xi32, #tpu.memory_space<vmem>> -> memref<1x128xi32, #tpu.memory_space<vmem>>
        %dma_wait3A_33 = tpu.memref_squeeze %dma_wait3A_32 : memref<1x128xi32, #tpu.memory_space<vmem>> -> memref<128xi32, #tpu.memory_space<vmem>>
        %dma_wait3A_34 = arith.constant 0 : i32
        %dma_wait3A_35 = arith.constant 0 : i32
        %dma_wait3A_36 = tpu.memref_slice %arg2[%arg0, %dma_wait3A_34, %dma_wait3A_35] : memref<2x10000x128xf32, #tpu.memory_space<hbm>> -> memref<1x10000x128xf32, #tpu.memory_space<hbm>>
        %dma_wait3A_37 = tpu.memref_squeeze %dma_wait3A_36 : memref<1x10000x128xf32, #tpu.memory_space<hbm>> -> memref<10000x128xf32, #tpu.memory_space<hbm>>
        %dma_wait3A_38 = arith.constant 0 : i32
        %dma_wait3A_39 = arith.constant 0 : i32
        %dma_wait3A_40 = tpu.memref_slice %dma_wait3A_37[%dma_wait3A_38, %dma_wait3A_39] : memref<10000x128xf32, #tpu.memory_space<hbm>> -> memref<10000x128xf32, #tpu.memory_space<hbm>>
        tpu.wait_indirect_dma semaphore(%arg11 : memref<!tpu.dma_semaphore, #tpu.memory_space<semaphore_mem>>) src(%dma_wait3A_40 : memref<10000x128xf32, #tpu.memory_space<hbm>>) dst(%arg9 : memref<128x128xf32, #tpu.memory_space<vmem>>)
        "tpu.region"() ({
          %run_scoped3A = tpu.sem_alloc : memref<!tpu.dma_semaphore, #tpu.memory_space<semaphore_mem>>
          %dma_start3A_41 = arith.constant 0 : i32
          %dma_start3A_42 = tpu.memref_slice %arg8[%scan3A_22, %dma_start3A_41] : memref<16x128xi32, #tpu.memory_space<vmem>> -> memref<1x128xi32, #tpu.memory_space<vmem>>
          %dma_start3A_43 = tpu.memref_squeeze %dma_start3A_42 : memref<1x128xi32, #tpu.memory_space<vmem>> -> memref<128xi32, #tpu.memory_space<vmem>>
          %dma_start3A_44 = arith.constant 0 : i32
          %dma_start3A_45 = arith.constant 0 : i32
          %dma_start3A_46 = tpu.memref_slice %arg10[%dma_start3A_44, %dma_start3A_45] : memref<2560x128xf32, #tpu.memory_space<vmem_shared>> -> memref<2560x128xf32, #tpu.memory_space<vmem_shared>>
          tpu.enqueue_indirect_dma source(%arg9 : memref<128x128xf32, #tpu.memory_space<vmem>>) target(%dma_start3A_46 : memref<2560x128xf32, #tpu.memory_space<vmem_shared>>) offsets(%dma_start3A_43 : memref<128xi32, #tpu.memory_space<vmem>>) semaphore(%run_scoped3A : memref<!tpu.dma_semaphore, #tpu.memory_space<semaphore_mem>>) {add = true}
          %dma_wait3A_47 = arith.constant 0 : i32
          %dma_wait3A_48 = tpu.memref_slice %arg8[%scan3A_22, %dma_wait3A_47] : memref<16x128xi32, #tpu.memory_space<vmem>> -> memref<1x128xi32, #tpu.memory_space<vmem>>
          %dma_wait3A_49 = tpu.memref_squeeze %dma_wait3A_48 : memref<1x128xi32, #tpu.memory_space<vmem>> -> memref<128xi32, #tpu.memory_space<vmem>>
          %dma_wait3A_50 = arith.constant 0 : i32
          %dma_wait3A_51 = arith.constant 0 : i32
          %dma_wait3A_52 = tpu.memref_slice %arg10[%dma_wait3A_50, %dma_wait3A_51] : memref<2560x128xf32, #tpu.memory_space<vmem_shared>> -> memref<2560x128xf32, #tpu.memory_space<vmem_shared>>
          tpu.wait_indirect_dma semaphore(%run_scoped3A : memref<!tpu.dma_semaphore, #tpu.memory_space<semaphore_mem>>) src(%arg9 : memref<128x128xf32, #tpu.memory_space<vmem>>) dst(%dma_wait3A_52 : memref<2560x128xf32, #tpu.memory_space<vmem_shared>>)
          tpu.yield
        }) : () -> ()
      }
      %scan3A_21 = arith.constant 16 : i32
    }
    %scan3A_5 = arith.constant 10 : i32
    %barrier3A_6 = arith.constant 0 : index
    tpu.barrier barrier_id(%barrier3A_6)
    %mul3A_7 = arith.constant 160 : i32
    %mul3A_8 = arith.muli %arg1, %mul3A_7 : i32
    %mul3A_9 = arith.constant 160 : i32
    %mul3A_10 = arith.muli %arg1, %mul3A_9 : i32
    "tpu.region"() ({
      %run_scoped3A = tpu.sem_alloc : memref<!tpu.dma_semaphore, #tpu.memory_space<semaphore_mem>>
      %dma_start3A = arith.constant 0 : i32
      %dma_start3A_11 = tpu.memref_slice %arg6[%arg0, %mul3A_10, %dma_start3A] : memref<2x2560x128xf32, #tpu.memory_space<hbm>> -> memref<1x160x128xf32, #tpu.memory_space<hbm>>
      %dma_start3A_12 = tpu.memref_squeeze %dma_start3A_11 : memref<1x160x128xf32, #tpu.memory_space<hbm>> -> memref<160x128xf32, #tpu.memory_space<hbm>>
      %dma_start3A_13 = arith.constant 0 : i32
      %dma_start3A_14 = tpu.memref_slice %arg10[%mul3A_8, %dma_start3A_13] : memref<2560x128xf32, #tpu.memory_space<vmem_shared>> -> memref<160x128xf32, #tpu.memory_space<vmem_shared>>
      tpu.enqueue_dma source(%dma_start3A_14 : memref<160x128xf32, #tpu.memory_space<vmem_shared>>) target(%dma_start3A_12 : memref<160x128xf32, #tpu.memory_space<hbm>>) target_semaphore(%run_scoped3A : memref<!tpu.dma_semaphore, #tpu.memory_space<semaphore_mem>>)
      %dma_wait3A = arith.constant 0 : i32
      %dma_wait3A_15 = tpu.memref_slice %arg6[%arg0, %mul3A_10, %dma_wait3A] : memref<2x2560x128xf32, #tpu.memory_space<hbm>> -> memref<1x160x128xf32, #tpu.memory_space<hbm>>
      %dma_wait3A_16 = tpu.memref_squeeze %dma_wait3A_15 : memref<1x160x128xf32, #tpu.memory_space<hbm>> -> memref<160x128xf32, #tpu.memory_space<hbm>>
      %dma_wait3A_17 = arith.constant 0 : i32
      %dma_wait3A_18 = tpu.memref_slice %arg10[%mul3A_8, %dma_wait3A_17] : memref<2560x128xf32, #tpu.memory_space<vmem_shared>> -> memref<160x128xf32, #tpu.memory_space<vmem_shared>>
      tpu.wait_dma2 semaphore(%run_scoped3A : memref<!tpu.dma_semaphore, #tpu.memory_space<semaphore_mem>>) src(%dma_wait3A_18 : memref<160x128xf32, #tpu.memory_space<vmem_shared>>) dst(%dma_wait3A_16 : memref<160x128xf32, #tpu.memory_space<hbm>>)
      tpu.yield
    }) : () -> ()
    return
  }
}

#map = affine_map<(d0, d1) -> (0, 0, 0)>
#map1 = affine_map<(d0, d1) -> (0, 0)>
module attributes {stable_mosaic.version = 14 : i64} {
  func.func @spmm(%arg0: i32, %arg1: i32, %arg2: memref<2x2500x128xf32, #tpu.memory_space<hbm>>, %arg3: memref<16x160x128xi32, #tpu.memory_space<hbm>>, %arg4: memref<16x160x128xi32, #tpu.memory_space<hbm>>, %arg5: memref<640x128xf32, #tpu.memory_space<hbm>>, %arg6: memref<2x10240x128xf32, #tpu.memory_space<hbm>>, %arg7: memref<16x128xi32, #tpu.memory_space<vmem>>, %arg8: memref<16x128xi32, #tpu.memory_space<vmem>>, %arg9: memref<128x128xf32, #tpu.memory_space<vmem>>, %arg10: memref<10240x128xf32, #tpu.memory_space<vmem_shared>>, %arg11: memref<!tpu.dma_semaphore, #tpu.memory_space<semaphore_mem>>) attributes {dimension_semantics = [#tpu.dimension_semantics<core_parallel>, #tpu.dimension_semantics<subcore_parallel>], iteration_bounds = array<i64: 2, 16>, scalar_prefetch = 0 : i64, scratch_operands = 5 : i64, tpu.core_type = #tpu.core_type<sc_vector_subcore>, window_params = [{transform_indices = #map}, {transform_indices = #map}, {transform_indices = #map}, {transform_indices = #map1}, {transform_indices = #map}]} {
    %mul3A = arith.constant 640 : i32
    %mul3A_0 = arith.muli %arg1, %mul3A : i32
    "tpu.region"() ({
      %run_scoped3A = tpu.sem_alloc : memref<!tpu.dma_semaphore, #tpu.memory_space<semaphore_mem>>
      %dma_start3A = arith.constant 0 : i32
      %dma_start3A_11 = tpu.memref_slice %arg10[%mul3A_0, %dma_start3A] : memref<10240x128xf32, #tpu.memory_space<vmem_shared>> -> memref<640x128xf32, #tpu.memory_space<vmem_shared>>
      %dma_start3A_12 = arith.constant 0 : i32
      %dma_start3A_13 = arith.constant 0 : i32
      %dma_start3A_14 = tpu.memref_slice %arg5[%dma_start3A_12, %dma_start3A_13] : memref<640x128xf32, #tpu.memory_space<hbm>> -> memref<640x128xf32, #tpu.memory_space<hbm>>
      tpu.enqueue_dma source(%dma_start3A_14 : memref<640x128xf32, #tpu.memory_space<hbm>>) target(%dma_start3A_11 : memref<640x128xf32, #tpu.memory_space<vmem_shared>>) target_semaphore(%run_scoped3A : memref<!tpu.dma_semaphore, #tpu.memory_space<semaphore_mem>>)
      %dma_wait3A = arith.constant 0 : i32
      %dma_wait3A_15 = tpu.memref_slice %arg10[%mul3A_0, %dma_wait3A] : memref<10240x128xf32, #tpu.memory_space<vmem_shared>> -> memref<640x128xf32, #tpu.memory_space<vmem_shared>>
      %dma_wait3A_16 = arith.constant 0 : i32
      %dma_wait3A_17 = arith.constant 0 : i32
      %dma_wait3A_18 = tpu.memref_slice %arg5[%dma_wait3A_16, %dma_wait3A_17] : memref<640x128xf32, #tpu.memory_space<hbm>> -> memref<640x128xf32, #tpu.memory_space<hbm>>
      tpu.wait_dma2 semaphore(%run_scoped3A : memref<!tpu.dma_semaphore, #tpu.memory_space<semaphore_mem>>) src(%dma_wait3A_18 : memref<640x128xf32, #tpu.memory_space<hbm>>) dst(%dma_wait3A_15 : memref<640x128xf32, #tpu.memory_space<vmem_shared>>)
      tpu.yield
    }) : () -> ()
    %barrier3A = arith.constant 0 : index
    tpu.barrier barrier_id(%barrier3A)
    %scan3A = arith.constant 0 : i32
    %scan3A_1 = arith.constant 0 : i32
    %scan3A_2 = arith.constant 10 : i32
    %scan3A_3 = arith.addi %scan3A_1, %scan3A_2 : i32
    %scan3A_4 = arith.constant 1 : i32
    scf.for %scan3A_11 = %scan3A_1 to %scan3A_3 step %scan3A_4  : i32 {
      %mul3A_12 = arith.constant 16 : i32
      %mul3A_13 = arith.muli %scan3A_11, %mul3A_12 : i32
      "tpu.region"() ({
        %run_scoped3A = tpu.sem_alloc : memref<!tpu.dma_semaphore, #tpu.memory_space<semaphore_mem>>
        %dma_start3A = arith.constant 0 : i32
        %dma_start3A_22 = tpu.memref_slice %arg3[%arg1, %mul3A_13, %dma_start3A] : memref<16x160x128xi32, #tpu.memory_space<hbm>> -> memref<1x16x128xi32, #tpu.memory_space<hbm>>
        %dma_start3A_23 = tpu.memref_squeeze %dma_start3A_22 : memref<1x16x128xi32, #tpu.memory_space<hbm>> -> memref<16x128xi32, #tpu.memory_space<hbm>>
        %dma_start3A_24 = arith.constant 0 : i32
        %dma_start3A_25 = tpu.memref_slice %arg3[%arg1, %mul3A_13, %dma_start3A_24] : memref<16x160x128xi32, #tpu.memory_space<hbm>> -> memref<1x16x128xi32, #tpu.memory_space<hbm>>
        %dma_start3A_26 = tpu.memref_squeeze %dma_start3A_25 : memref<1x16x128xi32, #tpu.memory_space<hbm>> -> memref<16x128xi32, #tpu.memory_space<hbm>>
        tpu.enqueue_dma source(%dma_start3A_26 : memref<16x128xi32, #tpu.memory_space<hbm>>) target(%arg7 : memref<16x128xi32, #tpu.memory_space<vmem>>) target_semaphore(%run_scoped3A : memref<!tpu.dma_semaphore, #tpu.memory_space<semaphore_mem>>)
        %dma_wait3A = arith.constant 0 : i32
        %dma_wait3A_27 = tpu.memref_slice %arg3[%arg1, %mul3A_13, %dma_wait3A] : memref<16x160x128xi32, #tpu.memory_space<hbm>> -> memref<1x16x128xi32, #tpu.memory_space<hbm>>
        %dma_wait3A_28 = tpu.memref_squeeze %dma_wait3A_27 : memref<1x16x128xi32, #tpu.memory_space<hbm>> -> memref<16x128xi32, #tpu.memory_space<hbm>>
        %dma_wait3A_29 = arith.constant 0 : i32
        %dma_wait3A_30 = tpu.memref_slice %arg3[%arg1, %mul3A_13, %dma_wait3A_29] : memref<16x160x128xi32, #tpu.memory_space<hbm>> -> memref<1x16x128xi32, #tpu.memory_space<hbm>>
        %dma_wait3A_31 = tpu.memref_squeeze %dma_wait3A_30 : memref<1x16x128xi32, #tpu.memory_space<hbm>> -> memref<16x128xi32, #tpu.memory_space<hbm>>
        tpu.wait_dma2 semaphore(%run_scoped3A : memref<!tpu.dma_semaphore, #tpu.memory_space<semaphore_mem>>) src(%dma_wait3A_31 : memref<16x128xi32, #tpu.memory_space<hbm>>) dst(%arg7 : memref<16x128xi32, #tpu.memory_space<vmem>>)
        tpu.yield
      }) : () -> ()
      %mul3A_14 = arith.constant 16 : i32
      %mul3A_15 = arith.muli %scan3A_11, %mul3A_14 : i32
      "tpu.region"() ({
        %run_scoped3A = tpu.sem_alloc : memref<!tpu.dma_semaphore, #tpu.memory_space<semaphore_mem>>
        %dma_start3A = arith.constant 0 : i32
        %dma_start3A_22 = tpu.memref_slice %arg4[%arg1, %mul3A_15, %dma_start3A] : memref<16x160x128xi32, #tpu.memory_space<hbm>> -> memref<1x16x128xi32, #tpu.memory_space<hbm>>
        %dma_start3A_23 = tpu.memref_squeeze %dma_start3A_22 : memref<1x16x128xi32, #tpu.memory_space<hbm>> -> memref<16x128xi32, #tpu.memory_space<hbm>>
        %dma_start3A_24 = arith.constant 0 : i32
        %dma_start3A_25 = tpu.memref_slice %arg4[%arg1, %mul3A_15, %dma_start3A_24] : memref<16x160x128xi32, #tpu.memory_space<hbm>> -> memref<1x16x128xi32, #tpu.memory_space<hbm>>
        %dma_start3A_26 = tpu.memref_squeeze %dma_start3A_25 : memref<1x16x128xi32, #tpu.memory_space<hbm>> -> memref<16x128xi32, #tpu.memory_space<hbm>>
        tpu.enqueue_dma source(%dma_start3A_26 : memref<16x128xi32, #tpu.memory_space<hbm>>) target(%arg8 : memref<16x128xi32, #tpu.memory_space<vmem>>) target_semaphore(%run_scoped3A : memref<!tpu.dma_semaphore, #tpu.memory_space<semaphore_mem>>)
        %dma_wait3A = arith.constant 0 : i32
        %dma_wait3A_27 = tpu.memref_slice %arg4[%arg1, %mul3A_15, %dma_wait3A] : memref<16x160x128xi32, #tpu.memory_space<hbm>> -> memref<1x16x128xi32, #tpu.memory_space<hbm>>
        %dma_wait3A_28 = tpu.memref_squeeze %dma_wait3A_27 : memref<1x16x128xi32, #tpu.memory_space<hbm>> -> memref<16x128xi32, #tpu.memory_space<hbm>>
        %dma_wait3A_29 = arith.constant 0 : i32
        %dma_wait3A_30 = tpu.memref_slice %arg4[%arg1, %mul3A_15, %dma_wait3A_29] : memref<16x160x128xi32, #tpu.memory_space<hbm>> -> memref<1x16x128xi32, #tpu.memory_space<hbm>>
        %dma_wait3A_31 = tpu.memref_squeeze %dma_wait3A_30 : memref<1x16x128xi32, #tpu.memory_space<hbm>> -> memref<16x128xi32, #tpu.memory_space<hbm>>
        tpu.wait_dma2 semaphore(%run_scoped3A : memref<!tpu.dma_semaphore, #tpu.memory_space<semaphore_mem>>) src(%dma_wait3A_31 : memref<16x128xi32, #tpu.memory_space<hbm>>) dst(%arg8 : memref<16x128xi32, #tpu.memory_space<vmem>>)
        tpu.yield
      }) : () -> ()
      %scan3A_16 = arith.constant 0 : i32
      %scan3A_17 = arith.constant 0 : i32
      %scan3A_18 = arith.constant 16 : i32
      %scan3A_19 = arith.addi %scan3A_17, %scan3A_18 : i32
      %scan3A_20 = arith.constant 1 : i32
      scf.for %scan3A_22 = %scan3A_17 to %scan3A_19 step %scan3A_20  : i32 {
        %dma_start3A = arith.constant 0 : i32
        %dma_start3A_23 = tpu.memref_slice %arg7[%scan3A_22, %dma_start3A] : memref<16x128xi32, #tpu.memory_space<vmem>> -> memref<1x128xi32, #tpu.memory_space<vmem>>
        %dma_start3A_24 = tpu.memref_squeeze %dma_start3A_23 : memref<1x128xi32, #tpu.memory_space<vmem>> -> memref<128xi32, #tpu.memory_space<vmem>>
        %dma_start3A_25 = arith.constant 0 : i32
        %dma_start3A_26 = arith.constant 0 : i32
        %dma_start3A_27 = tpu.memref_slice %arg2[%arg0, %dma_start3A_25, %dma_start3A_26] : memref<2x2500x128xf32, #tpu.memory_space<hbm>> -> memref<1x2500x128xf32, #tpu.memory_space<hbm>>
        %dma_start3A_28 = tpu.memref_squeeze %dma_start3A_27 : memref<1x2500x128xf32, #tpu.memory_space<hbm>> -> memref<2500x128xf32, #tpu.memory_space<hbm>>
        %dma_start3A_29 = arith.constant 0 : i32
        %dma_start3A_30 = arith.constant 0 : i32
        %dma_start3A_31 = tpu.memref_slice %dma_start3A_28[%dma_start3A_29, %dma_start3A_30] : memref<2500x128xf32, #tpu.memory_space<hbm>> -> memref<2500x128xf32, #tpu.memory_space<hbm>>
        tpu.enqueue_indirect_dma source(%dma_start3A_31 : memref<2500x128xf32, #tpu.memory_space<hbm>>) target(%arg9 : memref<128x128xf32, #tpu.memory_space<vmem>>) offsets(%dma_start3A_24 : memref<128xi32, #tpu.memory_space<vmem>>) semaphore(%arg11 : memref<!tpu.dma_semaphore, #tpu.memory_space<semaphore_mem>>)
        %dma_wait3A = arith.constant 0 : i32
        %dma_wait3A_32 = tpu.memref_slice %arg7[%scan3A_22, %dma_wait3A] : memref<16x128xi32, #tpu.memory_space<vmem>> -> memref<1x128xi32, #tpu.memory_space<vmem>>
        %dma_wait3A_33 = tpu.memref_squeeze %dma_wait3A_32 : memref<1x128xi32, #tpu.memory_space<vmem>> -> memref<128xi32, #tpu.memory_space<vmem>>
        %dma_wait3A_34 = arith.constant 0 : i32
        %dma_wait3A_35 = arith.constant 0 : i32
        %dma_wait3A_36 = tpu.memref_slice %arg2[%arg0, %dma_wait3A_34, %dma_wait3A_35] : memref<2x2500x128xf32, #tpu.memory_space<hbm>> -> memref<1x2500x128xf32, #tpu.memory_space<hbm>>
        %dma_wait3A_37 = tpu.memref_squeeze %dma_wait3A_36 : memref<1x2500x128xf32, #tpu.memory_space<hbm>> -> memref<2500x128xf32, #tpu.memory_space<hbm>>
        %dma_wait3A_38 = arith.constant 0 : i32
        %dma_wait3A_39 = arith.constant 0 : i32
        %dma_wait3A_40 = tpu.memref_slice %dma_wait3A_37[%dma_wait3A_38, %dma_wait3A_39] : memref<2500x128xf32, #tpu.memory_space<hbm>> -> memref<2500x128xf32, #tpu.memory_space<hbm>>
        tpu.wait_indirect_dma semaphore(%arg11 : memref<!tpu.dma_semaphore, #tpu.memory_space<semaphore_mem>>) src(%dma_wait3A_40 : memref<2500x128xf32, #tpu.memory_space<hbm>>) dst(%arg9 : memref<128x128xf32, #tpu.memory_space<vmem>>)
        "tpu.region"() ({
          %run_scoped3A = tpu.sem_alloc : memref<!tpu.dma_semaphore, #tpu.memory_space<semaphore_mem>>
          %dma_start3A_41 = arith.constant 0 : i32
          %dma_start3A_42 = tpu.memref_slice %arg8[%scan3A_22, %dma_start3A_41] : memref<16x128xi32, #tpu.memory_space<vmem>> -> memref<1x128xi32, #tpu.memory_space<vmem>>
          %dma_start3A_43 = tpu.memref_squeeze %dma_start3A_42 : memref<1x128xi32, #tpu.memory_space<vmem>> -> memref<128xi32, #tpu.memory_space<vmem>>
          %dma_start3A_44 = arith.constant 0 : i32
          %dma_start3A_45 = arith.constant 0 : i32
          %dma_start3A_46 = tpu.memref_slice %arg10[%dma_start3A_44, %dma_start3A_45] : memref<10240x128xf32, #tpu.memory_space<vmem_shared>> -> memref<10240x128xf32, #tpu.memory_space<vmem_shared>>
          tpu.enqueue_indirect_dma source(%arg9 : memref<128x128xf32, #tpu.memory_space<vmem>>) target(%dma_start3A_46 : memref<10240x128xf32, #tpu.memory_space<vmem_shared>>) offsets(%dma_start3A_43 : memref<128xi32, #tpu.memory_space<vmem>>) semaphore(%run_scoped3A : memref<!tpu.dma_semaphore, #tpu.memory_space<semaphore_mem>>) {add = true}
          %dma_wait3A_47 = arith.constant 0 : i32
          %dma_wait3A_48 = tpu.memref_slice %arg8[%scan3A_22, %dma_wait3A_47] : memref<16x128xi32, #tpu.memory_space<vmem>> -> memref<1x128xi32, #tpu.memory_space<vmem>>
          %dma_wait3A_49 = tpu.memref_squeeze %dma_wait3A_48 : memref<1x128xi32, #tpu.memory_space<vmem>> -> memref<128xi32, #tpu.memory_space<vmem>>
          %dma_wait3A_50 = arith.constant 0 : i32
          %dma_wait3A_51 = arith.constant 0 : i32
          %dma_wait3A_52 = tpu.memref_slice %arg10[%dma_wait3A_50, %dma_wait3A_51] : memref<10240x128xf32, #tpu.memory_space<vmem_shared>> -> memref<10240x128xf32, #tpu.memory_space<vmem_shared>>
          tpu.wait_indirect_dma semaphore(%run_scoped3A : memref<!tpu.dma_semaphore, #tpu.memory_space<semaphore_mem>>) src(%arg9 : memref<128x128xf32, #tpu.memory_space<vmem>>) dst(%dma_wait3A_52 : memref<10240x128xf32, #tpu.memory_space<vmem_shared>>)
          tpu.yield
        }) : () -> ()
      }
      %scan3A_21 = arith.constant 16 : i32
    }
    %scan3A_5 = arith.constant 10 : i32
    %barrier3A_6 = arith.constant 0 : index
    tpu.barrier barrier_id(%barrier3A_6)
    %mul3A_7 = arith.constant 640 : i32
    %mul3A_8 = arith.muli %arg1, %mul3A_7 : i32
    %mul3A_9 = arith.constant 640 : i32
    %mul3A_10 = arith.muli %arg1, %mul3A_9 : i32
    "tpu.region"() ({
      %run_scoped3A = tpu.sem_alloc : memref<!tpu.dma_semaphore, #tpu.memory_space<semaphore_mem>>
      %dma_start3A = arith.constant 0 : i32
      %dma_start3A_11 = tpu.memref_slice %arg6[%arg0, %mul3A_10, %dma_start3A] : memref<2x10240x128xf32, #tpu.memory_space<hbm>> -> memref<1x640x128xf32, #tpu.memory_space<hbm>>
      %dma_start3A_12 = tpu.memref_squeeze %dma_start3A_11 : memref<1x640x128xf32, #tpu.memory_space<hbm>> -> memref<640x128xf32, #tpu.memory_space<hbm>>
      %dma_start3A_13 = arith.constant 0 : i32
      %dma_start3A_14 = tpu.memref_slice %arg10[%mul3A_8, %dma_start3A_13] : memref<10240x128xf32, #tpu.memory_space<vmem_shared>> -> memref<640x128xf32, #tpu.memory_space<vmem_shared>>
      tpu.enqueue_dma source(%dma_start3A_14 : memref<640x128xf32, #tpu.memory_space<vmem_shared>>) target(%dma_start3A_12 : memref<640x128xf32, #tpu.memory_space<hbm>>) target_semaphore(%run_scoped3A : memref<!tpu.dma_semaphore, #tpu.memory_space<semaphore_mem>>)
      %dma_wait3A = arith.constant 0 : i32
      %dma_wait3A_15 = tpu.memref_slice %arg6[%arg0, %mul3A_10, %dma_wait3A] : memref<2x10240x128xf32, #tpu.memory_space<hbm>> -> memref<1x640x128xf32, #tpu.memory_space<hbm>>
      %dma_wait3A_16 = tpu.memref_squeeze %dma_wait3A_15 : memref<1x640x128xf32, #tpu.memory_space<hbm>> -> memref<640x128xf32, #tpu.memory_space<hbm>>
      %dma_wait3A_17 = arith.constant 0 : i32
      %dma_wait3A_18 = tpu.memref_slice %arg10[%mul3A_8, %dma_wait3A_17] : memref<10240x128xf32, #tpu.memory_space<vmem_shared>> -> memref<640x128xf32, #tpu.memory_space<vmem_shared>>
      tpu.wait_dma2 semaphore(%run_scoped3A : memref<!tpu.dma_semaphore, #tpu.memory_space<semaphore_mem>>) src(%dma_wait3A_18 : memref<640x128xf32, #tpu.memory_space<vmem_shared>>) dst(%dma_wait3A_16 : memref<640x128xf32, #tpu.memory_space<hbm>>)
      tpu.yield
    }) : () -> ()
    return
  }
}

module attributes {stable_mosaic.version = 14 : i64} {
  func.func @_cards_body(%arg0: memref<32x80x128xf32, #tpu.memory_space<vmem>>, %arg1: memref<32x24x128xf32, #tpu.memory_space<vmem>>, %arg2: memref<80x128xf32, #tpu.memory_space<vmem>>, %arg3: memref<24x128xf32, #tpu.memory_space<vmem>>) attributes {dimension_semantics = [], scalar_prefetch = 0 : i64, scratch_operands = 0 : i64, tpu.core_type = #tpu.core_type<tc>} {
    %get3A = arith.constant 0 : index
    %get3A_0 = arith.constant 0 : index
    %get3A_1 = arith.constant 0 : index
    %get3A_2 = vector.load %arg0[%get3A, %get3A_0, %get3A_1] : memref<32x80x128xf32, #tpu.memory_space<vmem>>, vector<32x80x128xf32>
    %reduce_sum3A = arith.constant dense<0.000000e+00> : vector<80x128xf32>
    %reduce_sum3A_3 = vector.multi_reduction <add>, %get3A_2, %reduce_sum3A [0] : vector<32x80x128xf32> to vector<80x128xf32>
    %get3A_4 = arith.constant 0 : index
    %get3A_5 = arith.constant 0 : index
    %get3A_6 = arith.constant 0 : index
    %get3A_7 = vector.load %arg1[%get3A_4, %get3A_5, %get3A_6] : memref<32x24x128xf32, #tpu.memory_space<vmem>>, vector<32x24x128xf32>
    %reduce_sum3A_8 = arith.constant dense<0.000000e+00> : vector<24x128xf32>
    %reduce_sum3A_9 = vector.multi_reduction <add>, %get3A_7, %reduce_sum3A_8 [0] : vector<32x24x128xf32> to vector<24x128xf32>
    %gt3A = arith.constant 0.000000e+00 : f32
    %gt3A_10 = vector.broadcast %gt3A : f32 to vector<80x128xf32>
    %gt3A_11 = arith.cmpf ogt, %reduce_sum3A_3, %gt3A_10 : vector<80x128xf32>
    %jit3A = arith.constant 1.000000e+00 : f32
    %broadcast_in_dim3A = vector.broadcast %jit3A : f32 to vector<80x128xf32>
    %select_n3A = arith.select %gt3A_11, %reduce_sum3A_3, %broadcast_in_dim3A : vector<80x128xi1>, vector<80x128xf32>
    %gt3A_12 = arith.constant 0.000000e+00 : f32
    %gt3A_13 = vector.broadcast %gt3A_12 : f32 to vector<24x128xf32>
    %gt3A_14 = arith.cmpf ogt, %reduce_sum3A_9, %gt3A_13 : vector<24x128xf32>
    %jit3A_15 = arith.constant 1.000000e+00 : f32
    %broadcast_in_dim3A_16 = vector.broadcast %jit3A_15 : f32 to vector<24x128xf32>
    %select_n3A_17 = arith.select %gt3A_14, %reduce_sum3A_9, %broadcast_in_dim3A_16 : vector<24x128xi1>, vector<24x128xf32>
    %log3A = math.log %select_n3A : vector<80x128xf32>
    %mul3A = arith.constant -5.000000e-01 : f32
    %mul3A_18 = vector.broadcast %mul3A : f32 to vector<80x128xf32>
    %mul3A_19 = arith.mulf %mul3A_18, %log3A : vector<80x128xf32>
    %exp3A = math.exp %mul3A_19 : vector<80x128xf32>
    %swap3A = arith.constant 0 : index
    %swap3A_20 = arith.constant 0 : index
    %swap3A_21 = vector.load %arg2[%swap3A, %swap3A_20] : memref<80x128xf32, #tpu.memory_space<vmem>>, vector<80x128xf32>
    tpu.vector_store %arg2[%swap3A, %swap3A_20], %exp3A {strides = array<i32>} : memref<80x128xf32, #tpu.memory_space<vmem>>, vector<80x128xf32>,
    %log3A_22 = math.log %select_n3A_17 : vector<24x128xf32>
    %mul3A_23 = arith.constant -1.500000e+00 : f32
    %mul3A_24 = vector.broadcast %mul3A_23 : f32 to vector<24x128xf32>
    %mul3A_25 = arith.mulf %mul3A_24, %log3A_22 : vector<24x128xf32>
    %exp3A_26 = math.exp %mul3A_25 : vector<24x128xf32>
    %swap3A_27 = arith.constant 0 : index
    %swap3A_28 = arith.constant 0 : index
    %swap3A_29 = vector.load %arg3[%swap3A_27, %swap3A_28] : memref<24x128xf32, #tpu.memory_space<vmem>>, vector<24x128xf32>
    tpu.vector_store %arg3[%swap3A_27, %swap3A_28], %exp3A_26 {strides = array<i32>} : memref<24x128xf32, #tpu.memory_space<vmem>>, vector<24x128xf32>,
    return
  }
}

module attributes {stable_mosaic.version = 14 : i64} {
  func.func @_l0_body(%arg0: memref<10000x128xf32, #tpu.memory_space<vmem>>, %arg1: memref<128x256xf32, #tpu.memory_space<vmem>>, %arg2: memref<10000x1xf32, #tpu.memory_space<vmem>>, %arg3: memref<2x10000x128xf32, #tpu.memory_space<vmem>>) attributes {dimension_semantics = [], scalar_prefetch = 0 : i64, scratch_operands = 0 : i64, tpu.core_type = #tpu.core_type<tc>} {
    %get3A = arith.constant 0 : index
    %get3A_0 = arith.constant 0 : index
    %get3A_1 = vector.load %arg0[%get3A, %get3A_0] : memref<10000x128xf32, #tpu.memory_space<vmem>>, vector<10000x128xf32>
    %get3A_2 = arith.constant 0 : index
    %get3A_3 = arith.constant 0 : index
    %get3A_4 = vector.load %arg1[%get3A_2, %get3A_3] : memref<128x256xf32, #tpu.memory_space<vmem>>, vector<128x256xf32>
    %dot_general3A = arith.constant dense<0.000000e+00> : vector<10000x256xf32>
    %dot_general3A_5 = tpu.matmul %get3A_1, %get3A_4, %dot_general3A {dimension_numbers = #tpu.dot_dimension_numbers<[1], [0], [0], [1], [0, 0, 1, 1], [], []>, transpose_lhs_hint = false} : vector<10000x128xf32>, vector<128x256xf32>, vector<10000x256xf32> -> vector<10000x256xf32>
    %get3A_6 = arith.constant 0 : index
    %get3A_7 = arith.constant 0 : index
    %get3A_8 = vector.load %arg2[%get3A_6, %get3A_7] : memref<10000x1xf32, #tpu.memory_space<vmem>>, vector<10000x1xf32>
    %mul3A = vector.broadcast %get3A_8 : vector<10000x1xf32> to vector<10000x256xf32>
    %mul3A_9 = arith.mulf %dot_general3A_5, %mul3A : vector<10000x256xf32>
    %slice3A = vector.extract_strided_slice %mul3A_9 {offsets = [0, 0], sizes = [10000, 128], strides = [1, 1]} : vector<10000x256xf32> to vector<10000x128xf32>
    %swap3A = arith.constant 0 : index
    %swap3A_10 = arith.constant 0 : index
    %swap3A_11 = arith.constant 0 : index
    %swap3A_12 = vector.load %arg3[%swap3A, %swap3A_10, %swap3A_11] : memref<2x10000x128xf32, #tpu.memory_space<vmem>>, vector<1x10000x128xf32>
    %swap3A_13 = vector.shape_cast %swap3A_12 : vector<1x10000x128xf32> to vector<10000x128xf32>
    %swap3A_14 = vector.shape_cast %slice3A : vector<10000x128xf32> to vector<1x10000x128xf32>
    tpu.vector_store %arg3[%swap3A, %swap3A_10, %swap3A_11], %swap3A_14 {strides = array<i32>} : memref<2x10000x128xf32, #tpu.memory_space<vmem>>, vector<1x10000x128xf32>,
    %slice3A_15 = vector.extract_strided_slice %mul3A_9 {offsets = [0, 128], sizes = [10000, 128], strides = [1, 1]} : vector<10000x256xf32> to vector<10000x128xf32>
    %swap3A_16 = arith.constant 1 : index
    %swap3A_17 = arith.constant 0 : index
    %swap3A_18 = arith.constant 0 : index
    %swap3A_19 = vector.load %arg3[%swap3A_16, %swap3A_17, %swap3A_18] : memref<2x10000x128xf32, #tpu.memory_space<vmem>>, vector<1x10000x128xf32>
    %swap3A_20 = vector.shape_cast %swap3A_19 : vector<1x10000x128xf32> to vector<10000x128xf32>
    %swap3A_21 = vector.shape_cast %slice3A_15 : vector<10000x128xf32> to vector<1x10000x128xf32>
    tpu.vector_store %arg3[%swap3A_16, %swap3A_17, %swap3A_18], %swap3A_21 {strides = array<i32>} : memref<2x10000x128xf32, #tpu.memory_space<vmem>>, vector<1x10000x128xf32>,
    return
  }
}

module attributes {stable_mosaic.version = 14 : i64} {
  func.func @_edge_body(%arg0: memref<2x2560x128xf32, #tpu.memory_space<vmem>>, %arg1: memref<2500x1xf32, #tpu.memory_space<vmem>>, %arg2: memref<1x256xf32, #tpu.memory_space<vmem>>, %arg3: memref<256x256xf32, #tpu.memory_space<vmem>>, %arg4: memref<2500x1xf32, #tpu.memory_space<vmem>>, %arg5: memref<2x2500x128xf32, #tpu.memory_space<vmem>>) attributes {dimension_semantics = [], scalar_prefetch = 0 : i64, scratch_operands = 0 : i64, tpu.core_type = #tpu.core_type<tc>} {
    %get3A = arith.constant 0 : index
    %get3A_0 = arith.constant 0 : index
    %get3A_1 = vector.load %arg1[%get3A, %get3A_0] : memref<2500x1xf32, #tpu.memory_space<vmem>>, vector<2500x1xf32>
    %get3A_2 = arith.constant 0 : index
    %get3A_3 = arith.constant 0 : index
    %get3A_4 = arith.constant 0 : index
    %get3A_5 = vector.load %arg0[%get3A_2, %get3A_3, %get3A_4] : memref<2x2560x128xf32, #tpu.memory_space<vmem>>, vector<1x2500x128xf32>
    %get3A_6 = vector.shape_cast %get3A_5 : vector<1x2500x128xf32> to vector<2500x128xf32>
    %get3A_7 = arith.constant 1 : index
    %get3A_8 = arith.constant 0 : index
    %get3A_9 = arith.constant 0 : index
    %get3A_10 = vector.load %arg0[%get3A_7, %get3A_8, %get3A_9] : memref<2x2560x128xf32, #tpu.memory_space<vmem>>, vector<1x2500x128xf32>
    %get3A_11 = vector.shape_cast %get3A_10 : vector<1x2500x128xf32> to vector<2500x128xf32>
    %get3A_12 = arith.constant 0 : index
    %get3A_13 = arith.constant 0 : index
    %get3A_14 = vector.load %arg2[%get3A_12, %get3A_13] : memref<1x256xf32, #tpu.memory_space<vmem>>, vector<1x256xf32>
    %mul3A = vector.broadcast %get3A_1 : vector<2500x1xf32> to vector<2500x128xf32>
    %mul3A_15 = arith.mulf %get3A_6, %mul3A : vector<2500x128xf32>
    %slice3A = vector.extract_strided_slice %get3A_14 {offsets = [0, 0], sizes = [1, 128], strides = [1, 1]} : vector<1x256xf32> to vector<1x128xf32>
    %add3A = vector.broadcast %slice3A : vector<1x128xf32> to vector<2500x128xf32>
    %add3A_16 = arith.addf %mul3A_15, %add3A : vector<2500x128xf32>
    %max3A = arith.constant 0.000000e+00 : f32
    %max3A_17 = vector.broadcast %max3A : f32 to vector<2500x128xf32>
    %max3A_18 = arith.maximumf %add3A_16, %max3A_17 : vector<2500x128xf32>
    %mul3A_19 = vector.broadcast %get3A_1 : vector<2500x1xf32> to vector<2500x128xf32>
    %mul3A_20 = arith.mulf %get3A_11, %mul3A_19 : vector<2500x128xf32>
    %slice3A_21 = vector.extract_strided_slice %get3A_14 {offsets = [0, 128], sizes = [1, 128], strides = [1, 1]} : vector<1x256xf32> to vector<1x128xf32>
    %add3A_22 = vector.broadcast %slice3A_21 : vector<1x128xf32> to vector<2500x128xf32>
    %add3A_23 = arith.addf %mul3A_20, %add3A_22 : vector<2500x128xf32>
    %max3A_24 = arith.constant 0.000000e+00 : f32
    %max3A_25 = vector.broadcast %max3A_24 : f32 to vector<2500x128xf32>
    %max3A_26 = arith.maximumf %add3A_23, %max3A_25 : vector<2500x128xf32>
    %get3A_27 = arith.constant 0 : index
    %get3A_28 = arith.constant 0 : index
    %get3A_29 = vector.load %arg3[%get3A_27, %get3A_28] : memref<256x256xf32, #tpu.memory_space<vmem>>, vector<128x256xf32>
    %dot_general3A = arith.constant dense<0.000000e+00> : vector<2500x256xf32>
    %dot_general3A_30 = tpu.matmul %max3A_18, %get3A_29, %dot_general3A {dimension_numbers = #tpu.dot_dimension_numbers<[1], [0], [0], [1], [0, 0, 1, 1], [], []>, transpose_lhs_hint = false} : vector<2500x128xf32>, vector<128x256xf32>, vector<2500x256xf32> -> vector<2500x256xf32>
    %get3A_31 = arith.constant 128 : index
    %get3A_32 = arith.constant 0 : index
    %get3A_33 = vector.load %arg3[%get3A_31, %get3A_32] : memref<256x256xf32, #tpu.memory_space<vmem>>, vector<128x256xf32>
    %dot_general3A_34 = arith.constant dense<0.000000e+00> : vector<2500x256xf32>
    %dot_general3A_35 = tpu.matmul %max3A_26, %get3A_33, %dot_general3A_34 {dimension_numbers = #tpu.dot_dimension_numbers<[1], [0], [0], [1], [0, 0, 1, 1], [], []>, transpose_lhs_hint = false} : vector<2500x128xf32>, vector<128x256xf32>, vector<2500x256xf32> -> vector<2500x256xf32>
    %add3A_36 = arith.addf %dot_general3A_30, %dot_general3A_35 : vector<2500x256xf32>
    %get3A_37 = arith.constant 0 : index
    %get3A_38 = arith.constant 0 : index
    %get3A_39 = vector.load %arg4[%get3A_37, %get3A_38] : memref<2500x1xf32, #tpu.memory_space<vmem>>, vector<2500x1xf32>
    %mul3A_40 = vector.broadcast %get3A_39 : vector<2500x1xf32> to vector<2500x256xf32>
    %mul3A_41 = arith.mulf %add3A_36, %mul3A_40 : vector<2500x256xf32>
    %slice3A_42 = vector.extract_strided_slice %mul3A_41 {offsets = [0, 0], sizes = [2500, 128], strides = [1, 1]} : vector<2500x256xf32> to vector<2500x128xf32>
    %swap3A = arith.constant 0 : index
    %swap3A_43 = arith.constant 0 : index
    %swap3A_44 = arith.constant 0 : index
    %swap3A_45 = vector.load %arg5[%swap3A, %swap3A_43, %swap3A_44] : memref<2x2500x128xf32, #tpu.memory_space<vmem>>, vector<1x2500x128xf32>
    %swap3A_46 = vector.shape_cast %swap3A_45 : vector<1x2500x128xf32> to vector<2500x128xf32>
    %swap3A_47 = vector.shape_cast %slice3A_42 : vector<2500x128xf32> to vector<1x2500x128xf32>
    tpu.vector_store %arg5[%swap3A, %swap3A_43, %swap3A_44], %swap3A_47 {strides = array<i32>} : memref<2x2500x128xf32, #tpu.memory_space<vmem>>, vector<1x2500x128xf32>,
    %slice3A_48 = vector.extract_strided_slice %mul3A_41 {offsets = [0, 128], sizes = [2500, 128], strides = [1, 1]} : vector<2500x256xf32> to vector<2500x128xf32>
    %swap3A_49 = arith.constant 1 : index
    %swap3A_50 = arith.constant 0 : index
    %swap3A_51 = arith.constant 0 : index
    %swap3A_52 = vector.load %arg5[%swap3A_49, %swap3A_50, %swap3A_51] : memref<2x2500x128xf32, #tpu.memory_space<vmem>>, vector<1x2500x128xf32>
    %swap3A_53 = vector.shape_cast %swap3A_52 : vector<1x2500x128xf32> to vector<2500x128xf32>
    %swap3A_54 = vector.shape_cast %slice3A_48 : vector<2500x128xf32> to vector<1x2500x128xf32>
    tpu.vector_store %arg5[%swap3A_49, %swap3A_50, %swap3A_51], %swap3A_54 {strides = array<i32>} : memref<2x2500x128xf32, #tpu.memory_space<vmem>>, vector<1x2500x128xf32>,
    return
  }
}

module attributes {stable_mosaic.version = 14 : i64} {
  func.func @_dinv_body(%arg0: memref<32x80x128xf32, #tpu.memory_space<vmem>>, %arg1: memref<32x24x128xf32, #tpu.memory_space<vmem>>, %arg2: memref<80x128xf32, #tpu.memory_space<vmem>>, %arg3: memref<24x128xf32, #tpu.memory_space<vmem>>) attributes {dimension_semantics = [], scalar_prefetch = 0 : i64, scratch_operands = 0 : i64, tpu.core_type = #tpu.core_type<tc>} {
    %get3A = arith.constant 0 : index
    %get3A_0 = arith.constant 0 : index
    %get3A_1 = arith.constant 0 : index
    %get3A_2 = vector.load %arg0[%get3A, %get3A_0, %get3A_1] : memref<32x80x128xf32, #tpu.memory_space<vmem>>, vector<32x80x128xf32>
    %reduce_sum3A = arith.constant dense<0.000000e+00> : vector<80x128xf32>
    %reduce_sum3A_3 = vector.multi_reduction <add>, %get3A_2, %reduce_sum3A [0] : vector<32x80x128xf32> to vector<80x128xf32>
    %get3A_4 = arith.constant 0 : index
    %get3A_5 = arith.constant 0 : index
    %get3A_6 = arith.constant 0 : index
    %get3A_7 = vector.load %arg1[%get3A_4, %get3A_5, %get3A_6] : memref<32x24x128xf32, #tpu.memory_space<vmem>>, vector<32x24x128xf32>
    %reduce_sum3A_8 = arith.constant dense<0.000000e+00> : vector<24x128xf32>
    %reduce_sum3A_9 = vector.multi_reduction <add>, %get3A_7, %reduce_sum3A_8 [0] : vector<32x24x128xf32> to vector<24x128xf32>
    %max3A = arith.constant 9.99999996E-13 : f32
    %max3A_10 = vector.broadcast %max3A : f32 to vector<80x128xf32>
    %max3A_11 = arith.maximumf %reduce_sum3A_3, %max3A_10 : vector<80x128xf32>
    %div3A = arith.constant 1.000000e+00 : f32
    %div3A_12 = vector.broadcast %div3A : f32 to vector<80x128xf32>
    %div3A_13 = arith.divf %div3A_12, %max3A_11 : vector<80x128xf32>
    %swap3A = arith.constant 0 : index
    %swap3A_14 = arith.constant 0 : index
    %swap3A_15 = vector.load %arg2[%swap3A, %swap3A_14] : memref<80x128xf32, #tpu.memory_space<vmem>>, vector<80x128xf32>
    tpu.vector_store %arg2[%swap3A, %swap3A_14], %div3A_13 {strides = array<i32>} : memref<80x128xf32, #tpu.memory_space<vmem>>, vector<80x128xf32>,
    %max3A_16 = arith.constant 9.99999996E-13 : f32
    %max3A_17 = vector.broadcast %max3A_16 : f32 to vector<24x128xf32>
    %max3A_18 = arith.maximumf %reduce_sum3A_9, %max3A_17 : vector<24x128xf32>
    %div3A_19 = arith.constant 1.000000e+00 : f32
    %div3A_20 = vector.broadcast %div3A_19 : f32 to vector<24x128xf32>
    %div3A_21 = arith.divf %div3A_20, %max3A_18 : vector<24x128xf32>
    %swap3A_22 = arith.constant 0 : index
    %swap3A_23 = arith.constant 0 : index
    %swap3A_24 = vector.load %arg3[%swap3A_22, %swap3A_23] : memref<24x128xf32, #tpu.memory_space<vmem>>, vector<24x128xf32>
    tpu.vector_store %arg3[%swap3A_22, %swap3A_23], %div3A_21 {strides = array<i32>} : memref<24x128xf32, #tpu.memory_space<vmem>>, vector<24x128xf32>,
    return
  }
}

module attributes {stable_mosaic.version = 14 : i64} {
  func.func @_node_body(%arg0: memref<2x10240x128xf32, #tpu.memory_space<vmem>>, %arg1: memref<10000x1xf32, #tpu.memory_space<vmem>>, %arg2: memref<1x256xf32, #tpu.memory_space<vmem>>, %arg3: memref<256x256xf32, #tpu.memory_space<vmem>>, %arg4: memref<10000x1xf32, #tpu.memory_space<vmem>>, %arg5: memref<2x10000x128xf32, #tpu.memory_space<vmem>>) attributes {dimension_semantics = [], scalar_prefetch = 0 : i64, scratch_operands = 0 : i64, tpu.core_type = #tpu.core_type<tc>} {
    %get3A = arith.constant 0 : index
    %get3A_0 = arith.constant 0 : index
    %get3A_1 = vector.load %arg1[%get3A, %get3A_0] : memref<10000x1xf32, #tpu.memory_space<vmem>>, vector<10000x1xf32>
    %get3A_2 = arith.constant 0 : index
    %get3A_3 = arith.constant 0 : index
    %get3A_4 = arith.constant 0 : index
    %get3A_5 = vector.load %arg0[%get3A_2, %get3A_3, %get3A_4] : memref<2x10240x128xf32, #tpu.memory_space<vmem>>, vector<1x10000x128xf32>
    %get3A_6 = vector.shape_cast %get3A_5 : vector<1x10000x128xf32> to vector<10000x128xf32>
    %get3A_7 = arith.constant 1 : index
    %get3A_8 = arith.constant 0 : index
    %get3A_9 = arith.constant 0 : index
    %get3A_10 = vector.load %arg0[%get3A_7, %get3A_8, %get3A_9] : memref<2x10240x128xf32, #tpu.memory_space<vmem>>, vector<1x10000x128xf32>
    %get3A_11 = vector.shape_cast %get3A_10 : vector<1x10000x128xf32> to vector<10000x128xf32>
    %get3A_12 = arith.constant 0 : index
    %get3A_13 = arith.constant 0 : index
    %get3A_14 = vector.load %arg2[%get3A_12, %get3A_13] : memref<1x256xf32, #tpu.memory_space<vmem>>, vector<1x256xf32>
    %mul3A = vector.broadcast %get3A_1 : vector<10000x1xf32> to vector<10000x128xf32>
    %mul3A_15 = arith.mulf %get3A_6, %mul3A : vector<10000x128xf32>
    %slice3A = vector.extract_strided_slice %get3A_14 {offsets = [0, 0], sizes = [1, 128], strides = [1, 1]} : vector<1x256xf32> to vector<1x128xf32>
    %add3A = vector.broadcast %slice3A : vector<1x128xf32> to vector<10000x128xf32>
    %add3A_16 = arith.addf %mul3A_15, %add3A : vector<10000x128xf32>
    %max3A = arith.constant 0.000000e+00 : f32
    %max3A_17 = vector.broadcast %max3A : f32 to vector<10000x128xf32>
    %max3A_18 = arith.maximumf %add3A_16, %max3A_17 : vector<10000x128xf32>
    %mul3A_19 = vector.broadcast %get3A_1 : vector<10000x1xf32> to vector<10000x128xf32>
    %mul3A_20 = arith.mulf %get3A_11, %mul3A_19 : vector<10000x128xf32>
    %slice3A_21 = vector.extract_strided_slice %get3A_14 {offsets = [0, 128], sizes = [1, 128], strides = [1, 1]} : vector<1x256xf32> to vector<1x128xf32>
    %add3A_22 = vector.broadcast %slice3A_21 : vector<1x128xf32> to vector<10000x128xf32>
    %add3A_23 = arith.addf %mul3A_20, %add3A_22 : vector<10000x128xf32>
    %max3A_24 = arith.constant 0.000000e+00 : f32
    %max3A_25 = vector.broadcast %max3A_24 : f32 to vector<10000x128xf32>
    %max3A_26 = arith.maximumf %add3A_23, %max3A_25 : vector<10000x128xf32>
    %get3A_27 = arith.constant 0 : index
    %get3A_28 = arith.constant 0 : index
    %get3A_29 = vector.load %arg3[%get3A_27, %get3A_28] : memref<256x256xf32, #tpu.memory_space<vmem>>, vector<128x256xf32>
    %dot_general3A = arith.constant dense<0.000000e+00> : vector<10000x256xf32>
    %dot_general3A_30 = tpu.matmul %max3A_18, %get3A_29, %dot_general3A {dimension_numbers = #tpu.dot_dimension_numbers<[1], [0], [0], [1], [0, 0, 1, 1], [], []>, transpose_lhs_hint = false} : vector<10000x128xf32>, vector<128x256xf32>, vector<10000x256xf32> -> vector<10000x256xf32>
    %get3A_31 = arith.constant 128 : index
    %get3A_32 = arith.constant 0 : index
    %get3A_33 = vector.load %arg3[%get3A_31, %get3A_32] : memref<256x256xf32, #tpu.memory_space<vmem>>, vector<128x256xf32>
    %dot_general3A_34 = arith.constant dense<0.000000e+00> : vector<10000x256xf32>
    %dot_general3A_35 = tpu.matmul %max3A_26, %get3A_33, %dot_general3A_34 {dimension_numbers = #tpu.dot_dimension_numbers<[1], [0], [0], [1], [0, 0, 1, 1], [], []>, transpose_lhs_hint = false} : vector<10000x128xf32>, vector<128x256xf32>, vector<10000x256xf32> -> vector<10000x256xf32>
    %add3A_36 = arith.addf %dot_general3A_30, %dot_general3A_35 : vector<10000x256xf32>
    %get3A_37 = arith.constant 0 : index
    %get3A_38 = arith.constant 0 : index
    %get3A_39 = vector.load %arg4[%get3A_37, %get3A_38] : memref<10000x1xf32, #tpu.memory_space<vmem>>, vector<10000x1xf32>
    %mul3A_40 = vector.broadcast %get3A_39 : vector<10000x1xf32> to vector<10000x256xf32>
    %mul3A_41 = arith.mulf %add3A_36, %mul3A_40 : vector<10000x256xf32>
    %slice3A_42 = vector.extract_strided_slice %mul3A_41 {offsets = [0, 0], sizes = [10000, 128], strides = [1, 1]} : vector<10000x256xf32> to vector<10000x128xf32>
    %swap3A = arith.constant 0 : index
    %swap3A_43 = arith.constant 0 : index
    %swap3A_44 = arith.constant 0 : index
    %swap3A_45 = vector.load %arg5[%swap3A, %swap3A_43, %swap3A_44] : memref<2x10000x128xf32, #tpu.memory_space<vmem>>, vector<1x10000x128xf32>
    %swap3A_46 = vector.shape_cast %swap3A_45 : vector<1x10000x128xf32> to vector<10000x128xf32>
    %swap3A_47 = vector.shape_cast %slice3A_42 : vector<10000x128xf32> to vector<1x10000x128xf32>
    tpu.vector_store %arg5[%swap3A, %swap3A_43, %swap3A_44], %swap3A_47 {strides = array<i32>} : memref<2x10000x128xf32, #tpu.memory_space<vmem>>, vector<1x10000x128xf32>,
    %slice3A_48 = vector.extract_strided_slice %mul3A_41 {offsets = [0, 128], sizes = [10000, 128], strides = [1, 1]} : vector<10000x256xf32> to vector<10000x128xf32>
    %swap3A_49 = arith.constant 1 : index
    %swap3A_50 = arith.constant 0 : index
    %swap3A_51 = arith.constant 0 : index
    %swap3A_52 = vector.load %arg5[%swap3A_49, %swap3A_50, %swap3A_51] : memref<2x10000x128xf32, #tpu.memory_space<vmem>>, vector<1x10000x128xf32>
    %swap3A_53 = vector.shape_cast %swap3A_52 : vector<1x10000x128xf32> to vector<10000x128xf32>
    %swap3A_54 = vector.shape_cast %slice3A_48 : vector<10000x128xf32> to vector<1x10000x128xf32>
    tpu.vector_store %arg5[%swap3A_49, %swap3A_50, %swap3A_51], %swap3A_54 {strides = array<i32>} : memref<2x10000x128xf32, #tpu.memory_space<vmem>>, vector<1x10000x128xf32>,
    return
  }
}

module attributes {stable_mosaic.version = 14 : i64} {
  func.func @_final_body(%arg0: memref<2x10240x128xf32, #tpu.memory_space<vmem>>, %arg1: memref<10000x1xf32, #tpu.memory_space<vmem>>, %arg2: memref<1x256xf32, #tpu.memory_space<vmem>>, %arg3: memref<256x1xf32, #tpu.memory_space<vmem>>, %arg4: memref<1x1xf32, #tpu.memory_space<vmem>>, %arg5: memref<1x1xf32, #tpu.memory_space<vmem>>) attributes {dimension_semantics = [], scalar_prefetch = 0 : i64, scratch_operands = 0 : i64, tpu.core_type = #tpu.core_type<tc>} {
    %get3A = arith.constant 0 : index
    %get3A_0 = arith.constant 0 : index
    %get3A_1 = vector.load %arg1[%get3A, %get3A_0] : memref<10000x1xf32, #tpu.memory_space<vmem>>, vector<10000x1xf32>
    %get3A_2 = arith.constant 0 : index
    %get3A_3 = arith.constant 0 : index
    %get3A_4 = arith.constant 0 : index
    %get3A_5 = vector.load %arg0[%get3A_2, %get3A_3, %get3A_4] : memref<2x10240x128xf32, #tpu.memory_space<vmem>>, vector<1x10000x128xf32>
    %get3A_6 = vector.shape_cast %get3A_5 : vector<1x10000x128xf32> to vector<10000x128xf32>
    %get3A_7 = arith.constant 1 : index
    %get3A_8 = arith.constant 0 : index
    %get3A_9 = arith.constant 0 : index
    %get3A_10 = vector.load %arg0[%get3A_7, %get3A_8, %get3A_9] : memref<2x10240x128xf32, #tpu.memory_space<vmem>>, vector<1x10000x128xf32>
    %get3A_11 = vector.shape_cast %get3A_10 : vector<1x10000x128xf32> to vector<10000x128xf32>
    %get3A_12 = arith.constant 0 : index
    %get3A_13 = arith.constant 0 : index
    %get3A_14 = vector.load %arg2[%get3A_12, %get3A_13] : memref<1x256xf32, #tpu.memory_space<vmem>>, vector<1x256xf32>
    %mul3A = vector.broadcast %get3A_1 : vector<10000x1xf32> to vector<10000x128xf32>
    %mul3A_15 = arith.mulf %get3A_6, %mul3A : vector<10000x128xf32>
    %slice3A = vector.extract_strided_slice %get3A_14 {offsets = [0, 0], sizes = [1, 128], strides = [1, 1]} : vector<1x256xf32> to vector<1x128xf32>
    %add3A = vector.broadcast %slice3A : vector<1x128xf32> to vector<10000x128xf32>
    %add3A_16 = arith.addf %mul3A_15, %add3A : vector<10000x128xf32>
    %max3A = arith.constant 0.000000e+00 : f32
    %max3A_17 = vector.broadcast %max3A : f32 to vector<10000x128xf32>
    %max3A_18 = arith.maximumf %add3A_16, %max3A_17 : vector<10000x128xf32>
    %mul3A_19 = vector.broadcast %get3A_1 : vector<10000x1xf32> to vector<10000x128xf32>
    %mul3A_20 = arith.mulf %get3A_11, %mul3A_19 : vector<10000x128xf32>
    %slice3A_21 = vector.extract_strided_slice %get3A_14 {offsets = [0, 128], sizes = [1, 128], strides = [1, 1]} : vector<1x256xf32> to vector<1x128xf32>
    %add3A_22 = vector.broadcast %slice3A_21 : vector<1x128xf32> to vector<10000x128xf32>
    %add3A_23 = arith.addf %mul3A_20, %add3A_22 : vector<10000x128xf32>
    %max3A_24 = arith.constant 0.000000e+00 : f32
    %max3A_25 = vector.broadcast %max3A_24 : f32 to vector<10000x128xf32>
    %max3A_26 = arith.maximumf %add3A_23, %max3A_25 : vector<10000x128xf32>
    %reduce_max3A = arith.constant dense<0xFF800000> : vector<128xf32>
    %reduce_max3A_27 = vector.multi_reduction <maximumf>, %max3A_18, %reduce_max3A [0] : vector<10000x128xf32> to vector<128xf32>
    %broadcast_in_dim3A = vector.shape_cast %reduce_max3A_27 : vector<128xf32> to vector<1x128xf32>
    %reduce_max3A_28 = arith.constant dense<0xFF800000> : vector<128xf32>
    %reduce_max3A_29 = vector.multi_reduction <maximumf>, %max3A_26, %reduce_max3A_28 [0] : vector<10000x128xf32> to vector<128xf32>
    %broadcast_in_dim3A_30 = vector.shape_cast %reduce_max3A_29 : vector<128xf32> to vector<1x128xf32>
    %get3A_31 = arith.constant 0 : index
    %get3A_32 = arith.constant 0 : index
    %get3A_33 = vector.load %arg3[%get3A_31, %get3A_32] : memref<256x1xf32, #tpu.memory_space<vmem>>, vector<128x1xf32>
    %dot_general3A = arith.constant dense<0.000000e+00> : vector<1x1xf32>
    %dot_general3A_34 = tpu.matmul %broadcast_in_dim3A, %get3A_33, %dot_general3A {dimension_numbers = #tpu.dot_dimension_numbers<[1], [0], [0], [1], [0, 0, 1, 1], [], []>, transpose_lhs_hint = false} : vector<1x128xf32>, vector<128x1xf32>, vector<1x1xf32> -> vector<1x1xf32>
    %get3A_35 = arith.constant 128 : index
    %get3A_36 = arith.constant 0 : index
    %get3A_37 = vector.load %arg3[%get3A_35, %get3A_36] : memref<256x1xf32, #tpu.memory_space<vmem>>, vector<128x1xf32>
    %dot_general3A_38 = arith.constant dense<0.000000e+00> : vector<1x1xf32>
    %dot_general3A_39 = tpu.matmul %broadcast_in_dim3A_30, %get3A_37, %dot_general3A_38 {dimension_numbers = #tpu.dot_dimension_numbers<[1], [0], [0], [1], [0, 0, 1, 1], [], []>, transpose_lhs_hint = false} : vector<1x128xf32>, vector<128x1xf32>, vector<1x1xf32> -> vector<1x1xf32>
    %add3A_40 = arith.addf %dot_general3A_34, %dot_general3A_39 : vector<1x1xf32>
    %get3A_41 = arith.constant 0 : index
    %get3A_42 = arith.constant 0 : index
    %get3A_43 = vector.load %arg4[%get3A_41, %get3A_42] : memref<1x1xf32, #tpu.memory_space<vmem>>, vector<1x1xf32>
    %add3A_44 = arith.addf %add3A_40, %get3A_43 : vector<1x1xf32>
    %swap3A = arith.constant 0 : index
    %swap3A_45 = arith.constant 0 : index
    %swap3A_46 = vector.load %arg5[%swap3A, %swap3A_45] : memref<1x1xf32, #tpu.memory_space<vmem>>, vector<1x1xf32>
    tpu.vector_store %arg5[%swap3A, %swap3A_45], %add3A_44 {strides = array<i32>} : memref<1x1xf32, #tpu.memory_space<vmem>>, vector<1x1xf32>,
    return
  }
}

</mosaic_0001>

<sc_bundles>
// kernel: kernel.15.cloned.1.call-start
scs
__scs_entry_jumppad:
0x0: {  	(pc) =	sbr.rel $0x88, $3  }
0x1: {  	(tag) =	ssettag $0x0;
	lr =	simm.s32 $0x1  }
0x2: {  	[smem:$0x3F94] =	sst lr;
	_ =	strace $0xD0000000  }
0x3: {  	_ = 	snop  }
0x4: {  	_ = 	snop  }
0x5: {  	_ = 	snop  }
0x6: {  	_ = 	snop  }
0x7: {  	_ = 	snop  }
__scs_overlays_trampoline_lowered:
0x8: {  	[smem:$0x3FA3] =	sst s0  }
0x9: {  	[smem:$0x3FA4] =	sst s1  }
0xa: {  	[smem:$0x3FA5] =	sst s2  }
0xb: {  	[smem:$0x3FA6] =	sst s3  }
0xc: {  	[smem:$0x3FA7] =	sst s4  }
0xd: {  	[smem:$0x3FA8] =	sst s5  }
0xe: {  	[smem:$0x3FA9] =	sst s6  }
0xf: {  	[smem:$0x3FAA] =	sst s7  }
0x10: {  	[smem:$0x3FAB] =	sst s8  }
0x11: {  	[smem:$0x3FAC] =	sst s9;
	s0 =	simm.s32 @!p0 $0x0  }
0x12: {  	s1 =	sld [smem:$0x3F92];
	s0 =	simm.s32 @p0 $0x1  }
0x13: {  	[smem:$0x3FAD] =	sst s0;
	s0 =	simm.s32 @!p1 $0x0  }
0x14: {  	s2 =	sld [smem:$0x3F91];
	s0 =	simm.s32 @p1 $0x1  }
0x15: {  	[smem:$0x3FAE] =	sst s0;
	s0 =	simm.s32 @!p2 $0x0  }
0x16: {  	s3 =	sld [smem:$0x3FDB];
	s0 =	simm.s32 @p2 $0x1  }
0x17: {  	s4 =	simm.s32 $0x1BF5;
	[smem:$0x3FB0] =	sst s0  }
0x18: {  	s0 =	sld [smem:$0x3F93];
	_ =	swait.ge [sflag:s4], $0x0  }
0x19: {  	s7 =	sld [smem:$0x3F94]  }
0x1a: {  	s8 =	sadd.s32 $0xFFFFE003, lr  }
0x1b: {  	s9 =	sadd.s32 $0xFFFFFEF7, lr;
	s5 =	simm.s32 $0xFFFFFFFF;
	p2 =	slt.u32 s8, $0xFFFFF086  }
0x1c: {  	p1 =	slt.u32 s9, $0xF7A;
	s5 =	simm.s32 @!p2 $0x0  }
0x1d: {  	s5 =	simm.s32 @p1 $0x1;
	p0 =	seq.s32 s7, s2  }
0x1e: {  	s7 =	smul.u32 @!p0 $0xF7A, s2;
	p2 =	seq.s32 @!p0 s5, $0x0  }
0x1f: {  	s9 =	smul.u32 $0xF7A, s1;
	s8 =	simm.s32 @!p0 $0x1BF5;
	p2 =	por !p2, p0  }
0x20: {  	[sflag:s8] =	ssyncset.s32 @!p0 $0xFFFFF086;
	s6 =	sadd.s32 @!p0 s3, s7;
	s7 =	simm.s32 @!p0 $0x108  }
0x21: {  	s3 =	sadd.s32 s3, s9;
	s6 =	sadd.s32 @!p0 $0x88, s6;
	s7 =	simm.s32 @p2 $0x1082  }
0x22: {  	[simem:s7], [sflag:s8] =	dma.local @!p0 [hbm:s6], $0xF7A  }
0x23: {  	s9 =	sor.u32 $0xD0000000, s2;
	s6 =	simm.s32 $0x108;
	_ =	swait.ge @!p0 [sflag:s8], $0x0  }
0x24: {  	s3 =	sadd.s32 $0x88, s3;
	s6 =	simm.s32 @!p1 $0x1082;
	[sflag:s4] =	ssyncset.s32 $0xFFFFF086  }
0x25: {  	[simem:s6], [sflag:s4] =	dma.local [hbm:s3], $0xF7A  }
0x26: {  	[smem:$0x3F94] =	sst s1;
	(tag) =	ssettag s2;
	_ =	strace s9  }
0x27: {  	s1 =	sld [smem:$0x3FA4]  }
0x28: {  	s2 =	sld [smem:$0x3FA5]  }
0x29: {  	s4 =	sld [smem:$0x3FA7]  }
0x2a: {  	p0 =	seq.s32 s5, $0x0;
	s5 =	sld [smem:$0x3FA8]  }
0x2b: {  	s6 =	sld [smem:$0x3FA9]  }
0x2c: {  	s7 =	sld [smem:$0x3FAA]  }
0x2d: {  	s3 =	simm.s32 $0x108;
	s8 =	sld [smem:$0x3FAB]  }
0x2e: {  	s3 =	simm.s32 @!p0 $0x1082;
	s9 =	sld [smem:$0x3FAC]  }
0x2f: {  	lr =	sadd.s32 s0, s3;
	s0 =	sld [smem:$0x3FA3]  }
0x30: {  	s3 =	sld [smem:$0x3FA6]  }
0x31: {  	[smem:$0x3FAF] =	sst s10  }
0x32: {  	s10 =	sld [smem:$0x3FAD];
	_ =	sdelay $0x3  }
0x33: {  	p0 =	seq.s32 s10, $0x1;
	s10 =	sld [smem:$0x3FAF];
	_ =	sdelay $0x3  }
0x34: {  	[smem:$0x3FAF] =	sst s10  }
0x35: {  	s10 =	sld [smem:$0x3FAE];
	_ =	sdelay $0x3  }
0x36: {  	p1 =	seq.s32 s10, $0x1;
	s10 =	sld [smem:$0x3FAF];
	_ =	sdelay $0x3  }
0x37: {  	[smem:$0x3FAF] =	sst s10  }
0x38: {  	s10 =	sld [smem:$0x3FB0]  }
0x39: {  	_ = 	snop;
	(pc) =	sbr.ind lr, $3  }
0x3a: {  	_ = 	snop  }
0x3b: {  	_ = 	snop  }
0x3c: {  	p2 =	seq.s32 s10, $0x1;
	s10 =	sld [smem:$0x3FAF]  }
0x3d: {  	_ =	shalt  }
0x3e: {  	_ =	shalt  }
0x3f: {  	_ =	shalt  }
0x40: {  	_ =	shalt  }
0x41: {  	_ =	shalt  }
0x42: {  	_ =	shalt  }
0x43: {  	_ =	shalt  }
0x44: {  	_ =	shalt  }
0x45: {  	_ =	shalt  }
0x46: {  	_ =	shalt  }
0x47: {  	_ =	shalt  }
0x48: {  	_ =	shalt  }
0x49: {  	_ =	shalt  }
0x4a: {  	_ =	shalt  }
0x4b: {  	_ =	shalt  }
0x4c: {  	_ =	shalt  }
0x4d: {  	_ =	shalt  }
0x4e: {  	_ =	shalt  }
0x4f: {  	_ =	shalt  }
0x50: {  	_ =	shalt  }
0x51: {  	_ =	shalt  }
0x52: {  	_ =	shalt  }
0x53: {  	_ =	shalt  }
0x54: {  	_ =	shalt  }
0x55: {  	_ =	shalt  }
0x56: {  	_ =	shalt  }
0x57: {  	_ =	shalt  }
0x58: {  	_ =	shalt  }
0x59: {  	_ =	shalt  }
0x5a: {  	_ =	shalt  }
0x5b: {  	_ =	shalt  }
0x5c: {  	_ =	shalt  }
0x5d: {  	_ =	shalt  }
0x5e: {  	_ =	shalt  }
0x5f: {  	_ =	shalt  }
0x60: {  	_ =	shalt  }
0x61: {  	_ =	shalt  }
0x62: {  	_ =	shalt  }
0x63: {  	_ =	shalt  }
0x64: {  	_ =	shalt  }
0x65: {  	_ =	shalt  }
0x66: {  	_ =	shalt  }
0x67: {  	_ =	shalt  }
0x68: {  	_ =	shalt  }
0x69: {  	_ =	shalt  }
0x6a: {  	_ =	shalt  }
0x6b: {  	_ =	shalt  }
0x6c: {  	_ =	shalt  }
0x6d: {  	_ =	shalt  }
0x6e: {  	_ =	shalt  }
0x6f: {  	_ =	shalt  }
0x70: {  	_ =	shalt  }
0x71: {  	_ =	shalt  }
0x72: {  	_ =	shalt  }
0x73: {  	_ =	shalt  }
0x74: {  	_ =	shalt  }
0x75: {  	_ =	shalt  }
0x76: {  	_ =	shalt  }
0x77: {  	_ =	shalt  }
0x78: {  	_ =	shalt  }
0x79: {  	_ =	shalt  }
0x7a: {  	_ =	shalt  }
0x7b: {  	_ =	shalt  }
0x7c: {  	_ =	shalt  }
0x7d: {  	_ =	shalt  }
0x7e: {  	_ =	shalt  }
0x7f: {  	_ =	shalt  }
0x80: {  	_ =	shalt  }
0x81: {  	_ =	shalt  }
0x82: {  	_ =	shalt  }
0x83: {  	_ =	shalt  }
0x84: {  	_ =	shalt  }
0x85: {  	_ =	shalt  }
0x86: {  	_ =	shalt  }
0x87: {  	_ =	shalt  }
.Lfunc_end0:
.L_simem_size_0:
called_computation_lowered:
.L_overlay_start_0:
0x88: {  	s2 =	sld [smem:$0x3FD9]  }
0x89: {  	s3 =	sld [smem:$0x3FFE];
	_ =	sdelay $0x1  }
0x8a: {  	s1 =	srdreg.scid  }
0x8b: {  	s0 =	sand.u32 $0x1, s1  }
0x8c: {  	s16 =	sshll.u32 s0, $0xA;
	s2 =	sadd.s32 s3, s2  }
0x8d: {  	s2 =	sadd.s32 s2, s16  }
0x8e: {  	[smem:$0x3FBB] =	sst s2  }
0x8f: {  	_ = 	snop  }
0x90: {  	(tm) =	ssettm $0x1  }
0x91: {  	s17 =	sld [smem:$0x3FFB];
	_ =	sdelay $0x3  }
0x92: {  	_ =	strace s17  }
0x93: {  	s2 =	sld [smem:$0x3FFC];
	_ =	sdelay $0x3  }
0x94: {  	_ =	strace s2  }
0x95: {  	s2 =	sld [smem:$0x3FFD];
	_ =	sdelay $0x3  }
0x96: {  	_ =	strace s2  }
0x97: {  	_ =	strace $0x8FFFFFFF  }
0x98: {  	s18 =	sld [smem:$0x3FDB];
	_ =	sdelay $0x1  }
0x99: {  	s19 =	simm.s32 $_scs_section_size  }
0x9a: {  	s4 =	simm.s32 $_size__tile_overlayer_lowered;
	s5 =	simm.s32 $_tile_overlayer_lowered  }
0x9b: {  	s22 =	simm.s32 $0x1BFF;
	s21 =	sshll.u32 s5, $0x1;
	s2 =	sadd.s32 s19, s18  }
0x9c: {  	s6 =	simm.s32 $0x0;
	s20 =	sshll.u32 s4, $0x1;
	s4 =	sadd.s32 s21, s2  }
0x9d: {  	[timem:s6], [sflag:s22] =	dma.local [hbm:s4], s20  }
0x9e: {  	_ =	swait.ge [sflag:s22], s20  }
0x9f: {  	s3 =	ssub.s32 $0x0, s20;
	[sflag:s22] =	ssyncset.done $0x0  }
0xa0: {  	[sflag:s22] =	ssyncadd.s32 s3;
	_ =	sdelay $0x1  }
0xa1: {  	s23 =	simm.s32 $0x1B8B  }
0xa2: {  	_ =	swait.ge [sflag:s23], $0x1  }
0xa3: {  	[sflag:s23] =	ssyncset.done $0x0  }
0xa4: {  	s25 =	simm.s32 $0x1B8E;
	s24 =	sld [smem:$0x3FFE];
	[sflag:s23] =	ssyncadd.s32 $0xFFFFFFFF  }
0xa5: {  	s26 =	simm.s32 $execute0_lowered;
	[smem:$0x3FD2] =	sst s25  }
0xa6: {  	s4 =	sshll.u32 s26, $0x1;
	_ =	strace $0x80000046;
	[dreg:$0x1] =	wrdreg $0xFFFFFFFF  }
0xa7: {  	s28 =	simm.s32 $_size_execute0_lowered;
	s2 =	sadd.s32 s2, s4;
	[dreg:$0x0] =	wrdreg $0x0  }
0xa8: {  	s4 =	sshll.u32 s28, $0x1;
	[dreg:$0x2] =	wrdreg s2  }
0xa9: {  	[dreg:$0x3] =	wrdreg s4  }
0xaa: {  	[dreg:$0x4] =	wrdreg $0xC0  }
0xab: {  	_ =	task [dreg:s6], $0x5FFFF  }
0xac: {  	[dreg:$0x1] =	wrdreg $0xFFFFFFFF  }
0xad: {  	[dreg:$0x0] =	wrdreg $0x60  }
0xae: {  	[dreg:$0x2] =	wrdreg s24  }
0xaf: {  	[dreg:$0x3] =	wrdreg $0x9  }
0xb0: {  	_ =	task.clear_ibuf [dreg:s6], $0x4FFFF;
	_ =	strace $0x90000046  }
0xb1: {  	s29 =	simm.s32 $0x9;
	_ =	strace $0x80000048  }
0xb2: {  	_ =	swait.ge [sflag:s29], $0x1  }
0xb3: {  	[sflag:s29] =	ssyncadd.s32 $0xFFFFFFFF  }
0xb4: {  	_ =	strace $0x90000048  }
0xb5: {  	_ =	sfence  }
0xb6: {  	s30 =	sld [smem:$0x0];
	_ =	sdelay $0x2  }
0xb7: {  	s31 =	sshll.u32 s1, $0xD;
	s1 =	sshrl.u32 s1, $0x2  }
0xb8: {  	s3 =	sand.u32 $0x4000, s31;
	s1 =	sadd.s32 s1, s30  }
0xb9: {  	s0 =	sor.u32 s3, s0;
	s1 =	sshll.u32 s1, $0x11  }
0xba: {  	s0 =	sor.u32 s1, s0  }
0xbb: {  	s0 =	sadd.s32 $0x8F2B, s0  }
0xbc: {  	[sflag:s0] =	ssyncadd.remote.s32 $0x1  }
0xbd: {  	_ =	sfence.sel $0xFFFF  }
0xbe: {  	[dreg:$0x0] =	wrdreg $0xFFFFFFFF;
	(pc) =	sbr.abs _section_cstart, $3  }
0xbf: {  	[dreg:$0x1] =	wrdreg $0xFFFFFFFF  }
0xc0: {  	_ =	task.clear_ibuf [dreg:s6], $0x2FFFF;
	_ =	strace $0x9FFFFFFF  }
0xc1: {  	(tm) =	ssettm $0x7FFFFFFF  }
tec
execute0_lowered:
.L_overlay_start_1:
0x0: {  	(tag) =	ssettag $0x1  }
0x1: {  	s4 =	rddreg [dreg:$0x0]  }
0x2: {  	s2 =	srdreg.scid;
	s1 =	stileid.u32  }
0x3: {  	s0 =	rddreg [dreg:$0x1];
	s12 =	simm.s32 $0x2780;
	s13 =	simm.s32 $0x4F00  }
0x4: {  	s14 =	simm.s32 $0x7700;
	s15 =	simm.s32 $0x0;
	s24 =	sshrl.u32 s1, $0x2  }
0x5: {  	s5 =	sand.u32 $0x1, s2;
	s25 =	sshll.u32 s1, $0x8;
	s3 =	smul.u32 $0x13C00, s24  }
0x6: {  	s9 =	sshrl.u32 s1, $0x3;
	s2 =	simm.s32 $0x0;
	s8 =	smul.u32 $0x28000, s5  }
0x7: {  	s11 =	sshll.u32 s1, $0x7;
	s6 =	sshll.u32 s5, $0x7;
	s26 =	smul.u32 $0x14000, s9  }
0x8: {  	s7 =	sand.u32 $0x300, s25;
	[smem:$0x7FF] =	sst s2;
	s28 =	smul.u32 $0xC000, s5  }
0x9: {  	s9 =	smul.u32 $0x6000, s9;
	s29 =	sand.u32 $0x380, s11;
	s5 =	ssub.s32 $0x2, s5  }
0xa: {  	s11 =	simm.s32 $0x1;
	s6 =	sor.u32 s6, s7;
	_ =	strace $0x80000047  }
0xb: {  	s30 =	sshrl.u32 s5, $0x1;
	s3 =	sor.u32 s3, s6;
	s7 =	sadd.s32 s8, s26  }
0xc: {  	s6 =	sadd.s32 s28, s9;
	s8 =	ssub.s32 s5, s30;
	s9 =	simm.s32 $0x80  }
0xd: {  	s3 =	sshrl.u32 s3, $0x3;
	s7 =	sor.u32 s29, s7;
	s6 =	sor.u32 s29, s6  }
0xe: {  	s8 =	smax.u32 s8, $0x1;
	s10 =	sadd.s32 s3, s4;
	s7 =	sshrl.u32 s7, $0x3  }
0xf: {  	s3 =	sadd.s32 $0x19A00, s4;
	s6 =	sshrl.u32 s6, $0x3;
	s7 =	sadd.s32 s7, s4  }
0x10: {  	s31 =	sadd.s32 s6, s4;
	s4 =	sadd.s32 $0x5E00, s10;
	s5 =	sadd.s32 $0xFC00, s10  }
0x11: {  	v0 =	vimm.f32 $1.000000000e+00;
	s10 =	simm.s32 $0x400;
	s6 =	sadd.s32 $0x1A000, s7;
	s7 =	sadd.s32 $0x24000, s31  }
.LBB2_1:
0x12: {  	[tilespmem:s2], [sflag:$0x1] =	stream.strided.gather [hbm4b:s4+s9], $0x2780, s10, s9, $0x38;
	[tilespmem:$0x8300] =	vst v63  }
0x13: {  	_ =	swait.ge [sflag:s11], $0x2780  }
0x14: {  	[sflag:s11] =	ssyncset.done $0x0  }
0x15: {  	[sflag:s11] =	ssyncadd.s32 $0xFFFFD880  }
0x16: {  	[tilespmem:s12], [sflag:$0x1] =	stream.strided.gather [hbm4b:s5+s9], $0x2780, s10, s9, $0x38;
	[tilespmem:$0x8300] =	vst v63  }
0x17: {  	_ =	swait.ge [sflag:s11], $0x2780  }
0x18: {  	[sflag:s11] =	ssyncset.done $0x0  }
0x19: {  	[sflag:s11] =	ssyncadd.s32 $0xFFFFD880  }
0x1a: {  	[tilespmem:s13], [sflag:$0x1] =	stream.linear.gather [hbm4b:s3+s2], $0x2800, $0x38;
	[tilespmem:$0x8300] =	vst v63  }
0x1b: {  	_ =	swait.ge [sflag:s11], $0x2800  }
0x1c: {  	[sflag:s11] =	ssyncset.done $0x0  }
0x1d: {  	[sflag:s11] =	ssyncadd.s32 $0xFFFFD800  }
0x1e: {  	[tilespmem:s14], [sflag:$0x1] =	stream.linear.gather [hbm4b:s3+s2], $0xC00, $0x38;
	[tilespmem:$0x8300] =	vst v63  }
0x1f: {  	_ =	swait.ge [sflag:s11], $0xC00  }
0x20: {  	[sflag:s11] =	ssyncset.done $0x0  }
0x21: {  	s17 =	simm.s32 $0x0;
	[sflag:s11] =	ssyncadd.s32 $0xFFFFF400  }
0x22: {  	s16 =	simm.s32 $0x40;
	v1 =	vld [tilespmem:s17+$0x0]  }
.LBB2_2:
0x23: {  	p0 =	sne.s32 s16, $0x9C00;
	v2 =	vld [tilespmem:s17+$0x2780];
	_ =	sdelay $0x4  }
.Ltmp0:
0x24: {  	(pc) =	sbr.rel @p0 .LBB2_2-.Ltmp0, $4  }
0x25: {  	_ = 	snop  }
0x26: {  	[tilespmem:v1+s13+$0x0] =	vst.idx.add.f32.msk $0xffff, v0  }
0x27: {  	s17 =	sshra.s32 s16, $0x2;
	[tilespmem:v2+s14+$0x0] =	vst.idx.add.f32.msk $0xffff, v0  }
0x28: {  	s16 =	sadd.s32 $0x40, s16;
	v1 =	vld [tilespmem:s17+$0x0]  }
0x29: {  	_ = 	snop  }
0x2a: {  	v2 =	vld [tilespmem:s17+$0x2780];
	_ =	sdelay $0x6  }
0x2b: {  	[tilespmem:v1+s13+$0x0] =	vst.idx.add.f32.msk $0xffff, v0  }
0x2c: {  	[tilespmem:v2+s14+$0x0] =	vst.idx.add.f32.msk $0xffff, v0  }
0x2d: {  	[hbm4b:s6+s9] =	stream.strided.scatter [tilespmem:s13], [sflag:$0x1], $0x2800, s10, s9, $0x38;
	[tilespmem:$0x8300] =	vst v63  }
0x2e: {  	s15 =	sadd.s32 $0x1, s15;
	_ =	swait.ge [sflag:s11], $0x2800  }
0x2f: {  	p0 =	sne.s32 s15, s8;
	[sflag:s11] =	ssyncset.done $0x0  }
.Ltmp1:
0x30: {  	[sflag:s11] =	ssyncadd.s32 $0xFFFFD800;
	(pc) =	sbr.rel @p0 .LBB2_1-.Ltmp1, $4  }
0x31: {  	[hbm4b:s7+s9] =	stream.strided.scatter [tilespmem:s14], [sflag:$0x1], $0xC00, s10, s9, $0x38;
	[tilespmem:$0x8300] =	vst v63  }
0x32: {  	_ =	swait.ge [sflag:s11], $0xC00  }
0x33: {  	[sflag:s11] =	ssyncset.done $0x0  }
0x34: {  	[sflag:s11] =	ssyncadd.s32 $0xFFFFF400  }
0x35: {  	_ =	sfence.sel $0x180000  }
0x36: {  	[bflag:$0x0] =	sbarrier.arrive $0xFFFF  }
0x37: {  	p0 =	sne.s32 s1, $0x0;
	_ =	strace $0x90000047  }
0x38: {  	s0 =	sadd.s32 @!p0 $0x100000, s0;
	[bflag:$0x2] =	sbarrier.arrive $0xFFFF  }
0x39: {  	[sflag:s0] =	ssyncadd.tile.s32 @!p0 $0x1;
	_ =	shalt  }
.Lfunc_end2:
_tile_overlayer_lowered:
.L_overlay_start_2:
0x3a: {  	(tag) =	ssettag $0x2  }
0x3b: {  	s0 =	rddreg [dreg:$0x0];
	s2 =	stileid.u32  }
0x3c: {  	s1 =	rddreg [dreg:$0x1];
	p0 =	sne.s32 s2, $0x0  }
0x3d: {  	s3 =	rddreg [dreg:$0x2];
	[bflag:$0x3] =	sbarrier.arrive $0xFFFF;
	s2 =	simm.s32 @!p0 $0x1C01  }
0x3e: {  	[timem:s3], [sflag:s2] =	dma.local @!p0 [hbm:s0], s1  }
0x3f: {  	s0 =	simm.s32 @!p0 $0x1  }
0x40: {  	_ =	swait.ge @!p0 [sflag:s0], s1  }
0x41: {  	s1 =	ssub.s32 @!p0 $0x0, s1;
	[sflag:s0] =	ssyncset.done @!p0 $0x0  }
0x42: {  	[sflag:s0] =	ssyncadd.s32 @!p0 s1  }
0x43: {  	[bflag:$0x3] =	sbarrier.arrive $0xFFFF  }
0x44: {  	_ =	shalt  }

// kernel: kernel.18.cloned.1.call-start
scs
__scs_entry_jumppad:
0x0: {  	(pc) =	sbr.rel $0x88, $3  }
0x1: {  	(tag) =	ssettag $0x0;
	lr =	simm.s32 $0x1  }
0x2: {  	[smem:$0x3F94] =	sst lr;
	_ =	strace $0xD0000000  }
0x3: {  	_ = 	snop  }
0x4: {  	_ = 	snop  }
0x5: {  	_ = 	snop  }
0x6: {  	_ = 	snop  }
0x7: {  	_ = 	snop  }
__scs_overlays_trampoline_lowered:
0x8: {  	[smem:$0x3FA3] =	sst s0  }
0x9: {  	[smem:$0x3FA4] =	sst s1  }
0xa: {  	[smem:$0x3FA5] =	sst s2  }
0xb: {  	[smem:$0x3FA6] =	sst s3  }
0xc: {  	[smem:$0x3FA7] =	sst s4  }
0xd: {  	[smem:$0x3FA8] =	sst s5  }
0xe: {  	[smem:$0x3FA9] =	sst s6  }
0xf: {  	[smem:$0x3FAA] =	sst s7  }
0x10: {  	[smem:$0x3FAB] =	sst s8  }
0x11: {  	[smem:$0x3FAC] =	sst s9;
	s0 =	simm.s32 @!p0 $0x0  }
0x12: {  	s1 =	sld [smem:$0x3F92];
	s0 =	simm.s32 @p0 $0x1  }
0x13: {  	[smem:$0x3FAD] =	sst s0;
	s0 =	simm.s32 @!p1 $0x0  }
0x14: {  	s2 =	sld [smem:$0x3F91];
	s0 =	simm.s32 @p1 $0x1  }
0x15: {  	[smem:$0x3FAE] =	sst s0;
	s0 =	simm.s32 @!p2 $0x0  }
0x16: {  	s3 =	sld [smem:$0x3FDB];
	s0 =	simm.s32 @p2 $0x1  }
0x17: {  	s4 =	simm.s32 $0x1BF5;
	[smem:$0x3FB0] =	sst s0  }
0x18: {  	s0 =	sld [smem:$0x3F93];
	_ =	swait.ge [sflag:s4], $0x0  }
0x19: {  	s7 =	sld [smem:$0x3F94]  }
0x1a: {  	s8 =	sadd.s32 $0xFFFFE003, lr  }
0x1b: {  	s9 =	sadd.s32 $0xFFFFFEF7, lr;
	s5 =	simm.s32 $0xFFFFFFFF;
	p2 =	slt.u32 s8, $0xFFFFF086  }
0x1c: {  	p1 =	slt.u32 s9, $0xF7A;
	s5 =	simm.s32 @!p2 $0x0  }
0x1d: {  	s5 =	simm.s32 @p1 $0x1;
	p0 =	seq.s32 s7, s2  }
0x1e: {  	s7 =	smul.u32 @!p0 $0xF7A, s2;
	p2 =	seq.s32 @!p0 s5, $0x0  }
0x1f: {  	s9 =	smul.u32 $0xF7A, s1;
	s8 =	simm.s32 @!p0 $0x1BF5;
	p2 =	por !p2, p0  }
0x20: {  	[sflag:s8] =	ssyncset.s32 @!p0 $0xFFFFF086;
	s6 =	sadd.s32 @!p0 s3, s7;
	s7 =	simm.s32 @!p0 $0x108  }
0x21: {  	s3 =	sadd.s32 s3, s9;
	s6 =	sadd.s32 @!p0 $0x88, s6;
	s7 =	simm.s32 @p2 $0x1082  }
0x22: {  	[simem:s7], [sflag:s8] =	dma.local @!p0 [hbm:s6], $0xF7A  }
0x23: {  	s9 =	sor.u32 $0xD0000000, s2;
	s6 =	simm.s32 $0x108;
	_ =	swait.ge @!p0 [sflag:s8], $0x0  }
0x24: {  	s3 =	sadd.s32 $0x88, s3;
	s6 =	simm.s32 @!p1 $0x1082;
	[sflag:s4] =	ssyncset.s32 $0xFFFFF086  }
0x25: {  	[simem:s6], [sflag:s4] =	dma.local [hbm:s3], $0xF7A  }
0x26: {  	[smem:$0x3F94] =	sst s1;
	(tag) =	ssettag s2;
	_ =	strace s9  }
0x27: {  	s1 =	sld [smem:$0x3FA4]  }
0x28: {  	s2 =	sld [smem:$0x3FA5]  }
0x29: {  	s4 =	sld [smem:$0x3FA7]  }
0x2a: {  	p0 =	seq.s32 s5, $0x0;
	s5 =	sld [smem:$0x3FA8]  }
0x2b: {  	s6 =	sld [smem:$0x3FA9]  }
0x2c: {  	s7 =	sld [smem:$0x3FAA]  }
0x2d: {  	s3 =	simm.s32 $0x108;
	s8 =	sld [smem:$0x3FAB]  }
0x2e: {  	s3 =	simm.s32 @!p0 $0x1082;
	s9 =	sld [smem:$0x3FAC]  }
0x2f: {  	lr =	sadd.s32 s0, s3;
	s0 =	sld [smem:$0x3FA3]  }
0x30: {  	s3 =	sld [smem:$0x3FA6]  }
0x31: {  	[smem:$0x3FAF] =	sst s10  }
0x32: {  	s10 =	sld [smem:$0x3FAD];
	_ =	sdelay $0x3  }
0x33: {  	p0 =	seq.s32 s10, $0x1;
	s10 =	sld [smem:$0x3FAF];
	_ =	sdelay $0x3  }
0x34: {  	[smem:$0x3FAF] =	sst s10  }
0x35: {  	s10 =	sld [smem:$0x3FAE];
	_ =	sdelay $0x3  }
0x36: {  	p1 =	seq.s32 s10, $0x1;
	s10 =	sld [smem:$0x3FAF];
	_ =	sdelay $0x3  }
0x37: {  	[smem:$0x3FAF] =	sst s10  }
0x38: {  	s10 =	sld [smem:$0x3FB0]  }
0x39: {  	_ = 	snop;
	(pc) =	sbr.ind lr, $3  }
0x3a: {  	_ = 	snop  }
0x3b: {  	_ = 	snop  }
0x3c: {  	p2 =	seq.s32 s10, $0x1;
	s10 =	sld [smem:$0x3FAF]  }
0x3d: {  	_ =	shalt  }
0x3e: {  	_ =	shalt  }
0x3f: {  	_ =	shalt  }
0x40: {  	_ =	shalt  }
0x41: {  	_ =	shalt  }
0x42: {  	_ =	shalt  }
0x43: {  	_ =	shalt  }
0x44: {  	_ =	shalt  }
0x45: {  	_ =	shalt  }
0x46: {  	_ =	shalt  }
0x47: {  	_ =	shalt  }
0x48: {  	_ =	shalt  }
0x49: {  	_ =	shalt  }
0x4a: {  	_ =	shalt  }
0x4b: {  	_ =	shalt  }
0x4c: {  	_ =	shalt  }
0x4d: {  	_ =	shalt  }
0x4e: {  	_ =	shalt  }
0x4f: {  	_ =	shalt  }
0x50: {  	_ =	shalt  }
0x51: {  	_ =	shalt  }
0x52: {  	_ =	shalt  }
0x53: {  	_ =	shalt  }
0x54: {  	_ =	shalt  }
0x55: {  	_ =	shalt  }
0x56: {  	_ =	shalt  }
0x57: {  	_ =	shalt  }
0x58: {  	_ =	shalt  }
0x59: {  	_ =	shalt  }
0x5a: {  	_ =	shalt  }
0x5b: {  	_ =	shalt  }
0x5c: {  	_ =	shalt  }
0x5d: {  	_ =	shalt  }
0x5e: {  	_ =	shalt  }
0x5f: {  	_ =	shalt  }
0x60: {  	_ =	shalt  }
0x61: {  	_ =	shalt  }
0x62: {  	_ =	shalt  }
0x63: {  	_ =	shalt  }
0x64: {  	_ =	shalt  }
0x65: {  	_ =	shalt  }
0x66: {  	_ =	shalt  }
0x67: {  	_ =	shalt  }
0x68: {  	_ =	shalt  }
0x69: {  	_ =	shalt  }
0x6a: {  	_ =	shalt  }
0x6b: {  	_ =	shalt  }
0x6c: {  	_ =	shalt  }
0x6d: {  	_ =	shalt  }
0x6e: {  	_ =	shalt  }
0x6f: {  	_ =	shalt  }
0x70: {  	_ =	shalt  }
0x71: {  	_ =	shalt  }
0x72: {  	_ =	shalt  }
0x73: {  	_ =	shalt  }
0x74: {  	_ =	shalt  }
0x75: {  	_ =	shalt  }
0x76: {  	_ =	shalt  }
0x77: {  	_ =	shalt  }
0x78: {  	_ =	shalt  }
0x79: {  	_ =	shalt  }
0x7a: {  	_ =	shalt  }
0x7b: {  	_ =	shalt  }
0x7c: {  	_ =	shalt  }
0x7d: {  	_ =	shalt  }
0x7e: {  	_ =	shalt  }
0x7f: {  	_ =	shalt  }
0x80: {  	_ =	shalt  }
0x81: {  	_ =	shalt  }
0x82: {  	_ =	shalt  }
0x83: {  	_ =	shalt  }
0x84: {  	_ =	shalt  }
0x85: {  	_ =	shalt  }
0x86: {  	_ =	shalt  }
0x87: {  	_ =	shalt  }
.Lfunc_end0:
.L_simem_size_0:
called_computation.1_lowered:
.L_overlay_start_0:
0x88: {  	s2 =	sld [smem:$0x3FD9]  }
0x89: {  	s3 =	sld [smem:$0x3FFE];
	_ =	sdelay $0x1  }
0x8a: {  	s1 =	srdreg.scid  }
0x8b: {  	s0 =	sand.u32 $0x1, s1  }
0x8c: {  	s16 =	sshll.u32 s0, $0xA;
	s2 =	sadd.s32 s3, s2  }
0x8d: {  	s2 =	sadd.s32 s2, s16  }
0x8e: {  	[smem:$0x3FBB] =	sst s2  }
0x8f: {  	_ = 	snop  }
0x90: {  	(tm) =	ssettm $0x1  }
0x91: {  	s17 =	sld [smem:$0x3FFB];
	_ =	sdelay $0x3  }
0x92: {  	_ =	strace s17  }
0x93: {  	s2 =	sld [smem:$0x3FFC];
	_ =	sdelay $0x3  }
0x94: {  	_ =	strace s2  }
0x95: {  	s2 =	sld [smem:$0x3FFD];
	_ =	sdelay $0x3  }
0x96: {  	_ =	strace s2  }
0x97: {  	_ =	strace $0x8FFFFFFF  }
0x98: {  	s18 =	sld [smem:$0x3FDB];
	_ =	sdelay $0x1  }
0x99: {  	s19 =	simm.s32 $_scs_section_size  }
0x9a: {  	s4 =	simm.s32 $_size__tile_overlayer_lowered;
	s5 =	simm.s32 $_tile_overlayer_lowered  }
0x9b: {  	s22 =	simm.s32 $0x1BFF;
	s21 =	sshll.u32 s5, $0x1;
	s2 =	sadd.s32 s19, s18  }
0x9c: {  	s6 =	simm.s32 $0x0;
	s20 =	sshll.u32 s4, $0x1;
	s4 =	sadd.s32 s21, s2  }
0x9d: {  	[timem:s6], [sflag:s22] =	dma.local [hbm:s4], s20  }
0x9e: {  	_ =	swait.ge [sflag:s22], s20  }
0x9f: {  	s3 =	ssub.s32 $0x0, s20;
	[sflag:s22] =	ssyncset.done $0x0  }
0xa0: {  	[sflag:s22] =	ssyncadd.s32 s3;
	_ =	sdelay $0x1  }
0xa1: {  	s23 =	simm.s32 $0x1B8B  }
0xa2: {  	_ =	swait.ge [sflag:s23], $0x1  }
0xa3: {  	[sflag:s23] =	ssyncset.done $0x0  }
0xa4: {  	s25 =	simm.s32 $0x1B8E;
	s24 =	sld [smem:$0x3FFE];
	[sflag:s23] =	ssyncadd.s32 $0xFFFFFFFF  }
0xa5: {  	s26 =	simm.s32 $execute0_lowered;
	[smem:$0x3FD2] =	sst s25  }
0xa6: {  	s4 =	sshll.u32 s26, $0x1;
	_ =	strace $0x80000049;
	[dreg:$0x1] =	wrdreg $0xFFFFFFFF  }
0xa7: {  	s28 =	simm.s32 $_size_execute0_lowered;
	s2 =	sadd.s32 s2, s4;
	[dreg:$0x0] =	wrdreg $0x0  }
0xa8: {  	s4 =	sshll.u32 s28, $0x1;
	[dreg:$0x2] =	wrdreg s2  }
0xa9: {  	[dreg:$0x3] =	wrdreg s4  }
0xaa: {  	[dreg:$0x4] =	wrdreg $0xC0  }
0xab: {  	_ =	task [dreg:s6], $0x5FFFF  }
0xac: {  	[dreg:$0x1] =	wrdreg $0xFFFFFFFF  }
0xad: {  	[dreg:$0x0] =	wrdreg $0x60  }
0xae: {  	[dreg:$0x2] =	wrdreg s24  }
0xaf: {  	[dreg:$0x3] =	wrdreg $0x9  }
0xb0: {  	_ =	task.clear_ibuf [dreg:s6], $0x4FFFF;
	_ =	strace $0x90000049  }
0xb1: {  	s29 =	simm.s32 $0x9;
	_ =	strace $0x8000004B  }
0xb2: {  	_ =	swait.ge [sflag:s29], $0x1  }
0xb3: {  	[sflag:s29] =	ssyncadd.s32 $0xFFFFFFFF  }
0xb4: {  	_ =	strace $0x9000004B  }
0xb5: {  	_ =	sfence  }
0xb6: {  	s30 =	sld [smem:$0x0];
	_ =	sdelay $0x2  }
0xb7: {  	s31 =	sshll.u32 s1, $0xD;
	s1 =	sshrl.u32 s1, $0x2  }
0xb8: {  	s3 =	sand.u32 $0x4000, s31;
	s1 =	sadd.s32 s1, s30  }
0xb9: {  	s0 =	sor.u32 s3, s0;
	s1 =	sshll.u32 s1, $0x11  }
0xba: {  	s0 =	sor.u32 s1, s0  }
0xbb: {  	s0 =	sadd.s32 $0x8F2B, s0  }
0xbc: {  	[sflag:s0] =	ssyncadd.remote.s32 $0x1  }
0xbd: {  	_ =	sfence.sel $0xFFFF  }
0xbe: {  	[dreg:$0x0] =	wrdreg $0xFFFFFFFF;
	(pc) =	sbr.abs _section_cstart, $3  }
0xbf: {  	[dreg:$0x1] =	wrdreg $0xFFFFFFFF  }
0xc0: {  	_ =	task.clear_ibuf [dreg:s6], $0x2FFFF;
	_ =	strace $0x9FFFFFFF  }
0xc1: {  	(tm) =	ssettm $0x7FFFFFFF  }
tec
execute0_lowered:
.L_overlay_start_1:
0x0: {  	(tag) =	ssettag $0x1  }
0x1: {  	s6 =	rddreg [dreg:$0x0]  }
0x2: {  	s0 =	rddreg [dreg:$0x1]  }
0x3: {  	s2 =	srdreg.scid;
	s1 =	stileid.u32  }
0x4: {  	s13 =	simm.s32 $0x1;
	s14 =	simm.s32 $0x2780;
	s15 =	simm.s32 $0x4F00  }
0x5: {  	s16 =	simm.s32 $0x7700;
	s17 =	simm.s32 $0x8300;
	s26 =	sshrl.u32 s1, $0x2  }
0x6: {  	s18 =	simm.s32 $0xAB00;
	s7 =	sand.u32 $0x1, s2;
	s4 =	smul.u32 $0x13C00, s26  }
0x7: {  	s19 =	simm.s32 $0x0;
	s8 =	sshrl.u32 s1, $0x3;
	s5 =	smul.u32 $0x28000, s7  }
0x8: {  	s3 =	sshll.u32 s1, $0x8;
	s2 =	simm.s32 $0x0;
	s9 =	smul.u32 $0x14000, s8  }
0x9: {  	s12 =	sshll.u32 s1, $0x7;
	s28 =	sshll.u32 s7, $0x7;
	s10 =	smul.u32 $0xC000, s7  }
0xa: {  	s3 =	sand.u32 $0x300, s3;
	[smem:$0x7FF] =	sst s2;
	s8 =	smul.u32 $0x6000, s8  }
0xb: {  	s12 =	sand.u32 $0x380, s12;
	s7 =	ssub.s32 $0x2, s7;
	s3 =	sor.u32 s28, s3  }
0xc: {  	_ =	strace $0x8000004A;
	s30 =	sshrl.u32 s7, $0x1;
	s3 =	sor.u32 s4, s3  }
0xd: {  	s4 =	sadd.s32 $0x1A600, s6;
	s9 =	sadd.s32 s5, s9;
	s8 =	sadd.s32 s10, s8  }
0xe: {  	s5 =	sadd.s32 $0x19A00, s6;
	s31 =	ssub.s32 s7, s30;
	s3 =	sshrl.u32 s3, $0x3  }
0xf: {  	s9 =	sor.u32 s12, s9;
	s8 =	sor.u32 s12, s8;
	s10 =	smax.u32 s31, $0x1  }
0x10: {  	s12 =	simm.s32 $0x400;
	s11 =	sadd.s32 s3, s6;
	s9 =	sshrl.u32 s9, $0x3  }
0x11: {  	s3 =	sadd.s32 $0x1A000, s6;
	s8 =	sshrl.u32 s8, $0x3;
	s9 =	sadd.s32 s9, s6  }
0x12: {  	s29 =	sadd.s32 s8, s6;
	s6 =	sadd.s32 $0x5E00, s11;
	s7 =	sadd.s32 $0xFC00, s11  }
0x13: {  	s11 =	simm.s32 $0x80;
	s8 =	sadd.s32 $0x1A800, s9;
	s9 =	sadd.s32 $0x24800, s29  }
.LBB2_1:
0x14: {  	[tilespmem:s2], [sflag:$0x1] =	stream.strided.gather [hbm4b:s6+s11], $0x2780, s12, s11, $0x38;
	[tilespmem:$0xB700] =	vst v63  }
0x15: {  	_ =	swait.ge [sflag:s13], $0x2780  }
0x16: {  	[sflag:s13] =	ssyncset.done $0x0  }
0x17: {  	[sflag:s13] =	ssyncadd.s32 $0xFFFFD880  }
0x18: {  	[tilespmem:s14], [sflag:$0x1] =	stream.strided.gather [hbm4b:s7+s11], $0x2780, s12, s11, $0x38;
	[tilespmem:$0xB700] =	vst v63  }
0x19: {  	_ =	swait.ge [sflag:s13], $0x2780  }
0x1a: {  	[sflag:s13] =	ssyncset.done $0x0  }
0x1b: {  	[sflag:s13] =	ssyncadd.s32 $0xFFFFD880  }
0x1c: {  	[tilespmem:s15], [sflag:$0x1] =	stream.linear.gather [hbm4b:s3+s2], $0x2800, $0x38;
	[tilespmem:$0xB700] =	vst v63  }
0x1d: {  	_ =	swait.ge [sflag:s13], $0x2800  }
0x1e: {  	[sflag:s13] =	ssyncset.done $0x0  }
0x1f: {  	[sflag:s13] =	ssyncadd.s32 $0xFFFFD800  }
0x20: {  	[tilespmem:s16], [sflag:$0x1] =	stream.linear.gather [hbm4b:s4+s2], $0xC00, $0x38;
	[tilespmem:$0xB700] =	vst v63  }
0x21: {  	_ =	swait.ge [sflag:s13], $0xC00  }
0x22: {  	[sflag:s13] =	ssyncset.done $0x0  }
0x23: {  	[sflag:s13] =	ssyncadd.s32 $0xFFFFF400  }
0x24: {  	[tilespmem:s17], [sflag:$0x1] =	stream.linear.gather [hbm4b:s5+s2], $0x2800, $0x38;
	[tilespmem:$0xB700] =	vst v63  }
0x25: {  	_ =	swait.ge [sflag:s13], $0x2800  }
0x26: {  	[sflag:s13] =	ssyncset.done $0x0  }
0x27: {  	[sflag:s13] =	ssyncadd.s32 $0xFFFFD800  }
0x28: {  	[tilespmem:s18], [sflag:$0x1] =	stream.linear.gather [hbm4b:s5+s2], $0xC00, $0x38;
	[tilespmem:$0xB700] =	vst v63  }
0x29: {  	_ =	swait.ge [sflag:s13], $0xC00  }
0x2a: {  	[sflag:s13] =	ssyncset.done $0x0  }
0x2b: {  	s20 =	simm.s32 $0x0;
	[sflag:s13] =	ssyncadd.s32 $0xFFFFF400  }
0x2c: {  	v0 =	vld [tilespmem:s20+$0x2780];
	_ =	sdelay $0x4  }
0x2d: {  	v1 =	vld [tilespmem:s20+$0x0];
	_ =	sdelay $0x2  }
0x2e: {  	v2 =	vld.idx.msk [tilespmem:v0+s16+$0x0], $0xffff;
	_ =	sdelay $0x4  }
0x2f: {  	[tilespmem:v1+s17+$0x0] =	vst.idx.add.f32.msk $0xffff, v2  }
0x30: {  	s21 =	simm.s32 $0x80;
	s20 =	simm.s32 $0x40;
	v1 =	vld.idx.msk [tilespmem:v1+s15+$0x0], $0xffff  }
.LBB2_2:
0x31: {  	_ =	sdelay $0x2  }
0x32: {  	p0 =	sne.s32 s21, $0x9C00  }
0x33: {  	s22 =	sshra.s32 s20, $0x2;
	s20 =	smov.u32 s21;
	s21 =	sadd.s32 $0x40, s21;
	[tilespmem:v0+s18+$0x0] =	vst.idx.add.f32.msk $0xffff, v1  }
0x34: {  	v0 =	vld [tilespmem:s22+$0x2780];
	_ =	sdelay $0x5  }
0x35: {  	v1 =	vld [tilespmem:s22+$0x0];
	_ =	sdelay $0x1  }
0x36: {  	v2 =	vld.idx.msk [tilespmem:v0+s16+$0x0], $0xffff;
	_ =	sdelay $0x2  }
.Ltmp0:
0x37: {  	(pc) =	sbr.rel @p0 .LBB2_2-.Ltmp0, $3  }
0x38: {  	_ =	sdelay $0x1  }
0x39: {  	[tilespmem:v1+s17+$0x0] =	vst.idx.add.f32.msk $0xffff, v2  }
0x3a: {  	v1 =	vld.idx.msk [tilespmem:v1+s15+$0x0], $0xffff  }
0x3b: {  	_ =	sdelay $0x3  }
0x3c: {  	s20 =	sshra.s32 s20, $0x2;
	[tilespmem:v0+s18+$0x0] =	vst.idx.add.f32.msk $0xffff, v1  }
0x3d: {  	v0 =	vld [tilespmem:s20+$0x2780];
	_ =	sdelay $0x4  }
0x3e: {  	v1 =	vld [tilespmem:s20+$0x0];
	_ =	sdelay $0x2  }
0x3f: {  	v2 =	vld.idx.msk [tilespmem:v0+s16+$0x0], $0xffff;
	_ =	sdelay $0x4  }
0x40: {  	[tilespmem:v1+s17+$0x0] =	vst.idx.add.f32.msk $0xffff, v2  }
0x41: {  	v1 =	vld.idx.msk [tilespmem:v1+s15+$0x0], $0xffff;
	_ =	sdelay $0x4  }
0x42: {  	[tilespmem:v0+s18+$0x0] =	vst.idx.add.f32.msk $0xffff, v1  }
0x43: {  	[hbm4b:s8+s11] =	stream.strided.scatter [tilespmem:s17], [sflag:$0x1], $0x2800, s12, s11, $0x38;
	[tilespmem:$0xB700] =	vst v63  }
0x44: {  	s19 =	sadd.s32 $0x1, s19;
	_ =	swait.ge [sflag:s13], $0x2800  }
0x45: {  	p0 =	sne.s32 s19, s10;
	[sflag:s13] =	ssyncset.done $0x0  }
.Ltmp1:
0x46: {  	[sflag:s13] =	ssyncadd.s32 $0xFFFFD800;
	(pc) =	sbr.rel @p0 .LBB2_1-.Ltmp1, $4  }
0x47: {  	[hbm4b:s9+s11] =	stream.strided.scatter [tilespmem:s18], [sflag:$0x1], $0xC00, s12, s11, $0x38;
	[tilespmem:$0xB700] =	vst v63  }
0x48: {  	_ =	swait.ge [sflag:s13], $0xC00  }
0x49: {  	[sflag:s13] =	ssyncset.done $0x0  }
0x4a: {  	[sflag:s13] =	ssyncadd.s32 $0xFFFFF400  }
0x4b: {  	_ =	sfence.sel $0x180000  }
0x4c: {  	[bflag:$0x0] =	sbarrier.arrive $0xFFFF  }
0x4d: {  	p0 =	sne.s32 s1, $0x0;
	_ =	strace $0x9000004A  }
0x4e: {  	s0 =	sadd.s32 @!p0 $0x100000, s0;
	[bflag:$0x2] =	sbarrier.arrive $0xFFFF  }
0x4f: {  	[sflag:s0] =	ssyncadd.tile.s32 @!p0 $0x1;
	_ =	shalt  }
.Lfunc_end2:
_tile_overlayer_lowered:
.L_overlay_start_2:
0x50: {  	(tag) =	ssettag $0x2  }
0x51: {  	s0 =	rddreg [dreg:$0x0];
	s2 =	stileid.u32  }
0x52: {  	s1 =	rddreg [dreg:$0x1];
	p0 =	sne.s32 s2, $0x0  }
0x53: {  	s3 =	rddreg [dreg:$0x2];
	[bflag:$0x3] =	sbarrier.arrive $0xFFFF;
	s2 =	simm.s32 @!p0 $0x1C01  }
0x54: {  	[timem:s3], [sflag:s2] =	dma.local @!p0 [hbm:s0], s1  }
0x55: {  	s0 =	simm.s32 @!p0 $0x1  }
0x56: {  	_ =	swait.ge @!p0 [sflag:s0], s1  }
0x57: {  	s1 =	ssub.s32 @!p0 $0x0, s1;
	[sflag:s0] =	ssyncset.done @!p0 $0x0  }
0x58: {  	[sflag:s0] =	ssyncadd.s32 @!p0 s1  }
0x59: {  	[bflag:$0x3] =	sbarrier.arrive $0xFFFF  }
0x5a: {  	_ =	shalt  }

// kernel: kernel.21.cloned.1.call-start
scs
__scs_entry_jumppad:
0x0: {  	(pc) =	sbr.rel $0x88, $3  }
0x1: {  	(tag) =	ssettag $0x0;
	lr =	simm.s32 $0x1  }
0x2: {  	[smem:$0x3F94] =	sst lr;
	_ =	strace $0xD0000000  }
0x3: {  	_ = 	snop  }
0x4: {  	_ = 	snop  }
0x5: {  	_ = 	snop  }
0x6: {  	_ = 	snop  }
0x7: {  	_ = 	snop  }
__scs_overlays_trampoline_lowered:
0x8: {  	[smem:$0x3FA3] =	sst s0  }
0x9: {  	[smem:$0x3FA4] =	sst s1  }
0xa: {  	[smem:$0x3FA5] =	sst s2  }
0xb: {  	[smem:$0x3FA6] =	sst s3  }
0xc: {  	[smem:$0x3FA7] =	sst s4  }
0xd: {  	[smem:$0x3FA8] =	sst s5  }
0xe: {  	[smem:$0x3FA9] =	sst s6  }
0xf: {  	[smem:$0x3FAA] =	sst s7  }
0x10: {  	[smem:$0x3FAB] =	sst s8  }
0x11: {  	[smem:$0x3FAC] =	sst s9;
	s0 =	simm.s32 @!p0 $0x0  }
0x12: {  	s1 =	sld [smem:$0x3F92];
	s0 =	simm.s32 @p0 $0x1  }
0x13: {  	[smem:$0x3FAD] =	sst s0;
	s0 =	simm.s32 @!p1 $0x0  }
0x14: {  	s2 =	sld [smem:$0x3F91];
	s0 =	simm.s32 @p1 $0x1  }
0x15: {  	[smem:$0x3FAE] =	sst s0;
	s0 =	simm.s32 @!p2 $0x0  }
0x16: {  	s3 =	sld [smem:$0x3FDB];
	s0 =	simm.s32 @p2 $0x1  }
0x17: {  	s4 =	simm.s32 $0x1BF5;
	[smem:$0x3FB0] =	sst s0  }
0x18: {  	s0 =	sld [smem:$0x3F93];
	_ =	swait.ge [sflag:s4], $0x0  }
0x19: {  	s7 =	sld [smem:$0x3F94]  }
0x1a: {  	s8 =	sadd.s32 $0xFFFFE003, lr  }
0x1b: {  	s9 =	sadd.s32 $0xFFFFFEF7, lr;
	s5 =	simm.s32 $0xFFFFFFFF;
	p2 =	slt.u32 s8, $0xFFFFF086  }
0x1c: {  	p1 =	slt.u32 s9, $0xF7A;
	s5 =	simm.s32 @!p2 $0x0  }
0x1d: {  	s5 =	simm.s32 @p1 $0x1;
	p0 =	seq.s32 s7, s2  }
0x1e: {  	s7 =	smul.u32 @!p0 $0xF7A, s2;
	p2 =	seq.s32 @!p0 s5, $0x0  }
0x1f: {  	s9 =	smul.u32 $0xF7A, s1;
	s8 =	simm.s32 @!p0 $0x1BF5;
	p2 =	por !p2, p0  }
0x20: {  	[sflag:s8] =	ssyncset.s32 @!p0 $0xFFFFF086;
	s6 =	sadd.s32 @!p0 s3, s7;
	s7 =	simm.s32 @!p0 $0x108  }
0x21: {  	s3 =	sadd.s32 s3, s9;
	s6 =	sadd.s32 @!p0 $0x88, s6;
	s7 =	simm.s32 @p2 $0x1082  }
0x22: {  	[simem:s7], [sflag:s8] =	dma.local @!p0 [hbm:s6], $0xF7A  }
0x23: {  	s9 =	sor.u32 $0xD0000000, s2;
	s6 =	simm.s32 $0x108;
	_ =	swait.ge @!p0 [sflag:s8], $0x0  }
0x24: {  	s3 =	sadd.s32 $0x88, s3;
	s6 =	simm.s32 @!p1 $0x1082;
	[sflag:s4] =	ssyncset.s32 $0xFFFFF086  }
0x25: {  	[simem:s6], [sflag:s4] =	dma.local [hbm:s3], $0xF7A  }
0x26: {  	[smem:$0x3F94] =	sst s1;
	(tag) =	ssettag s2;
	_ =	strace s9  }
0x27: {  	s1 =	sld [smem:$0x3FA4]  }
0x28: {  	s2 =	sld [smem:$0x3FA5]  }
0x29: {  	s4 =	sld [smem:$0x3FA7]  }
0x2a: {  	p0 =	seq.s32 s5, $0x0;
	s5 =	sld [smem:$0x3FA8]  }
0x2b: {  	s6 =	sld [smem:$0x3FA9]  }
0x2c: {  	s7 =	sld [smem:$0x3FAA]  }
0x2d: {  	s3 =	simm.s32 $0x108;
	s8 =	sld [smem:$0x3FAB]  }
0x2e: {  	s3 =	simm.s32 @!p0 $0x1082;
	s9 =	sld [smem:$0x3FAC]  }
0x2f: {  	lr =	sadd.s32 s0, s3;
	s0 =	sld [smem:$0x3FA3]  }
0x30: {  	s3 =	sld [smem:$0x3FA6]  }
0x31: {  	[smem:$0x3FAF] =	sst s10  }
0x32: {  	s10 =	sld [smem:$0x3FAD];
	_ =	sdelay $0x3  }
0x33: {  	p0 =	seq.s32 s10, $0x1;
	s10 =	sld [smem:$0x3FAF];
	_ =	sdelay $0x3  }
0x34: {  	[smem:$0x3FAF] =	sst s10  }
0x35: {  	s10 =	sld [smem:$0x3FAE];
	_ =	sdelay $0x3  }
0x36: {  	p1 =	seq.s32 s10, $0x1;
	s10 =	sld [smem:$0x3FAF];
	_ =	sdelay $0x3  }
0x37: {  	[smem:$0x3FAF] =	sst s10  }
0x38: {  	s10 =	sld [smem:$0x3FB0]  }
0x39: {  	_ = 	snop;
	(pc) =	sbr.ind lr, $3  }
0x3a: {  	_ = 	snop  }
0x3b: {  	_ = 	snop  }
0x3c: {  	p2 =	seq.s32 s10, $0x1;
	s10 =	sld [smem:$0x3FAF]  }
0x3d: {  	_ =	shalt  }
0x3e: {  	_ =	shalt  }
0x3f: {  	_ =	shalt  }
0x40: {  	_ =	shalt  }
0x41: {  	_ =	shalt  }
0x42: {  	_ =	shalt  }
0x43: {  	_ =	shalt  }
0x44: {  	_ =	shalt  }
0x45: {  	_ =	shalt  }
0x46: {  	_ =	shalt  }
0x47: {  	_ =	shalt  }
0x48: {  	_ =	shalt  }
0x49: {  	_ =	shalt  }
0x4a: {  	_ =	shalt  }
0x4b: {  	_ =	shalt  }
0x4c: {  	_ =	shalt  }
0x4d: {  	_ =	shalt  }
0x4e: {  	_ =	shalt  }
0x4f: {  	_ =	shalt  }
0x50: {  	_ =	shalt  }
0x51: {  	_ =	shalt  }
0x52: {  	_ =	shalt  }
0x53: {  	_ =	shalt  }
0x54: {  	_ =	shalt  }
0x55: {  	_ =	shalt  }
0x56: {  	_ =	shalt  }
0x57: {  	_ =	shalt  }
0x58: {  	_ =	shalt  }
0x59: {  	_ =	shalt  }
0x5a: {  	_ =	shalt  }
0x5b: {  	_ =	shalt  }
0x5c: {  	_ =	shalt  }
0x5d: {  	_ =	shalt  }
0x5e: {  	_ =	shalt  }
0x5f: {  	_ =	shalt  }
0x60: {  	_ =	shalt  }
0x61: {  	_ =	shalt  }
0x62: {  	_ =	shalt  }
0x63: {  	_ =	shalt  }
0x64: {  	_ =	shalt  }
0x65: {  	_ =	shalt  }
0x66: {  	_ =	shalt  }
0x67: {  	_ =	shalt  }
0x68: {  	_ =	shalt  }
0x69: {  	_ =	shalt  }
0x6a: {  	_ =	shalt  }
0x6b: {  	_ =	shalt  }
0x6c: {  	_ =	shalt  }
0x6d: {  	_ =	shalt  }
0x6e: {  	_ =	shalt  }
0x6f: {  	_ =	shalt  }
0x70: {  	_ =	shalt  }
0x71: {  	_ =	shalt  }
0x72: {  	_ =	shalt  }
0x73: {  	_ =	shalt  }
0x74: {  	_ =	shalt  }
0x75: {  	_ =	shalt  }
0x76: {  	_ =	shalt  }
0x77: {  	_ =	shalt  }
0x78: {  	_ =	shalt  }
0x79: {  	_ =	shalt  }
0x7a: {  	_ =	shalt  }
0x7b: {  	_ =	shalt  }
0x7c: {  	_ =	shalt  }
0x7d: {  	_ =	shalt  }
0x7e: {  	_ =	shalt  }
0x7f: {  	_ =	shalt  }
0x80: {  	_ =	shalt  }
0x81: {  	_ =	shalt  }
0x82: {  	_ =	shalt  }
0x83: {  	_ =	shalt  }
0x84: {  	_ =	shalt  }
0x85: {  	_ =	shalt  }
0x86: {  	_ =	shalt  }
0x87: {  	_ =	shalt  }
.Lfunc_end0:
.L_simem_size_0:
called_computation.2_lowered:
.L_overlay_start_0:
0x88: {  	s2 =	sld [smem:$0x3FD9]  }
0x89: {  	s3 =	sld [smem:$0x3FFE];
	_ =	sdelay $0x1  }
0x8a: {  	s1 =	srdreg.scid  }
0x8b: {  	s0 =	sand.u32 $0x1, s1  }
0x8c: {  	s17 =	sshll.u32 s0, $0xA;
	s2 =	sadd.s32 s3, s2  }
0x8d: {  	s2 =	sadd.s32 s2, s17  }
0x8e: {  	[smem:$0x3FBB] =	sst s2  }
0x8f: {  	_ = 	snop  }
0x90: {  	(tm) =	ssettm $0x1  }
0x91: {  	s18 =	sld [smem:$0x3FFB];
	_ =	sdelay $0x3  }
0x92: {  	_ =	strace s18  }
0x93: {  	s2 =	sld [smem:$0x3FFC];
	_ =	sdelay $0x3  }
0x94: {  	_ =	strace s2  }
0x95: {  	s2 =	sld [smem:$0x3FFD];
	_ =	sdelay $0x3  }
0x96: {  	_ =	strace s2  }
0x97: {  	_ =	strace $0x8FFFFFFF  }
0x98: {  	s19 =	sld [smem:$0x3FDB];
	_ =	sdelay $0x1  }
0x99: {  	s20 =	simm.s32 $_scs_section_size  }
0x9a: {  	s4 =	simm.s32 $_size__tile_overlayer_lowered;
	s5 =	simm.s32 $_tile_overlayer_lowered  }
0x9b: {  	s6 =	simm.s32 $0x1BFF;
	s21 =	sshll.u32 s5, $0x1;
	s3 =	sadd.s32 s20, s19  }
0x9c: {  	s22 =	simm.s32 $0x0;
	s4 =	sshll.u32 s4, $0x1;
	s5 =	sadd.s32 s21, s3  }
0x9d: {  	[timem:s22], [sflag:s6] =	dma.local [hbm:s5], s4  }
0x9e: {  	_ =	swait.ge [sflag:s6], s4  }
0x9f: {  	s4 =	ssub.s32 $0x0, s4;
	[sflag:s6] =	ssyncset.done $0x0  }
0xa0: {  	[sflag:s6] =	ssyncadd.s32 s4;
	_ =	sdelay $0x1  }
0xa1: {  	s23 =	simm.s32 $0x1B8B  }
0xa2: {  	_ =	swait.ge [sflag:s23], $0x1  }
0xa3: {  	[sflag:s23] =	ssyncset.done $0x0  }
0xa4: {  	[sflag:s23] =	ssyncadd.s32 $0xFFFFFFFF  }
0xa5: {  	s4 =	sld [smem:$0x0]  }
0xa6: {  	s5 =	sand.u32 $0xFFFFFFFE, s1  }
0xa7: {  	p0 =	sne.s32 s1, s5  }
0xa8: {  	s5 =	sshll.u32 @p0 s5, $0xE  }
0xa9: {  	s5 =	sadd.s32 @p0 $0x11B8D, s5;
	s6 =	sshll.u32 @p0 s4, $0x11  }
0xaa: {  	s5 =	sor.u32 @p0 s6, s5  }
0xab: {  	[sflag:s5] =	ssyncadd.remote.s32 @p0 $0x1;
	_ =	sdelay $0x1  }
0xac: {  	s5 =	simm.s32 @p0 $0x1B8D  }
0xad: {  	_ =	swait.eq @p0 [sflag:s5], $0x1  }
0xae: {  	[sflag:s5] =	ssyncadd.s32 @p0 $0xFFFFFFFF  }
0xaf: {  	s6 =	sshll.u32 @!p0 s1, $0xE  }
0xb0: {  	s6 =	sor.u32 @!p0 $0x4000, s6;
	s5 =	simm.s32 @!p0 $0x1B8D  }
0xb1: {  	s4 =	sshll.u32 @!p0 s4, $0x11;
	s6 =	sadd.s32 @!p0 $0x11B8D, s6;
	_ =	swait.eq @!p0 [sflag:s5], $0x1  }
0xb2: {  	s4 =	sor.u32 @!p0 s4, s6;
	[sflag:s5] =	ssyncadd.s32 @!p0 $0xFFFFFFFF  }
0xb3: {  	s25 =	simm.s32 $0x1B8E;
	s24 =	sld [smem:$0x3FFE];
	[sflag:s4] =	ssyncadd.remote.s32 @!p0 $0x1  }
0xb4: {  	s26 =	simm.s32 $execute0_lowered;
	[smem:$0x3FD2] =	sst s25  }
0xb5: {  	s5 =	sshll.u32 s26, $0x1;
	_ =	strace $0x8000004C;
	[dreg:$0x1] =	wrdreg $0xFFFFFFFF  }
0xb6: {  	s28 =	simm.s32 $_size_execute0_lowered;
	s3 =	sadd.s32 s3, s5;
	[dreg:$0x0] =	wrdreg $0x0  }
0xb7: {  	s5 =	sshll.u32 s28, $0x1;
	[dreg:$0x2] =	wrdreg s3  }
0xb8: {  	[dreg:$0x3] =	wrdreg s5  }
0xb9: {  	[dreg:$0x4] =	wrdreg $0xC0  }
0xba: {  	_ =	task [dreg:s22], $0x5FFFF  }
0xbb: {  	[dreg:$0x1] =	wrdreg $0xFFFFFFFF  }
0xbc: {  	[dreg:$0x0] =	wrdreg $0x60  }
0xbd: {  	[dreg:$0x2] =	wrdreg s24  }
0xbe: {  	[dreg:$0x3] =	wrdreg $0x50000  }
0xbf: {  	[dreg:$0x4] =	wrdreg $0xA  }
0xc0: {  	_ =	task.clear_ibuf [dreg:s22], $0x5FFFF;
	_ =	strace $0x9000004C  }
0xc1: {  	s29 =	simm.s32 $0xA;
	_ =	strace $0x8000004E  }
0xc2: {  	_ =	swait.ge [sflag:s29], $0x1  }
0xc3: {  	[sflag:s29] =	ssyncadd.s32 $0xFFFFFFFF  }
0xc4: {  	_ =	strace $0x9000004E  }
0xc5: {  	_ =	sfence  }
0xc6: {  	s30 =	sld [smem:$0x0];
	_ =	sdelay $0x2  }
0xc7: {  	s31 =	sshll.u32 s1, $0xD;
	s1 =	sshrl.u32 s1, $0x2  }
0xc8: {  	s4 =	sand.u32 $0x4000, s31;
	s1 =	sadd.s32 s1, s30  }
0xc9: {  	s0 =	sor.u32 s4, s0;
	s1 =	sshll.u32 s1, $0x11  }
0xca: {  	s0 =	sor.u32 s1, s0  }
0xcb: {  	s0 =	sadd.s32 $0x8F2B, s0  }
0xcc: {  	[sflag:s0] =	ssyncadd.remote.s32 $0x1  }
0xcd: {  	_ =	sfence.sel $0xFFFF  }
0xce: {  	[dreg:$0x0] =	wrdreg $0xFFFFFFFF;
	(pc) =	sbr.abs _section_cstart, $3  }
0xcf: {  	[dreg:$0x1] =	wrdreg $0xFFFFFFFF  }
0xd0: {  	_ =	task.clear_ibuf [dreg:s22], $0x2FFFF;
	_ =	strace $0x9FFFFFFF  }
0xd1: {  	(tm) =	ssettm $0x7FFFFFFF  }
tec
execute0_lowered:
.L_overlay_start_1:
0x0: {  	(tag) =	ssettag $0x1  }
0x1: {  	s8 =	rddreg [dreg:$0x0]  }
0x2: {  	s0 =	srdreg.scid;
	s2 =	rddreg [dreg:$0x1]  }
0x3: {  	s1 =	stileid.u32;
	s3 =	simm.s32 $0x0;
	s15 =	simm.s32 $0x80  }
0x4: {  	s16 =	simm.s32 $0x1000;
	s17 =	simm.s32 $0x1;
	s4 =	smul.u32 $0x5000, s1  }
0x5: {  	s9 =	sand.u32 $0x1, s0;
	s0 =	rddreg [dreg:$0x2];
	s12 =	smul.u32 $0x14000, s1  }
0x6: {  	[smem:$0x7FF] =	sst s3;
	s13 =	sshll.u32 s1, $0x6;
	s5 =	smul.u32 $0x27100, s9  }
0x7: {  	s6 =	smul.u32 $0x50000, s9;
	_ =	strace $0x8000004D;
	s31 =	ssub.s32 $0x2, s9  }
0x8: {  	s9 =	sshrl.u32 s31, $0x1;
	s12 =	sshrl.u32 s12, $0x2;
	s10 =	sadd.s32 s5, s8  }
0x9: {  	s5 =	sadd.s32 $0x27800, s8;
	s7 =	sadd.s32 s4, s6;
	s6 =	sadd.s32 $0x31800, s8  }
0xa: {  	s14 =	ssub.s32 s31, s9;
	s12 =	sadd.s32 s12, s2;
	s11 =	sshrl.u32 s7, $0x3  }
0xb: {  	s7 =	sadd.s32 $0x9DA00, s8;
	s9 =	sadd.s32 $0x4F800, s10;
	s12 =	sshrl.u32 s12, $0x3  }
0xc: {  	s11 =	sadd.s32 s11, s8;
	s8 =	sor.u32 $0x1C02, s13;
	s13 =	simm.s32 $0x2  }
0xd: {  	s10 =	sadd.s32 $0xA0200, s11;
	s11 =	smax.u32 s14, $0x1;
	s14 =	simm.s32 $0x800  }
.LBB2_1:
0xe: {  	[spmem:s12], [sflag:s8] =	dma.local [hbm:s7], $0xA00  }
0xf: {  	_ =	swait.ge [sflag:s13], $0xA00  }
0x10: {  	[sflag:s13] =	ssyncset.done $0x0  }
0x11: {  	[sflag:s13] =	ssyncadd.s32 $0xFFFFF600  }
0x12: {  	s18 =	simm.s32 $0x0;
	[bflag:$0x0] =	sbarrier.arrive $0xFFFF  }
.LBB2_2:
0x13: {  	s19 =	sshll.u32 s18, $0xB  }
0x14: {  	s19 =	sadd.s32 s4, s19  }
0x15: {  	s19 =	sshrl.u32 s19, $0x3  }
0x16: {  	s21 =	simm.s32 $0x0;
	s20 =	sadd.s32 s5, s19  }
0x17: {  	[tilespmem:s21], [sflag:$0x2] =	stream.linear.gather [hbm4b:s20+s21], $0x800, $0x38;
	[tilespmem:$0xA000] =	vst v63  }
0x18: {  	_ =	swait.ge [sflag:s13], $0x800  }
0x19: {  	[sflag:s13] =	ssyncset.done $0x0  }
0x1a: {  	s19 =	sadd.s32 s6, s19;
	[sflag:s13] =	ssyncadd.s32 $0xFFFFF800  }
0x1b: {  	[tilespmem:s14], [sflag:$0x2] =	stream.linear.gather [hbm4b:s19+s21], $0x800, $0x38;
	[tilespmem:$0xA000] =	vst v63  }
0x1c: {  	_ =	swait.ge [sflag:s13], $0x800  }
0x1d: {  	[sflag:s13] =	ssyncset.done $0x0  }
0x1e: {  	s30 =	simm.s32 $0x0;
	[sflag:s13] =	ssyncadd.s32 $0xFFFFF800  }
0x1f: {  	[tilespmem:s16], [sflag:$0x1] =	stream.indirect.gather [hbm4b:s9+s15], $0x80, s30, s15, $0xb8;
	[tilespmem:$0xA000] =	vst v63  }
0x20: {  	_ =	swait.ge [sflag:s17], $0x4000  }
0x21: {  	[sflag:s17] =	ssyncset.done $0x0  }
0x22: {  	s31 =	simm.s32 $0x800;
	[sflag:s17] =	ssyncadd.s32 $0xFFFFC000  }
0x23: {  	[spmem:s2] =	stream.indirect.scatter.add.f32 [tilespmem:s16], [sflag:$0x2], $0x80, s31, s15, $0xb8;
	[tilespmem:$0xA000] =	vst v63  }
0x24: {  	_ =	swait.ge [sflag:s13], $0x4000  }
0x25: {  	s20 =	simm.s32 $0x400;
	s19 =	simm.s32 $0x200;
	[sflag:s13] =	ssyncset.done $0x0  }
.LBB2_3:
0x26: {  	s21 =	sshra.s32 s19, $0x2  }
0x27: {  	[sflag:s13] =	ssyncadd.s32 $0xFFFFC000;
	s19 =	smov.u32 s20;
	s22 =	sadd.s32 $0x200, s20  }
0x28: {  	[tilespmem:s16], [sflag:$0x1] =	stream.indirect.gather [hbm4b:s9+s15], $0x80, s21, s15, $0xb8;
	[tilespmem:$0xA000] =	vst v63  }
0x29: {  	p0 =	sne.s32 s20, $0x1E00;
	_ =	swait.ge [sflag:s17], $0x4000  }
.Ltmp0:
0x2a: {  	[sflag:s17] =	ssyncset.done $0x0;
	(pc) =	sbr.rel @p0 .LBB2_3-.Ltmp0, $4  }
0x2b: {  	s20 =	sadd.s32 $0x800, s21;
	[sflag:s17] =	ssyncadd.s32 $0xFFFFC000  }
0x2c: {  	[spmem:s2] =	stream.indirect.scatter.add.f32 [tilespmem:s16], [sflag:$0x2], $0x80, s20, s15, $0xb8;
	[tilespmem:$0xA000] =	vst v63  }
0x2d: {  	_ =	swait.ge [sflag:s13], $0x4000  }
0x2e: {  	s20 =	smov.u32 s22;
	[sflag:s13] =	ssyncset.done $0x0  }
0x2f: {  	s19 =	sshra.s32 s19, $0x2;
	[sflag:s13] =	ssyncadd.s32 $0xFFFFC000  }
0x30: {  	[tilespmem:s16], [sflag:$0x1] =	stream.indirect.gather [hbm4b:s9+s15], $0x80, s19, s15, $0xb8;
	[tilespmem:$0xA000] =	vst v63  }
0x31: {  	s18 =	sadd.s32 $0x1, s18;
	_ =	swait.ge [sflag:s17], $0x4000  }
0x32: {  	p0 =	sne.s32 s18, $0xA;
	[sflag:s17] =	ssyncset.done $0x0  }
.Ltmp1:
0x33: {  	s19 =	sadd.s32 $0x800, s19;
	[sflag:s17] =	ssyncadd.s32 $0xFFFFC000;
	(pc) =	sbr.rel @p0 .LBB2_2-.Ltmp1, $4  }
0x34: {  	[spmem:s2] =	stream.indirect.scatter.add.f32 [tilespmem:s16], [sflag:$0x2], $0x80, s19, s15, $0xb8;
	[tilespmem:$0xA000] =	vst v63  }
0x35: {  	_ =	swait.ge [sflag:s13], $0x4000  }
0x36: {  	[sflag:s13] =	ssyncset.done $0x0  }
0x37: {  	[sflag:s13] =	ssyncadd.s32 $0xFFFFC000  }
0x38: {  	s3 =	sadd.s32 $0x1, s3  }
0x39: {  	p0 =	sne.s32 s3, s11  }
.Ltmp2:
0x3a: {  	[bflag:$0x0] =	sbarrier.arrive $0xFFFF;
	(pc) =	sbr.rel @p0 .LBB2_1-.Ltmp2, $4  }
0x3b: {  	[hbm:s10], [sflag:s8] =	dma.local [spmem:s12], $0xA00  }
0x3c: {  	_ =	swait.ge [sflag:s13], $0xA00  }
0x3d: {  	[sflag:s13] =	ssyncset.done $0x0  }
0x3e: {  	[sflag:s13] =	ssyncadd.s32 $0xFFFFF600  }
0x3f: {  	_ =	sfence.sel $0x180000  }
0x40: {  	[bflag:$0x0] =	sbarrier.arrive $0xFFFF  }
0x41: {  	p0 =	sne.s32 s1, $0x0;
	_ =	strace $0x9000004D  }
0x42: {  	s0 =	sadd.s32 @!p0 $0x100000, s0;
	[bflag:$0x2] =	sbarrier.arrive $0xFFFF  }
0x43: {  	[sflag:s0] =	ssyncadd.tile.s32 @!p0 $0x1;
	_ =	shalt  }
.Lfunc_end2:
_tile_overlayer_lowered:
.L_overlay_start_2:
0x44: {  	(tag) =	ssettag $0x2  }
0x45: {  	s0 =	rddreg [dreg:$0x0];
	s2 =	stileid.u32  }
0x46: {  	s1 =	rddreg [dreg:$0x1];
	p0 =	sne.s32 s2, $0x0  }
0x47: {  	s3 =	rddreg [dreg:$0x2];
	[bflag:$0x3] =	sbarrier.arrive $0xFFFF;
	s2 =	simm.s32 @!p0 $0x1C02  }
0x48: {  	[timem:s3], [sflag:s2] =	dma.local @!p0 [hbm:s0], s1  }
0x49: {  	s0 =	simm.s32 @!p0 $0x2  }
0x4a: {  	_ =	swait.ge @!p0 [sflag:s0], s1  }
0x4b: {  	s1 =	ssub.s32 @!p0 $0x0, s1;
	[sflag:s0] =	ssyncset.done @!p0 $0x0  }
0x4c: {  	[sflag:s0] =	ssyncadd.s32 @!p0 s1  }
0x4d: {  	[bflag:$0x3] =	sbarrier.arrive $0xFFFF  }
0x4e: {  	_ =	shalt  }

// kernel: kernel.24.cloned.1.call-start
scs
__scs_entry_jumppad:
0x0: {  	(pc) =	sbr.rel $0x88, $3  }
0x1: {  	(tag) =	ssettag $0x0;
	lr =	simm.s32 $0x1  }
0x2: {  	[smem:$0x3F94] =	sst lr;
	_ =	strace $0xD0000000  }
0x3: {  	_ = 	snop  }
0x4: {  	_ = 	snop  }
0x5: {  	_ = 	snop  }
0x6: {  	_ = 	snop  }
0x7: {  	_ = 	snop  }
__scs_overlays_trampoline_lowered:
0x8: {  	[smem:$0x3FA3] =	sst s0  }
0x9: {  	[smem:$0x3FA4] =	sst s1  }
0xa: {  	[smem:$0x3FA5] =	sst s2  }
0xb: {  	[smem:$0x3FA6] =	sst s3  }
0xc: {  	[smem:$0x3FA7] =	sst s4  }
0xd: {  	[smem:$0x3FA8] =	sst s5  }
0xe: {  	[smem:$0x3FA9] =	sst s6  }
0xf: {  	[smem:$0x3FAA] =	sst s7  }
0x10: {  	[smem:$0x3FAB] =	sst s8  }
0x11: {  	[smem:$0x3FAC] =	sst s9;
	s0 =	simm.s32 @!p0 $0x0  }
0x12: {  	s1 =	sld [smem:$0x3F92];
	s0 =	simm.s32 @p0 $0x1  }
0x13: {  	[smem:$0x3FAD] =	sst s0;
	s0 =	simm.s32 @!p1 $0x0  }
0x14: {  	s2 =	sld [smem:$0x3F91];
	s0 =	simm.s32 @p1 $0x1  }
0x15: {  	[smem:$0x3FAE] =	sst s0;
	s0 =	simm.s32 @!p2 $0x0  }
0x16: {  	s3 =	sld [smem:$0x3FDB];
	s0 =	simm.s32 @p2 $0x1  }
0x17: {  	s4 =	simm.s32 $0x1BF5;
	[smem:$0x3FB0] =	sst s0  }
0x18: {  	s0 =	sld [smem:$0x3F93];
	_ =	swait.ge [sflag:s4], $0x0  }
0x19: {  	s7 =	sld [smem:$0x3F94]  }
0x1a: {  	s8 =	sadd.s32 $0xFFFFE003, lr  }
0x1b: {  	s9 =	sadd.s32 $0xFFFFFEF7, lr;
	s5 =	simm.s32 $0xFFFFFFFF;
	p2 =	slt.u32 s8, $0xFFFFF086  }
0x1c: {  	p1 =	slt.u32 s9, $0xF7A;
	s5 =	simm.s32 @!p2 $0x0  }
0x1d: {  	s5 =	simm.s32 @p1 $0x1;
	p0 =	seq.s32 s7, s2  }
0x1e: {  	s7 =	smul.u32 @!p0 $0xF7A, s2;
	p2 =	seq.s32 @!p0 s5, $0x0  }
0x1f: {  	s9 =	smul.u32 $0xF7A, s1;
	s8 =	simm.s32 @!p0 $0x1BF5;
	p2 =	por !p2, p0  }
0x20: {  	[sflag:s8] =	ssyncset.s32 @!p0 $0xFFFFF086;
	s6 =	sadd.s32 @!p0 s3, s7;
	s7 =	simm.s32 @!p0 $0x108  }
0x21: {  	s3 =	sadd.s32 s3, s9;
	s6 =	sadd.s32 @!p0 $0x88, s6;
	s7 =	simm.s32 @p2 $0x1082  }
0x22: {  	[simem:s7], [sflag:s8] =	dma.local @!p0 [hbm:s6], $0xF7A  }
0x23: {  	s9 =	sor.u32 $0xD0000000, s2;
	s6 =	simm.s32 $0x108;
	_ =	swait.ge @!p0 [sflag:s8], $0x0  }
0x24: {  	s3 =	sadd.s32 $0x88, s3;
	s6 =	simm.s32 @!p1 $0x1082;
	[sflag:s4] =	ssyncset.s32 $0xFFFFF086  }
0x25: {  	[simem:s6], [sflag:s4] =	dma.local [hbm:s3], $0xF7A  }
0x26: {  	[smem:$0x3F94] =	sst s1;
	(tag) =	ssettag s2;
	_ =	strace s9  }
0x27: {  	s1 =	sld [smem:$0x3FA4]  }
0x28: {  	s2 =	sld [smem:$0x3FA5]  }
0x29: {  	s4 =	sld [smem:$0x3FA7]  }
0x2a: {  	p0 =	seq.s32 s5, $0x0;
	s5 =	sld [smem:$0x3FA8]  }
0x2b: {  	s6 =	sld [smem:$0x3FA9]  }
0x2c: {  	s7 =	sld [smem:$0x3FAA]  }
0x2d: {  	s3 =	simm.s32 $0x108;
	s8 =	sld [smem:$0x3FAB]  }
0x2e: {  	s3 =	simm.s32 @!p0 $0x1082;
	s9 =	sld [smem:$0x3FAC]  }
0x2f: {  	lr =	sadd.s32 s0, s3;
	s0 =	sld [smem:$0x3FA3]  }
0x30: {  	s3 =	sld [smem:$0x3FA6]  }
0x31: {  	[smem:$0x3FAF] =	sst s10  }
0x32: {  	s10 =	sld [smem:$0x3FAD];
	_ =	sdelay $0x3  }
0x33: {  	p0 =	seq.s32 s10, $0x1;
	s10 =	sld [smem:$0x3FAF];
	_ =	sdelay $0x3  }
0x34: {  	[smem:$0x3FAF] =	sst s10  }
0x35: {  	s10 =	sld [smem:$0x3FAE];
	_ =	sdelay $0x3  }
0x36: {  	p1 =	seq.s32 s10, $0x1;
	s10 =	sld [smem:$0x3FAF];
	_ =	sdelay $0x3  }
0x37: {  	[smem:$0x3FAF] =	sst s10  }
0x38: {  	s10 =	sld [smem:$0x3FB0]  }
0x39: {  	_ = 	snop;
	(pc) =	sbr.ind lr, $3  }
0x3a: {  	_ = 	snop  }
0x3b: {  	_ = 	snop  }
0x3c: {  	p2 =	seq.s32 s10, $0x1;
	s10 =	sld [smem:$0x3FAF]  }
0x3d: {  	_ =	shalt  }
0x3e: {  	_ =	shalt  }
0x3f: {  	_ =	shalt  }
0x40: {  	_ =	shalt  }
0x41: {  	_ =	shalt  }
0x42: {  	_ =	shalt  }
0x43: {  	_ =	shalt  }
0x44: {  	_ =	shalt  }
0x45: {  	_ =	shalt  }
0x46: {  	_ =	shalt  }
0x47: {  	_ =	shalt  }
0x48: {  	_ =	shalt  }
0x49: {  	_ =	shalt  }
0x4a: {  	_ =	shalt  }
0x4b: {  	_ =	shalt  }
0x4c: {  	_ =	shalt  }
0x4d: {  	_ =	shalt  }
0x4e: {  	_ =	shalt  }
0x4f: {  	_ =	shalt  }
0x50: {  	_ =	shalt  }
0x51: {  	_ =	shalt  }
0x52: {  	_ =	shalt  }
0x53: {  	_ =	shalt  }
0x54: {  	_ =	shalt  }
0x55: {  	_ =	shalt  }
0x56: {  	_ =	shalt  }
0x57: {  	_ =	shalt  }
0x58: {  	_ =	shalt  }
0x59: {  	_ =	shalt  }
0x5a: {  	_ =	shalt  }
0x5b: {  	_ =	shalt  }
0x5c: {  	_ =	shalt  }
0x5d: {  	_ =	shalt  }
0x5e: {  	_ =	shalt  }
0x5f: {  	_ =	shalt  }
0x60: {  	_ =	shalt  }
0x61: {  	_ =	shalt  }
0x62: {  	_ =	shalt  }
0x63: {  	_ =	shalt  }
0x64: {  	_ =	shalt  }
0x65: {  	_ =	shalt  }
0x66: {  	_ =	shalt  }
0x67: {  	_ =	shalt  }
0x68: {  	_ =	shalt  }
0x69: {  	_ =	shalt  }
0x6a: {  	_ =	shalt  }
0x6b: {  	_ =	shalt  }
0x6c: {  	_ =	shalt  }
0x6d: {  	_ =	shalt  }
0x6e: {  	_ =	shalt  }
0x6f: {  	_ =	shalt  }
0x70: {  	_ =	shalt  }
0x71: {  	_ =	shalt  }
0x72: {  	_ =	shalt  }
0x73: {  	_ =	shalt  }
0x74: {  	_ =	shalt  }
0x75: {  	_ =	shalt  }
0x76: {  	_ =	shalt  }
0x77: {  	_ =	shalt  }
0x78: {  	_ =	shalt  }
0x79: {  	_ =	shalt  }
0x7a: {  	_ =	shalt  }
0x7b: {  	_ =	shalt  }
0x7c: {  	_ =	shalt  }
0x7d: {  	_ =	shalt  }
0x7e: {  	_ =	shalt  }
0x7f: {  	_ =	shalt  }
0x80: {  	_ =	shalt  }
0x81: {  	_ =	shalt  }
0x82: {  	_ =	shalt  }
0x83: {  	_ =	shalt  }
0x84: {  	_ =	shalt  }
0x85: {  	_ =	shalt  }
0x86: {  	_ =	shalt  }
0x87: {  	_ =	shalt  }
.Lfunc_end0:
.L_simem_size_0:
called_computation.3_lowered:
.L_overlay_start_0:
0x88: {  	s2 =	sld [smem:$0x3FD9]  }
0x89: {  	s3 =	sld [smem:$0x3FFE];
	_ =	sdelay $0x1  }
0x8a: {  	s1 =	srdreg.scid  }
0x8b: {  	s0 =	sand.u32 $0x1, s1  }
0x8c: {  	s16 =	sshll.u32 s0, $0xA;
	s2 =	sadd.s32 s3, s2  }
0x8d: {  	s2 =	sadd.s32 s2, s16  }
0x8e: {  	[smem:$0x3FBB] =	sst s2  }
0x8f: {  	_ = 	snop  }
0x90: {  	(tm) =	ssettm $0x1  }
0x91: {  	s17 =	sld [smem:$0x3FFB];
	_ =	sdelay $0x3  }
0x92: {  	_ =	strace s17  }
0x93: {  	s2 =	sld [smem:$0x3FFC];
	_ =	sdelay $0x3  }
0x94: {  	_ =	strace s2  }
0x95: {  	s2 =	sld [smem:$0x3FFD];
	_ =	sdelay $0x3  }
0x96: {  	_ =	strace s2  }
0x97: {  	_ =	strace $0x8FFFFFFF  }
0x98: {  	s18 =	sld [smem:$0x3FDB];
	_ =	sdelay $0x1  }
0x99: {  	s19 =	simm.s32 $_scs_section_size  }
0x9a: {  	s4 =	simm.s32 $_size__tile_overlayer_lowered;
	s5 =	simm.s32 $_tile_overlayer_lowered  }
0x9b: {  	s22 =	simm.s32 $0x1BFF;
	s21 =	sshll.u32 s5, $0x1;
	s2 =	sadd.s32 s19, s18  }
0x9c: {  	s6 =	simm.s32 $0x0;
	s20 =	sshll.u32 s4, $0x1;
	s4 =	sadd.s32 s21, s2  }
0x9d: {  	[timem:s6], [sflag:s22] =	dma.local [hbm:s4], s20  }
0x9e: {  	_ =	swait.ge [sflag:s22], s20  }
0x9f: {  	s3 =	ssub.s32 $0x0, s20;
	[sflag:s22] =	ssyncset.done $0x0  }
0xa0: {  	[sflag:s22] =	ssyncadd.s32 s3;
	_ =	sdelay $0x1  }
0xa1: {  	s23 =	simm.s32 $0x1B8B  }
0xa2: {  	_ =	swait.ge [sflag:s23], $0x1  }
0xa3: {  	[sflag:s23] =	ssyncset.done $0x0  }
0xa4: {  	s25 =	simm.s32 $0x1B8E;
	s24 =	sld [smem:$0x3FFE];
	[sflag:s23] =	ssyncadd.s32 $0xFFFFFFFF  }
0xa5: {  	s26 =	simm.s32 $execute0_lowered;
	[smem:$0x3FD2] =	sst s25  }
0xa6: {  	s4 =	sshll.u32 s26, $0x1;
	_ =	strace $0x8000004F;
	[dreg:$0x1] =	wrdreg $0xFFFFFFFF  }
0xa7: {  	s28 =	simm.s32 $_size_execute0_lowered;
	s2 =	sadd.s32 s2, s4;
	[dreg:$0x0] =	wrdreg $0x0  }
0xa8: {  	s4 =	sshll.u32 s28, $0x1;
	[dreg:$0x2] =	wrdreg s2  }
0xa9: {  	[dreg:$0x3] =	wrdreg s4  }
0xaa: {  	[dreg:$0x4] =	wrdreg $0xC0  }
0xab: {  	_ =	task [dreg:s6], $0x5FFFF  }
0xac: {  	[dreg:$0x1] =	wrdreg $0xFFFFFFFF  }
0xad: {  	[dreg:$0x0] =	wrdreg $0x60  }
0xae: {  	[dreg:$0x2] =	wrdreg s24  }
0xaf: {  	[dreg:$0x3] =	wrdreg $0x50000  }
0xb0: {  	[dreg:$0x4] =	wrdreg $0x9  }
0xb1: {  	_ =	task.clear_ibuf [dreg:s6], $0x5FFFF;
	_ =	strace $0x9000004F  }
0xb2: {  	s29 =	simm.s32 $0x9;
	_ =	strace $0x80000051  }
0xb3: {  	_ =	swait.ge [sflag:s29], $0x1  }
0xb4: {  	[sflag:s29] =	ssyncadd.s32 $0xFFFFFFFF  }
0xb5: {  	_ =	strace $0x90000051  }
0xb6: {  	_ =	sfence  }
0xb7: {  	s30 =	sld [smem:$0x0];
	_ =	sdelay $0x2  }
0xb8: {  	s31 =	sshll.u32 s1, $0xD;
	s1 =	sshrl.u32 s1, $0x2  }
0xb9: {  	s3 =	sand.u32 $0x4000, s31;
	s1 =	sadd.s32 s1, s30  }
0xba: {  	s0 =	sor.u32 s3, s0;
	s1 =	sshll.u32 s1, $0x11  }
0xbb: {  	s0 =	sor.u32 s1, s0  }
0xbc: {  	s0 =	sadd.s32 $0x8F2B, s0  }
0xbd: {  	[sflag:s0] =	ssyncadd.remote.s32 $0x1  }
0xbe: {  	_ =	sfence.sel $0xFFFF  }
0xbf: {  	[dreg:$0x0] =	wrdreg $0xFFFFFFFF;
	(pc) =	sbr.abs _section_cstart, $3  }
0xc0: {  	[dreg:$0x1] =	wrdreg $0xFFFFFFFF  }
0xc1: {  	_ =	task.clear_ibuf [dreg:s6], $0x2FFFF;
	_ =	strace $0x9FFFFFFF  }
0xc2: {  	(tm) =	ssettm $0x7FFFFFFF  }
0xc3: {  	_ =	shalt  }
tec
execute0_lowered:
.L_overlay_start_1:
0x0: {  	(tag) =	ssettag $0x1  }
0x1: {  	s7 =	rddreg [dreg:$0x0]  }
0x2: {  	s0 =	srdreg.scid;
	s1 =	rddreg [dreg:$0x1];
	s3 =	simm.s32 $0x0  }
0x3: {  	s2 =	stileid.u32;
	s15 =	simm.s32 $0x80;
	s16 =	simm.s32 $0x1000  }
0x4: {  	s6 =	sand.u32 $0x1, s0;
	s0 =	rddreg [dreg:$0x2];
	s9 =	smul.u32 $0x14000, s2  }
0x5: {  	s17 =	simm.s32 $0x1;
	[smem:$0x7FF] =	sst s3;
	s11 =	smul.u32 $0x50000, s2  }
0x6: {  	s5 =	sadd.s32 $0x3B800, s7;
	s31 =	sshll.u32 s2, $0x6;
	s4 =	smul.u32 $0x9C80, s6  }
0x7: {  	s8 =	smul.u32 $0x140000, s6;
	_ =	strace $0x80000050;
	s28 =	ssub.s32 $0x2, s6  }
0x8: {  	s6 =	sadd.s32 $0x9DA00, s7;
	s29 =	sshrl.u32 s28, $0x1;
	s30 =	sshrl.u32 s11, $0x2  }
0x9: {  	s10 =	sadd.s32 s4, s7;
	s4 =	sadd.s32 $0x45800, s7;
	s8 =	sadd.s32 s9, s8  }
0xa: {  	s13 =	ssub.s32 s28, s29;
	s14 =	sadd.s32 s30, s1;
	s8 =	sshrl.u32 s8, $0x3  }
0xb: {  	s9 =	sadd.s32 $0x5E00, s10;
	s11 =	smax.u32 s13, $0x1;
	s13 =	simm.s32 $0x2  }
0xc: {  	s12 =	sadd.s32 s8, s7;
	s7 =	sor.u32 $0x1C02, s31;
	s8 =	smul.u32 $0x5000, s2  }
0xd: {  	s10 =	sadd.s32 $0xA0200, s12;
	s12 =	sshrl.u32 s14, $0x3;
	s14 =	simm.s32 $0x800  }
.LBB2_1:
0xe: {  	[spmem:s12], [sflag:s7] =	dma.local [hbm:s6], $0x2800  }
0xf: {  	_ =	swait.ge [sflag:s13], $0x2800  }
0x10: {  	[sflag:s13] =	ssyncset.done $0x0  }
0x11: {  	[sflag:s13] =	ssyncadd.s32 $0xFFFFD800  }
0x12: {  	s18 =	simm.s32 $0x0;
	[bflag:$0x0] =	sbarrier.arrive $0xFFFF  }
.LBB2_2:
0x13: {  	s19 =	sshll.u32 s18, $0xB  }
0x14: {  	s19 =	sadd.s32 s8, s19  }
0x15: {  	s19 =	sshrl.u32 s19, $0x3  }
0x16: {  	s21 =	simm.s32 $0x0;
	s20 =	sadd.s32 s4, s19  }
0x17: {  	[tilespmem:s21], [sflag:$0x2] =	stream.linear.gather [hbm4b:s20+s21], $0x800, $0x38;
	[tilespmem:$0x19000] =	vst v63  }
0x18: {  	_ =	swait.ge [sflag:s13], $0x800  }
0x19: {  	[sflag:s13] =	ssyncset.done $0x0  }
0x1a: {  	s19 =	sadd.s32 s5, s19;
	[sflag:s13] =	ssyncadd.s32 $0xFFFFF800  }
0x1b: {  	[tilespmem:s14], [sflag:$0x2] =	stream.linear.gather [hbm4b:s19+s21], $0x800, $0x38;
	[tilespmem:$0x19000] =	vst v63  }
0x1c: {  	_ =	swait.ge [sflag:s13], $0x800  }
0x1d: {  	[sflag:s13] =	ssyncset.done $0x0  }
0x1e: {  	s30 =	simm.s32 $0x0;
	[sflag:s13] =	ssyncadd.s32 $0xFFFFF800  }
0x1f: {  	[tilespmem:s16], [sflag:$0x1] =	stream.indirect.gather [hbm4b:s9+s15], $0x80, s30, s15, $0xb8;
	[tilespmem:$0x19000] =	vst v63  }
0x20: {  	_ =	swait.ge [sflag:s17], $0x4000  }
0x21: {  	[sflag:s17] =	ssyncset.done $0x0  }
0x22: {  	s31 =	simm.s32 $0x800;
	[sflag:s17] =	ssyncadd.s32 $0xFFFFC000  }
0x23: {  	[spmem:s1] =	stream.indirect.scatter.add.f32 [tilespmem:s16], [sflag:$0x2], $0x80, s31, s15, $0xb8;
	[tilespmem:$0x19000] =	vst v63  }
0x24: {  	_ =	swait.ge [sflag:s13], $0x4000  }
0x25: {  	s20 =	simm.s32 $0x400;
	s19 =	simm.s32 $0x200;
	[sflag:s13] =	ssyncset.done $0x0  }
.LBB2_3:
0x26: {  	s21 =	sshra.s32 s19, $0x2  }
0x27: {  	[sflag:s13] =	ssyncadd.s32 $0xFFFFC000;
	s19 =	smov.u32 s20;
	s22 =	sadd.s32 $0x200, s20  }
0x28: {  	[tilespmem:s16], [sflag:$0x1] =	stream.indirect.gather [hbm4b:s9+s15], $0x80, s21, s15, $0xb8;
	[tilespmem:$0x19000] =	vst v63  }
0x29: {  	p0 =	sne.s32 s20, $0x1E00;
	_ =	swait.ge [sflag:s17], $0x4000  }
.Ltmp0:
0x2a: {  	[sflag:s17] =	ssyncset.done $0x0;
	(pc) =	sbr.rel @p0 .LBB2_3-.Ltmp0, $4  }
0x2b: {  	s20 =	sadd.s32 $0x800, s21;
	[sflag:s17] =	ssyncadd.s32 $0xFFFFC000  }
0x2c: {  	[spmem:s1] =	stream.indirect.scatter.add.f32 [tilespmem:s16], [sflag:$0x2], $0x80, s20, s15, $0xb8;
	[tilespmem:$0x19000] =	vst v63  }
0x2d: {  	_ =	swait.ge [sflag:s13], $0x4000  }
0x2e: {  	s20 =	smov.u32 s22;
	[sflag:s13] =	ssyncset.done $0x0  }
0x2f: {  	s19 =	sshra.s32 s19, $0x2;
	[sflag:s13] =	ssyncadd.s32 $0xFFFFC000  }
0x30: {  	[tilespmem:s16], [sflag:$0x1] =	stream.indirect.gather [hbm4b:s9+s15], $0x80, s19, s15, $0xb8;
	[tilespmem:$0x19000] =	vst v63  }
0x31: {  	s18 =	sadd.s32 $0x1, s18;
	_ =	swait.ge [sflag:s17], $0x4000  }
0x32: {  	p0 =	sne.s32 s18, $0xA;
	[sflag:s17] =	ssyncset.done $0x0  }
.Ltmp1:
0x33: {  	s19 =	sadd.s32 $0x800, s19;
	[sflag:s17] =	ssyncadd.s32 $0xFFFFC000;
	(pc) =	sbr.rel @p0 .LBB2_2-.Ltmp1, $4  }
0x34: {  	[spmem:s1] =	stream.indirect.scatter.add.f32 [tilespmem:s16], [sflag:$0x2], $0x80, s19, s15, $0xb8;
	[tilespmem:$0x19000] =	vst v63  }
0x35: {  	_ =	swait.ge [sflag:s13], $0x4000  }
0x36: {  	[sflag:s13] =	ssyncset.done $0x0  }
0x37: {  	[sflag:s13] =	ssyncadd.s32 $0xFFFFC000  }
0x38: {  	s3 =	sadd.s32 $0x1, s3  }
0x39: {  	p0 =	sne.s32 s3, s11  }
.Ltmp2:
0x3a: {  	[bflag:$0x0] =	sbarrier.arrive $0xFFFF;
	(pc) =	sbr.rel @p0 .LBB2_1-.Ltmp2, $4  }
0x3b: {  	[hbm:s10], [sflag:s7] =	dma.local [spmem:s12], $0x2800  }
0x3c: {  	_ =	swait.ge [sflag:s13], $0x2800  }
0x3d: {  	[sflag:s13] =	ssyncset.done $0x0  }
0x3e: {  	[sflag:s13] =	ssyncadd.s32 $0xFFFFD800  }
0x3f: {  	_ =	sfence.sel $0x180000  }
0x40: {  	[bflag:$0x0] =	sbarrier.arrive $0xFFFF  }
0x41: {  	p0 =	sne.s32 s2, $0x0;
	_ =	strace $0x90000050  }
0x42: {  	s0 =	sadd.s32 @!p0 $0x100000, s0;
	[bflag:$0x2] =	sbarrier.arrive $0xFFFF  }
0x43: {  	[sflag:s0] =	ssyncadd.tile.s32 @!p0 $0x1;
	_ =	shalt  }
.Lfunc_end2:
_tile_overlayer_lowered:
.L_overlay_start_2:
0x44: {  	(tag) =	ssettag $0x2  }
0x45: {  	s0 =	rddreg [dreg:$0x0];
	s2 =	stileid.u32  }
0x46: {  	s1 =	rddreg [dreg:$0x1];
	p0 =	sne.s32 s2, $0x0  }
0x47: {  	s3 =	rddreg [dreg:$0x2];
	[bflag:$0x3] =	sbarrier.arrive $0xFFFF;
	s2 =	simm.s32 @!p0 $0x1C02  }
0x48: {  	[timem:s3], [sflag:s2] =	dma.local @!p0 [hbm:s0], s1  }
0x49: {  	s0 =	simm.s32 @!p0 $0x2  }
0x4a: {  	_ =	swait.ge @!p0 [sflag:s0], s1  }
0x4b: {  	s1 =	ssub.s32 @!p0 $0x0, s1;
	[sflag:s0] =	ssyncset.done @!p0 $0x0  }
0x4c: {  	[sflag:s0] =	ssyncadd.s32 @!p0 s1  }
0x4d: {  	[bflag:$0x3] =	sbarrier.arrive $0xFFFF  }
0x4e: {  	_ =	shalt  }

// kernel: kernel.27.cloned.1.call-start
scs
__scs_entry_jumppad:
0x0: {  	(pc) =	sbr.rel $0x88, $3  }
0x1: {  	(tag) =	ssettag $0x0;
	lr =	simm.s32 $0x1  }
0x2: {  	[smem:$0x3F94] =	sst lr;
	_ =	strace $0xD0000000  }
0x3: {  	_ = 	snop  }
0x4: {  	_ = 	snop  }
0x5: {  	_ = 	snop  }
0x6: {  	_ = 	snop  }
0x7: {  	_ = 	snop  }
__scs_overlays_trampoline_lowered:
0x8: {  	[smem:$0x3FA3] =	sst s0  }
0x9: {  	[smem:$0x3FA4] =	sst s1  }
0xa: {  	[smem:$0x3FA5] =	sst s2  }
0xb: {  	[smem:$0x3FA6] =	sst s3  }
0xc: {  	[smem:$0x3FA7] =	sst s4  }
0xd: {  	[smem:$0x3FA8] =	sst s5  }
0xe: {  	[smem:$0x3FA9] =	sst s6  }
0xf: {  	[smem:$0x3FAA] =	sst s7  }
0x10: {  	[smem:$0x3FAB] =	sst s8  }
0x11: {  	[smem:$0x3FAC] =	sst s9;
	s0 =	simm.s32 @!p0 $0x0  }
0x12: {  	s1 =	sld [smem:$0x3F92];
	s0 =	simm.s32 @p0 $0x1  }
0x13: {  	[smem:$0x3FAD] =	sst s0;
	s0 =	simm.s32 @!p1 $0x0  }
0x14: {  	s2 =	sld [smem:$0x3F91];
	s0 =	simm.s32 @p1 $0x1  }
0x15: {  	[smem:$0x3FAE] =	sst s0;
	s0 =	simm.s32 @!p2 $0x0  }
0x16: {  	s3 =	sld [smem:$0x3FDB];
	s0 =	simm.s32 @p2 $0x1  }
0x17: {  	s4 =	simm.s32 $0x1BF5;
	[smem:$0x3FB0] =	sst s0  }
0x18: {  	s0 =	sld [smem:$0x3F93];
	_ =	swait.ge [sflag:s4], $0x0  }
0x19: {  	s7 =	sld [smem:$0x3F94]  }
0x1a: {  	s8 =	sadd.s32 $0xFFFFE003, lr  }
0x1b: {  	s9 =	sadd.s32 $0xFFFFFEF7, lr;
	s5 =	simm.s32 $0xFFFFFFFF;
	p2 =	slt.u32 s8, $0xFFFFF086  }
0x1c: {  	p1 =	slt.u32 s9, $0xF7A;
	s5 =	simm.s32 @!p2 $0x0  }
0x1d: {  	s5 =	simm.s32 @p1 $0x1;
	p0 =	seq.s32 s7, s2  }
0x1e: {  	s7 =	smul.u32 @!p0 $0xF7A, s2;
	p2 =	seq.s32 @!p0 s5, $0x0  }
0x1f: {  	s9 =	smul.u32 $0xF7A, s1;
	s8 =	simm.s32 @!p0 $0x1BF5;
	p2 =	por !p2, p0  }
0x20: {  	[sflag:s8] =	ssyncset.s32 @!p0 $0xFFFFF086;
	s6 =	sadd.s32 @!p0 s3, s7;
	s7 =	simm.s32 @!p0 $0x108  }
0x21: {  	s3 =	sadd.s32 s3, s9;
	s6 =	sadd.s32 @!p0 $0x88, s6;
	s7 =	simm.s32 @p2 $0x1082  }
0x22: {  	[simem:s7], [sflag:s8] =	dma.local @!p0 [hbm:s6], $0xF7A  }
0x23: {  	s9 =	sor.u32 $0xD0000000, s2;
	s6 =	simm.s32 $0x108;
	_ =	swait.ge @!p0 [sflag:s8], $0x0  }
0x24: {  	s3 =	sadd.s32 $0x88, s3;
	s6 =	simm.s32 @!p1 $0x1082;
	[sflag:s4] =	ssyncset.s32 $0xFFFFF086  }
0x25: {  	[simem:s6], [sflag:s4] =	dma.local [hbm:s3], $0xF7A  }
0x26: {  	[smem:$0x3F94] =	sst s1;
	(tag) =	ssettag s2;
	_ =	strace s9  }
0x27: {  	s1 =	sld [smem:$0x3FA4]  }
0x28: {  	s2 =	sld [smem:$0x3FA5]  }
0x29: {  	s4 =	sld [smem:$0x3FA7]  }
0x2a: {  	p0 =	seq.s32 s5, $0x0;
	s5 =	sld [smem:$0x3FA8]  }
0x2b: {  	s6 =	sld [smem:$0x3FA9]  }
0x2c: {  	s7 =	sld [smem:$0x3FAA]  }
0x2d: {  	s3 =	simm.s32 $0x108;
	s8 =	sld [smem:$0x3FAB]  }
0x2e: {  	s3 =	simm.s32 @!p0 $0x1082;
	s9 =	sld [smem:$0x3FAC]  }
0x2f: {  	lr =	sadd.s32 s0, s3;
	s0 =	sld [smem:$0x3FA3]  }
0x30: {  	s3 =	sld [smem:$0x3FA6]  }
0x31: {  	[smem:$0x3FAF] =	sst s10  }
0x32: {  	s10 =	sld [smem:$0x3FAD];
	_ =	sdelay $0x3  }
0x33: {  	p0 =	seq.s32 s10, $0x1;
	s10 =	sld [smem:$0x3FAF];
	_ =	sdelay $0x3  }
0x34: {  	[smem:$0x3FAF] =	sst s10  }
0x35: {  	s10 =	sld [smem:$0x3FAE];
	_ =	sdelay $0x3  }
0x36: {  	p1 =	seq.s32 s10, $0x1;
	s10 =	sld [smem:$0x3FAF];
	_ =	sdelay $0x3  }
0x37: {  	[smem:$0x3FAF] =	sst s10  }
0x38: {  	s10 =	sld [smem:$0x3FB0]  }
0x39: {  	_ = 	snop;
	(pc) =	sbr.ind lr, $3  }
0x3a: {  	_ = 	snop  }
0x3b: {  	_ = 	snop  }
0x3c: {  	p2 =	seq.s32 s10, $0x1;
	s10 =	sld [smem:$0x3FAF]  }
0x3d: {  	_ =	shalt  }
0x3e: {  	_ =	shalt  }
0x3f: {  	_ =	shalt  }
0x40: {  	_ =	shalt  }
0x41: {  	_ =	shalt  }
0x42: {  	_ =	shalt  }
0x43: {  	_ =	shalt  }
0x44: {  	_ =	shalt  }
0x45: {  	_ =	shalt  }
0x46: {  	_ =	shalt  }
0x47: {  	_ =	shalt  }
0x48: {  	_ =	shalt  }
0x49: {  	_ =	shalt  }
0x4a: {  	_ =	shalt  }
0x4b: {  	_ =	shalt  }
0x4c: {  	_ =	shalt  }
0x4d: {  	_ =	shalt  }
0x4e: {  	_ =	shalt  }
0x4f: {  	_ =	shalt  }
0x50: {  	_ =	shalt  }
0x51: {  	_ =	shalt  }
0x52: {  	_ =	shalt  }
0x53: {  	_ =	shalt  }
0x54: {  	_ =	shalt  }
0x55: {  	_ =	shalt  }
0x56: {  	_ =	shalt  }
0x57: {  	_ =	shalt  }
0x58: {  	_ =	shalt  }
0x59: {  	_ =	shalt  }
0x5a: {  	_ =	shalt  }
0x5b: {  	_ =	shalt  }
0x5c: {  	_ =	shalt  }
0x5d: {  	_ =	shalt  }
0x5e: {  	_ =	shalt  }
0x5f: {  	_ =	shalt  }
0x60: {  	_ =	shalt  }
0x61: {  	_ =	shalt  }
0x62: {  	_ =	shalt  }
0x63: {  	_ =	shalt  }
0x64: {  	_ =	shalt  }
0x65: {  	_ =	shalt  }
0x66: {  	_ =	shalt  }
0x67: {  	_ =	shalt  }
0x68: {  	_ =	shalt  }
0x69: {  	_ =	shalt  }
0x6a: {  	_ =	shalt  }
0x6b: {  	_ =	shalt  }
0x6c: {  	_ =	shalt  }
0x6d: {  	_ =	shalt  }
0x6e: {  	_ =	shalt  }
0x6f: {  	_ =	shalt  }
0x70: {  	_ =	shalt  }
0x71: {  	_ =	shalt  }
0x72: {  	_ =	shalt  }
0x73: {  	_ =	shalt  }
0x74: {  	_ =	shalt  }
0x75: {  	_ =	shalt  }
0x76: {  	_ =	shalt  }
0x77: {  	_ =	shalt  }
0x78: {  	_ =	shalt  }
0x79: {  	_ =	shalt  }
0x7a: {  	_ =	shalt  }
0x7b: {  	_ =	shalt  }
0x7c: {  	_ =	shalt  }
0x7d: {  	_ =	shalt  }
0x7e: {  	_ =	shalt  }
0x7f: {  	_ =	shalt  }
0x80: {  	_ =	shalt  }
0x81: {  	_ =	shalt  }
0x82: {  	_ =	shalt  }
0x83: {  	_ =	shalt  }
0x84: {  	_ =	shalt  }
0x85: {  	_ =	shalt  }
0x86: {  	_ =	shalt  }
0x87: {  	_ =	shalt  }
.Lfunc_end0:
.L_simem_size_0:
called_computation.4_lowered:
.L_overlay_start_0:
0x88: {  	s2 =	sld [smem:$0x3FD9]  }
0x89: {  	s3 =	sld [smem:$0x3FFE];
	_ =	sdelay $0x1  }
0x8a: {  	s1 =	srdreg.scid  }
0x8b: {  	s0 =	sand.u32 $0x1, s1  }
0x8c: {  	s16 =	sshll.u32 s0, $0xA;
	s2 =	sadd.s32 s3, s2  }
0x8d: {  	s2 =	sadd.s32 s2, s16  }
0x8e: {  	[smem:$0x3FBB] =	sst s2  }
0x8f: {  	_ = 	snop  }
0x90: {  	(tm) =	ssettm $0x1  }
0x91: {  	s17 =	sld [smem:$0x3FFB];
	_ =	sdelay $0x3  }
0x92: {  	_ =	strace s17  }
0x93: {  	s2 =	sld [smem:$0x3FFC];
	_ =	sdelay $0x3  }
0x94: {  	_ =	strace s2  }
0x95: {  	s2 =	sld [smem:$0x3FFD];
	_ =	sdelay $0x3  }
0x96: {  	_ =	strace s2  }
0x97: {  	_ =	strace $0x8FFFFFFF  }
0x98: {  	s18 =	sld [smem:$0x3FDB];
	_ =	sdelay $0x1  }
0x99: {  	s19 =	simm.s32 $_scs_section_size  }
0x9a: {  	s4 =	simm.s32 $_size__tile_overlayer_lowered;
	s5 =	simm.s32 $_tile_overlayer_lowered  }
0x9b: {  	s22 =	simm.s32 $0x1BFF;
	s21 =	sshll.u32 s5, $0x1;
	s2 =	sadd.s32 s19, s18  }
0x9c: {  	s6 =	simm.s32 $0x0;
	s20 =	sshll.u32 s4, $0x1;
	s4 =	sadd.s32 s21, s2  }
0x9d: {  	[timem:s6], [sflag:s22] =	dma.local [hbm:s4], s20  }
0x9e: {  	_ =	swait.ge [sflag:s22], s20  }
0x9f: {  	s3 =	ssub.s32 $0x0, s20;
	[sflag:s22] =	ssyncset.done $0x0  }
0xa0: {  	[sflag:s22] =	ssyncadd.s32 s3;
	_ =	sdelay $0x1  }
0xa1: {  	s23 =	simm.s32 $0x1B8B  }
0xa2: {  	_ =	swait.ge [sflag:s23], $0x1  }
0xa3: {  	[sflag:s23] =	ssyncset.done $0x0  }
0xa4: {  	s25 =	simm.s32 $0x1B8E;
	s24 =	sld [smem:$0x3FFE];
	[sflag:s23] =	ssyncadd.s32 $0xFFFFFFFF  }
0xa5: {  	s26 =	simm.s32 $execute0_lowered;
	[smem:$0x3FD2] =	sst s25  }
0xa6: {  	s4 =	sshll.u32 s26, $0x1;
	_ =	strace $0x80000052;
	[dreg:$0x1] =	wrdreg $0xFFFFFFFF  }
0xa7: {  	s28 =	simm.s32 $_size_execute0_lowered;
	s2 =	sadd.s32 s2, s4;
	[dreg:$0x0] =	wrdreg $0x0  }
0xa8: {  	s4 =	sshll.u32 s28, $0x1;
	[dreg:$0x2] =	wrdreg s2  }
0xa9: {  	[dreg:$0x3] =	wrdreg s4  }
0xaa: {  	[dreg:$0x4] =	wrdreg $0xC0  }
0xab: {  	_ =	task [dreg:s6], $0x5FFFF  }
0xac: {  	[dreg:$0x1] =	wrdreg $0xFFFFFFFF  }
0xad: {  	[dreg:$0x0] =	wrdreg $0x60  }
0xae: {  	[dreg:$0x2] =	wrdreg s24  }
0xaf: {  	[dreg:$0x3] =	wrdreg $0x50000  }
0xb0: {  	[dreg:$0x4] =	wrdreg $0x9  }
0xb1: {  	_ =	task.clear_ibuf [dreg:s6], $0x5FFFF;
	_ =	strace $0x90000052  }
0xb2: {  	s29 =	simm.s32 $0x9;
	_ =	strace $0x80000054  }
0xb3: {  	_ =	swait.ge [sflag:s29], $0x1  }
0xb4: {  	[sflag:s29] =	ssyncadd.s32 $0xFFFFFFFF  }
0xb5: {  	_ =	strace $0x90000054  }
0xb6: {  	_ =	sfence  }
0xb7: {  	s30 =	sld [smem:$0x0];
	_ =	sdelay $0x2  }
0xb8: {  	s31 =	sshll.u32 s1, $0xD;
	s1 =	sshrl.u32 s1, $0x2  }
0xb9: {  	s3 =	sand.u32 $0x4000, s31;
	s1 =	sadd.s32 s1, s30  }
0xba: {  	s0 =	sor.u32 s3, s0;
	s1 =	sshll.u32 s1, $0x11  }
0xbb: {  	s0 =	sor.u32 s1, s0  }
0xbc: {  	s0 =	sadd.s32 $0x8F2B, s0  }
0xbd: {  	[sflag:s0] =	ssyncadd.remote.s32 $0x1  }
0xbe: {  	_ =	sfence.sel $0xFFFF  }
0xbf: {  	[dreg:$0x0] =	wrdreg $0xFFFFFFFF;
	(pc) =	sbr.abs _section_cstart, $3  }
0xc0: {  	[dreg:$0x1] =	wrdreg $0xFFFFFFFF  }
0xc1: {  	_ =	task.clear_ibuf [dreg:s6], $0x2FFFF;
	_ =	strace $0x9FFFFFFF  }
0xc2: {  	(tm) =	ssettm $0x7FFFFFFF  }
0xc3: {  	_ =	shalt  }
tec
execute0_lowered:
.L_overlay_start_1:
0x0: {  	(tag) =	ssettag $0x1  }
0x1: {  	s8 =	rddreg [dreg:$0x0]  }
0x2: {  	s0 =	srdreg.scid;
	s2 =	rddreg [dreg:$0x1]  }
0x3: {  	s1 =	stileid.u32;
	s3 =	simm.s32 $0x0;
	s15 =	simm.s32 $0x80  }
0x4: {  	s16 =	simm.s32 $0x1000;
	s17 =	simm.s32 $0x1;
	s4 =	smul.u32 $0x5000, s1  }
0x5: {  	s9 =	sand.u32 $0x1, s0;
	s0 =	rddreg [dreg:$0x2];
	s12 =	smul.u32 $0x14000, s1  }
0x6: {  	[smem:$0x7FF] =	sst s3;
	s13 =	sshll.u32 s1, $0x6;
	s5 =	smul.u32 $0x27100, s9  }
0x7: {  	s6 =	smul.u32 $0x50000, s9;
	_ =	strace $0x80000053;
	s31 =	ssub.s32 $0x2, s9  }
0x8: {  	s9 =	sshrl.u32 s31, $0x1;
	s12 =	sshrl.u32 s12, $0x2;
	s10 =	sadd.s32 s5, s8  }
0x9: {  	s5 =	sadd.s32 $0x27800, s8;
	s7 =	sadd.s32 s4, s6;
	s6 =	sadd.s32 $0x31800, s8  }
0xa: {  	s14 =	ssub.s32 s31, s9;
	s12 =	sadd.s32 s12, s2;
	s11 =	sshrl.u32 s7, $0x3  }
0xb: {  	s7 =	sadd.s32 $0x9DA00, s8;
	s9 =	sadd.s32 $0x4F800, s10;
	s12 =	sshrl.u32 s12, $0x3  }
0xc: {  	s11 =	sadd.s32 s11, s8;
	s8 =	sor.u32 $0x1C02, s13;
	s13 =	simm.s32 $0x2  }
0xd: {  	s10 =	sadd.s32 $0x5E00, s11;
	s11 =	smax.u32 s14, $0x1;
	s14 =	simm.s32 $0x800  }
.LBB2_1:
0xe: {  	[spmem:s12], [sflag:s8] =	dma.local [hbm:s7], $0xA00  }
0xf: {  	_ =	swait.ge [sflag:s13], $0xA00  }
0x10: {  	[sflag:s13] =	ssyncset.done $0x0  }
0x11: {  	[sflag:s13] =	ssyncadd.s32 $0xFFFFF600  }
0x12: {  	s18 =	simm.s32 $0x0;
	[bflag:$0x0] =	sbarrier.arrive $0xFFFF  }
.LBB2_2:
0x13: {  	s19 =	sshll.u32 s18, $0xB  }
0x14: {  	s19 =	sadd.s32 s4, s19  }
0x15: {  	s19 =	sshrl.u32 s19, $0x3  }
0x16: {  	s21 =	simm.s32 $0x0;
	s20 =	sadd.s32 s5, s19  }
0x17: {  	[tilespmem:s21], [sflag:$0x2] =	stream.linear.gather [hbm4b:s20+s21], $0x800, $0x38;
	[tilespmem:$0xA000] =	vst v63  }
0x18: {  	_ =	swait.ge [sflag:s13], $0x800  }
0x19: {  	[sflag:s13] =	ssyncset.done $0x0  }
0x1a: {  	s19 =	sadd.s32 s6, s19;
	[sflag:s13] =	ssyncadd.s32 $0xFFFFF800  }
0x1b: {  	[tilespmem:s14], [sflag:$0x2] =	stream.linear.gather [hbm4b:s19+s21], $0x800, $0x38;
	[tilespmem:$0xA000] =	vst v63  }
0x1c: {  	_ =	swait.ge [sflag:s13], $0x800  }
0x1d: {  	[sflag:s13] =	ssyncset.done $0x0  }
0x1e: {  	s30 =	simm.s32 $0x0;
	[sflag:s13] =	ssyncadd.s32 $0xFFFFF800  }
0x1f: {  	[tilespmem:s16], [sflag:$0x1] =	stream.indirect.gather [hbm4b:s9+s15], $0x80, s30, s15, $0xb8;
	[tilespmem:$0xA000] =	vst v63  }
0x20: {  	_ =	swait.ge [sflag:s17], $0x4000  }
0x21: {  	[sflag:s17] =	ssyncset.done $0x0  }
0x22: {  	s31 =	simm.s32 $0x800;
	[sflag:s17] =	ssyncadd.s32 $0xFFFFC000  }
0x23: {  	[spmem:s2] =	stream.indirect.scatter.add.f32 [tilespmem:s16], [sflag:$0x2], $0x80, s31, s15, $0xb8;
	[tilespmem:$0xA000] =	vst v63  }
0x24: {  	_ =	swait.ge [sflag:s13], $0x4000  }
0x25: {  	s20 =	simm.s32 $0x400;
	s19 =	simm.s32 $0x200;
	[sflag:s13] =	ssyncset.done $0x0  }
.LBB2_3:
0x26: {  	s21 =	sshra.s32 s19, $0x2  }
0x27: {  	[sflag:s13] =	ssyncadd.s32 $0xFFFFC000;
	s19 =	smov.u32 s20;
	s22 =	sadd.s32 $0x200, s20  }
0x28: {  	[tilespmem:s16], [sflag:$0x1] =	stream.indirect.gather [hbm4b:s9+s15], $0x80, s21, s15, $0xb8;
	[tilespmem:$0xA000] =	vst v63  }
0x29: {  	p0 =	sne.s32 s20, $0x1E00;
	_ =	swait.ge [sflag:s17], $0x4000  }
.Ltmp0:
0x2a: {  	[sflag:s17] =	ssyncset.done $0x0;
	(pc) =	sbr.rel @p0 .LBB2_3-.Ltmp0, $4  }
0x2b: {  	s20 =	sadd.s32 $0x800, s21;
	[sflag:s17] =	ssyncadd.s32 $0xFFFFC000  }
0x2c: {  	[spmem:s2] =	stream.indirect.scatter.add.f32 [tilespmem:s16], [sflag:$0x2], $0x80, s20, s15, $0xb8;
	[tilespmem:$0xA000] =	vst v63  }
0x2d: {  	_ =	swait.ge [sflag:s13], $0x4000  }
0x2e: {  	s20 =	smov.u32 s22;
	[sflag:s13] =	ssyncset.done $0x0  }
0x2f: {  	s19 =	sshra.s32 s19, $0x2;
	[sflag:s13] =	ssyncadd.s32 $0xFFFFC000  }
0x30: {  	[tilespmem:s16], [sflag:$0x1] =	stream.indirect.gather [hbm4b:s9+s15], $0x80, s19, s15, $0xb8;
	[tilespmem:$0xA000] =	vst v63  }
0x31: {  	s18 =	sadd.s32 $0x1, s18;
	_ =	swait.ge [sflag:s17], $0x4000  }
0x32: {  	p0 =	sne.s32 s18, $0xA;
	[sflag:s17] =	ssyncset.done $0x0  }
.Ltmp1:
0x33: {  	s19 =	sadd.s32 $0x800, s19;
	[sflag:s17] =	ssyncadd.s32 $0xFFFFC000;
	(pc) =	sbr.rel @p0 .LBB2_2-.Ltmp1, $4  }
0x34: {  	[spmem:s2] =	stream.indirect.scatter.add.f32 [tilespmem:s16], [sflag:$0x2], $0x80, s19, s15, $0xb8;
	[tilespmem:$0xA000] =	vst v63  }
0x35: {  	_ =	swait.ge [sflag:s13], $0x4000  }
0x36: {  	[sflag:s13] =	ssyncset.done $0x0  }
0x37: {  	[sflag:s13] =	ssyncadd.s32 $0xFFFFC000  }
0x38: {  	s3 =	sadd.s32 $0x1, s3  }
0x39: {  	p0 =	sne.s32 s3, s11  }
.Ltmp2:
0x3a: {  	[bflag:$0x0] =	sbarrier.arrive $0xFFFF;
	(pc) =	sbr.rel @p0 .LBB2_1-.Ltmp2, $4  }
0x3b: {  	[hbm:s10], [sflag:s8] =	dma.local [spmem:s12], $0xA00  }
0x3c: {  	_ =	swait.ge [sflag:s13], $0xA00  }
0x3d: {  	[sflag:s13] =	ssyncset.done $0x0  }
0x3e: {  	[sflag:s13] =	ssyncadd.s32 $0xFFFFF600  }
0x3f: {  	_ =	sfence.sel $0x180000  }
0x40: {  	[bflag:$0x0] =	sbarrier.arrive $0xFFFF  }
0x41: {  	p0 =	sne.s32 s1, $0x0;
	_ =	strace $0x90000053  }
0x42: {  	s0 =	sadd.s32 @!p0 $0x100000, s0;
	[bflag:$0x2] =	sbarrier.arrive $0xFFFF  }
0x43: {  	[sflag:s0] =	ssyncadd.tile.s32 @!p0 $0x1;
	_ =	shalt  }
.Lfunc_end2:
_tile_overlayer_lowered:
.L_overlay_start_2:
0x44: {  	(tag) =	ssettag $0x2  }
0x45: {  	s0 =	rddreg [dreg:$0x0];
	s2 =	stileid.u32  }
0x46: {  	s1 =	rddreg [dreg:$0x1];
	p0 =	sne.s32 s2, $0x0  }
0x47: {  	s3 =	rddreg [dreg:$0x2];
	[bflag:$0x3] =	sbarrier.arrive $0xFFFF;
	s2 =	simm.s32 @!p0 $0x1C02  }
0x48: {  	[timem:s3], [sflag:s2] =	dma.local @!p0 [hbm:s0], s1  }
0x49: {  	s0 =	simm.s32 @!p0 $0x2  }
0x4a: {  	_ =	swait.ge @!p0 [sflag:s0], s1  }
0x4b: {  	s1 =	ssub.s32 @!p0 $0x0, s1;
	[sflag:s0] =	ssyncset.done @!p0 $0x0  }
0x4c: {  	[sflag:s0] =	ssyncadd.s32 @!p0 s1  }
0x4d: {  	[bflag:$0x3] =	sbarrier.arrive $0xFFFF  }
0x4e: {  	_ =	shalt  }

// kernel: kernel.30.cloned.1.call-start
scs
__scs_entry_jumppad:
0x0: {  	(pc) =	sbr.rel $0x88, $3  }
0x1: {  	(tag) =	ssettag $0x0;
	lr =	simm.s32 $0x1  }
0x2: {  	[smem:$0x3F94] =	sst lr;
	_ =	strace $0xD0000000  }
0x3: {  	_ = 	snop  }
0x4: {  	_ = 	snop  }
0x5: {  	_ = 	snop  }
0x6: {  	_ = 	snop  }
0x7: {  	_ = 	snop  }
__scs_overlays_trampoline_lowered:
0x8: {  	[smem:$0x3FA3] =	sst s0  }
0x9: {  	[smem:$0x3FA4] =	sst s1  }
0xa: {  	[smem:$0x3FA5] =	sst s2  }
0xb: {  	[smem:$0x3FA6] =	sst s3  }
0xc: {  	[smem:$0x3FA7] =	sst s4  }
0xd: {  	[smem:$0x3FA8] =	sst s5  }
0xe: {  	[smem:$0x3FA9] =	sst s6  }
0xf: {  	[smem:$0x3FAA] =	sst s7  }
0x10: {  	[smem:$0x3FAB] =	sst s8  }
0x11: {  	[smem:$0x3FAC] =	sst s9;
	s0 =	simm.s32 @!p0 $0x0  }
0x12: {  	s1 =	sld [smem:$0x3F92];
	s0 =	simm.s32 @p0 $0x1  }
0x13: {  	[smem:$0x3FAD] =	sst s0;
	s0 =	simm.s32 @!p1 $0x0  }
0x14: {  	s2 =	sld [smem:$0x3F91];
	s0 =	simm.s32 @p1 $0x1  }
0x15: {  	[smem:$0x3FAE] =	sst s0;
	s0 =	simm.s32 @!p2 $0x0  }
0x16: {  	s3 =	sld [smem:$0x3FDB];
	s0 =	simm.s32 @p2 $0x1  }
0x17: {  	s4 =	simm.s32 $0x1BF5;
	[smem:$0x3FB0] =	sst s0  }
0x18: {  	s0 =	sld [smem:$0x3F93];
	_ =	swait.ge [sflag:s4], $0x0  }
0x19: {  	s7 =	sld [smem:$0x3F94]  }
0x1a: {  	s8 =	sadd.s32 $0xFFFFE003, lr  }
0x1b: {  	s9 =	sadd.s32 $0xFFFFFEF7, lr;
	s5 =	simm.s32 $0xFFFFFFFF;
	p2 =	slt.u32 s8, $0xFFFFF086  }
0x1c: {  	p1 =	slt.u32 s9, $0xF7A;
	s5 =	simm.s32 @!p2 $0x0  }
0x1d: {  	s5 =	simm.s32 @p1 $0x1;
	p0 =	seq.s32 s7, s2  }
0x1e: {  	s7 =	smul.u32 @!p0 $0xF7A, s2;
	p2 =	seq.s32 @!p0 s5, $0x0  }
0x1f: {  	s9 =	smul.u32 $0xF7A, s1;
	s8 =	simm.s32 @!p0 $0x1BF5;
	p2 =	por !p2, p0  }
0x20: {  	[sflag:s8] =	ssyncset.s32 @!p0 $0xFFFFF086;
	s6 =	sadd.s32 @!p0 s3, s7;
	s7 =	simm.s32 @!p0 $0x108  }
0x21: {  	s3 =	sadd.s32 s3, s9;
	s6 =	sadd.s32 @!p0 $0x88, s6;
	s7 =	simm.s32 @p2 $0x1082  }
0x22: {  	[simem:s7], [sflag:s8] =	dma.local @!p0 [hbm:s6], $0xF7A  }
0x23: {  	s9 =	sor.u32 $0xD0000000, s2;
	s6 =	simm.s32 $0x108;
	_ =	swait.ge @!p0 [sflag:s8], $0x0  }
0x24: {  	s3 =	sadd.s32 $0x88, s3;
	s6 =	simm.s32 @!p1 $0x1082;
	[sflag:s4] =	ssyncset.s32 $0xFFFFF086  }
0x25: {  	[simem:s6], [sflag:s4] =	dma.local [hbm:s3], $0xF7A  }
0x26: {  	[smem:$0x3F94] =	sst s1;
	(tag) =	ssettag s2;
	_ =	strace s9  }
0x27: {  	s1 =	sld [smem:$0x3FA4]  }
0x28: {  	s2 =	sld [smem:$0x3FA5]  }
0x29: {  	s4 =	sld [smem:$0x3FA7]  }
0x2a: {  	p0 =	seq.s32 s5, $0x0;
	s5 =	sld [smem:$0x3FA8]  }
0x2b: {  	s6 =	sld [smem:$0x3FA9]  }
0x2c: {  	s7 =	sld [smem:$0x3FAA]  }
0x2d: {  	s3 =	simm.s32 $0x108;
	s8 =	sld [smem:$0x3FAB]  }
0x2e: {  	s3 =	simm.s32 @!p0 $0x1082;
	s9 =	sld [smem:$0x3FAC]  }
0x2f: {  	lr =	sadd.s32 s0, s3;
	s0 =	sld [smem:$0x3FA3]  }
0x30: {  	s3 =	sld [smem:$0x3FA6]  }
0x31: {  	[smem:$0x3FAF] =	sst s10  }
0x32: {  	s10 =	sld [smem:$0x3FAD];
	_ =	sdelay $0x3  }
0x33: {  	p0 =	seq.s32 s10, $0x1;
	s10 =	sld [smem:$0x3FAF];
	_ =	sdelay $0x3  }
0x34: {  	[smem:$0x3FAF] =	sst s10  }
0x35: {  	s10 =	sld [smem:$0x3FAE];
	_ =	sdelay $0x3  }
0x36: {  	p1 =	seq.s32 s10, $0x1;
	s10 =	sld [smem:$0x3FAF];
	_ =	sdelay $0x3  }
0x37: {  	[smem:$0x3FAF] =	sst s10  }
0x38: {  	s10 =	sld [smem:$0x3FB0]  }
0x39: {  	_ = 	snop;
	(pc) =	sbr.ind lr, $3  }
0x3a: {  	_ = 	snop  }
0x3b: {  	_ = 	snop  }
0x3c: {  	p2 =	seq.s32 s10, $0x1;
	s10 =	sld [smem:$0x3FAF]  }
0x3d: {  	_ =	shalt  }
0x3e: {  	_ =	shalt  }
0x3f: {  	_ =	shalt  }
0x40: {  	_ =	shalt  }
0x41: {  	_ =	shalt  }
0x42: {  	_ =	shalt  }
0x43: {  	_ =	shalt  }
0x44: {  	_ =	shalt  }
0x45: {  	_ =	shalt  }
0x46: {  	_ =	shalt  }
0x47: {  	_ =	shalt  }
0x48: {  	_ =	shalt  }
0x49: {  	_ =	shalt  }
0x4a: {  	_ =	shalt  }
0x4b: {  	_ =	shalt  }
0x4c: {  	_ =	shalt  }
0x4d: {  	_ =	shalt  }
0x4e: {  	_ =	shalt  }
0x4f: {  	_ =	shalt  }
0x50: {  	_ =	shalt  }
0x51: {  	_ =	shalt  }
0x52: {  	_ =	shalt  }
0x53: {  	_ =	shalt  }
0x54: {  	_ =	shalt  }
0x55: {  	_ =	shalt  }
0x56: {  	_ =	shalt  }
0x57: {  	_ =	shalt  }
0x58: {  	_ =	shalt  }
0x59: {  	_ =	shalt  }
0x5a: {  	_ =	shalt  }
0x5b: {  	_ =	shalt  }
0x5c: {  	_ =	shalt  }
0x5d: {  	_ =	shalt  }
0x5e: {  	_ =	shalt  }
0x5f: {  	_ =	shalt  }
0x60: {  	_ =	shalt  }
0x61: {  	_ =	shalt  }
0x62: {  	_ =	shalt  }
0x63: {  	_ =	shalt  }
0x64: {  	_ =	shalt  }
0x65: {  	_ =	shalt  }
0x66: {  	_ =	shalt  }
0x67: {  	_ =	shalt  }
0x68: {  	_ =	shalt  }
0x69: {  	_ =	shalt  }
0x6a: {  	_ =	shalt  }
0x6b: {  	_ =	shalt  }
0x6c: {  	_ =	shalt  }
0x6d: {  	_ =	shalt  }
0x6e: {  	_ =	shalt  }
0x6f: {  	_ =	shalt  }
0x70: {  	_ =	shalt  }
0x71: {  	_ =	shalt  }
0x72: {  	_ =	shalt  }
0x73: {  	_ =	shalt  }
0x74: {  	_ =	shalt  }
0x75: {  	_ =	shalt  }
0x76: {  	_ =	shalt  }
0x77: {  	_ =	shalt  }
0x78: {  	_ =	shalt  }
0x79: {  	_ =	shalt  }
0x7a: {  	_ =	shalt  }
0x7b: {  	_ =	shalt  }
0x7c: {  	_ =	shalt  }
0x7d: {  	_ =	shalt  }
0x7e: {  	_ =	shalt  }
0x7f: {  	_ =	shalt  }
0x80: {  	_ =	shalt  }
0x81: {  	_ =	shalt  }
0x82: {  	_ =	shalt  }
0x83: {  	_ =	shalt  }
0x84: {  	_ =	shalt  }
0x85: {  	_ =	shalt  }
0x86: {  	_ =	shalt  }
0x87: {  	_ =	shalt  }
.Lfunc_end0:
.L_simem_size_0:
called_computation.5_lowered:
.L_overlay_start_0:
0x88: {  	s2 =	sld [smem:$0x3FD9]  }
0x89: {  	s3 =	sld [smem:$0x3FFE];
	_ =	sdelay $0x1  }
0x8a: {  	s1 =	srdreg.scid  }
0x8b: {  	s0 =	sand.u32 $0x1, s1  }
0x8c: {  	s16 =	sshll.u32 s0, $0xA;
	s2 =	sadd.s32 s3, s2  }
0x8d: {  	s2 =	sadd.s32 s2, s16  }
0x8e: {  	[smem:$0x3FBB] =	sst s2  }
0x8f: {  	_ = 	snop  }
0x90: {  	(tm) =	ssettm $0x1  }
0x91: {  	s17 =	sld [smem:$0x3FFB];
	_ =	sdelay $0x3  }
0x92: {  	_ =	strace s17  }
0x93: {  	s2 =	sld [smem:$0x3FFC];
	_ =	sdelay $0x3  }
0x94: {  	_ =	strace s2  }
0x95: {  	s2 =	sld [smem:$0x3FFD];
	_ =	sdelay $0x3  }
0x96: {  	_ =	strace s2  }
0x97: {  	_ =	strace $0x8FFFFFFF  }
0x98: {  	s18 =	sld [smem:$0x3FDB];
	_ =	sdelay $0x1  }
0x99: {  	s19 =	simm.s32 $_scs_section_size  }
0x9a: {  	s4 =	simm.s32 $_size__tile_overlayer_lowered;
	s5 =	simm.s32 $_tile_overlayer_lowered  }
0x9b: {  	s22 =	simm.s32 $0x1BFF;
	s21 =	sshll.u32 s5, $0x1;
	s2 =	sadd.s32 s19, s18  }
0x9c: {  	s6 =	simm.s32 $0x0;
	s20 =	sshll.u32 s4, $0x1;
	s4 =	sadd.s32 s21, s2  }
0x9d: {  	[timem:s6], [sflag:s22] =	dma.local [hbm:s4], s20  }
0x9e: {  	_ =	swait.ge [sflag:s22], s20  }
0x9f: {  	s3 =	ssub.s32 $0x0, s20;
	[sflag:s22] =	ssyncset.done $0x0  }
0xa0: {  	[sflag:s22] =	ssyncadd.s32 s3;
	_ =	sdelay $0x1  }
0xa1: {  	s23 =	simm.s32 $0x1B8B  }
0xa2: {  	_ =	swait.ge [sflag:s23], $0x1  }
0xa3: {  	[sflag:s23] =	ssyncset.done $0x0  }
0xa4: {  	s25 =	simm.s32 $0x1B8E;
	s24 =	sld [smem:$0x3FFE];
	[sflag:s23] =	ssyncadd.s32 $0xFFFFFFFF  }
0xa5: {  	s26 =	simm.s32 $execute0_lowered;
	[smem:$0x3FD2] =	sst s25  }
0xa6: {  	s4 =	sshll.u32 s26, $0x1;
	_ =	strace $0x80000055;
	[dreg:$0x1] =	wrdreg $0xFFFFFFFF  }
0xa7: {  	s28 =	simm.s32 $_size_execute0_lowered;
	s2 =	sadd.s32 s2, s4;
	[dreg:$0x0] =	wrdreg $0x0  }
0xa8: {  	s4 =	sshll.u32 s28, $0x1;
	[dreg:$0x2] =	wrdreg s2  }
0xa9: {  	[dreg:$0x3] =	wrdreg s4  }
0xaa: {  	[dreg:$0x4] =	wrdreg $0xC0  }
0xab: {  	_ =	task [dreg:s6], $0x5FFFF  }
0xac: {  	[dreg:$0x1] =	wrdreg $0xFFFFFFFF  }
0xad: {  	[dreg:$0x0] =	wrdreg $0x60  }
0xae: {  	[dreg:$0x2] =	wrdreg s24  }
0xaf: {  	[dreg:$0x3] =	wrdreg $0x50000  }
0xb0: {  	[dreg:$0x4] =	wrdreg $0x9  }
0xb1: {  	_ =	task.clear_ibuf [dreg:s6], $0x5FFFF;
	_ =	strace $0x90000055  }
0xb2: {  	s29 =	simm.s32 $0x9;
	_ =	strace $0x80000057  }
0xb3: {  	_ =	swait.ge [sflag:s29], $0x1  }
0xb4: {  	[sflag:s29] =	ssyncadd.s32 $0xFFFFFFFF  }
0xb5: {  	_ =	strace $0x90000057  }
0xb6: {  	_ =	sfence  }
0xb7: {  	s30 =	sld [smem:$0x0];
	_ =	sdelay $0x2  }
0xb8: {  	s31 =	sshll.u32 s1, $0xD;
	s1 =	sshrl.u32 s1, $0x2  }
0xb9: {  	s3 =	sand.u32 $0x4000, s31;
	s1 =	sadd.s32 s1, s30  }
0xba: {  	s0 =	sor.u32 s3, s0;
	s1 =	sshll.u32 s1, $0x11  }
0xbb: {  	s0 =	sor.u32 s1, s0  }
0xbc: {  	s0 =	sadd.s32 $0x8F2B, s0  }
0xbd: {  	[sflag:s0] =	ssyncadd.remote.s32 $0x1  }
0xbe: {  	_ =	sfence.sel $0xFFFF  }
0xbf: {  	[dreg:$0x0] =	wrdreg $0xFFFFFFFF;
	(pc) =	sbr.abs _section_cstart, $3  }
0xc0: {  	[dreg:$0x1] =	wrdreg $0xFFFFFFFF  }
0xc1: {  	_ =	task.clear_ibuf [dreg:s6], $0x2FFFF;
	_ =	strace $0x9FFFFFFF  }
0xc2: {  	(tm) =	ssettm $0x7FFFFFFF  }
0xc3: {  	_ =	shalt  }
tec
execute0_lowered:
.L_overlay_start_1:
0x0: {  	(tag) =	ssettag $0x1  }
0x1: {  	s7 =	rddreg [dreg:$0x0]  }
0x2: {  	s0 =	srdreg.scid;
	s1 =	rddreg [dreg:$0x1];
	s3 =	simm.s32 $0x0  }
0x3: {  	s2 =	stileid.u32;
	s15 =	simm.s32 $0x80;
	s16 =	simm.s32 $0x1000  }
0x4: {  	s6 =	sand.u32 $0x1, s0;
	s0 =	rddreg [dreg:$0x2];
	s9 =	smul.u32 $0x14000, s2  }
0x5: {  	s17 =	simm.s32 $0x1;
	[smem:$0x7FF] =	sst s3;
	s11 =	smul.u32 $0x50000, s2  }
0x6: {  	s5 =	sadd.s32 $0x3B800, s7;
	s31 =	sshll.u32 s2, $0x6;
	s4 =	smul.u32 $0x9C80, s6  }
0x7: {  	s8 =	smul.u32 $0x140000, s6;
	_ =	strace $0x80000056;
	s28 =	ssub.s32 $0x2, s6  }
0x8: {  	s6 =	sadd.s32 $0x9DA00, s7;
	s29 =	sshrl.u32 s28, $0x1;
	s30 =	sshrl.u32 s11, $0x2  }
0x9: {  	s10 =	sadd.s32 s4, s7;
	s4 =	sadd.s32 $0x45800, s7;
	s8 =	sadd.s32 s9, s8  }
0xa: {  	s13 =	ssub.s32 s28, s29;
	s14 =	sadd.s32 s30, s1;
	s8 =	sshrl.u32 s8, $0x3  }
0xb: {  	s9 =	sadd.s32 $0x5E00, s10;
	s11 =	smax.u32 s13, $0x1;
	s13 =	simm.s32 $0x2  }
0xc: {  	s12 =	sadd.s32 s8, s7;
	s7 =	sor.u32 $0x1C02, s31;
	s8 =	smul.u32 $0x5000, s2  }
0xd: {  	s10 =	sadd.s32 $0xA0200, s12;
	s12 =	sshrl.u32 s14, $0x3;
	s14 =	simm.s32 $0x800  }
.LBB2_1:
0xe: {  	[spmem:s12], [sflag:s7] =	dma.local [hbm:s6], $0x2800  }
0xf: {  	_ =	swait.ge [sflag:s13], $0x2800  }
0x10: {  	[sflag:s13] =	ssyncset.done $0x0  }
0x11: {  	[sflag:s13] =	ssyncadd.s32 $0xFFFFD800  }
0x12: {  	s18 =	simm.s32 $0x0;
	[bflag:$0x0] =	sbarrier.arrive $0xFFFF  }
.LBB2_2:
0x13: {  	s19 =	sshll.u32 s18, $0xB  }
0x14: {  	s19 =	sadd.s32 s8, s19  }
0x15: {  	s19 =	sshrl.u32 s19, $0x3  }
0x16: {  	s21 =	simm.s32 $0x0;
	s20 =	sadd.s32 s4, s19  }
0x17: {  	[tilespmem:s21], [sflag:$0x2] =	stream.linear.gather [hbm4b:s20+s21], $0x800, $0x38;
	[tilespmem:$0x19000] =	vst v63  }
0x18: {  	_ =	swait.ge [sflag:s13], $0x800  }
0x19: {  	[sflag:s13] =	ssyncset.done $0x0  }
0x1a: {  	s19 =	sadd.s32 s5, s19;
	[sflag:s13] =	ssyncadd.s32 $0xFFFFF800  }
0x1b: {  	[tilespmem:s14], [sflag:$0x2] =	stream.linear.gather [hbm4b:s19+s21], $0x800, $0x38;
	[tilespmem:$0x19000] =	vst v63  }
0x1c: {  	_ =	swait.ge [sflag:s13], $0x800  }
0x1d: {  	[sflag:s13] =	ssyncset.done $0x0  }
0x1e: {  	s30 =	simm.s32 $0x0;
	[sflag:s13] =	ssyncadd.s32 $0xFFFFF800  }
0x1f: {  	[tilespmem:s16], [sflag:$0x1] =	stream.indirect.gather [hbm4b:s9+s15], $0x80, s30, s15, $0xb8;
	[tilespmem:$0x19000] =	vst v63  }
0x20: {  	_ =	swait.ge [sflag:s17], $0x4000  }
0x21: {  	[sflag:s17] =	ssyncset.done $0x0  }
0x22: {  	s31 =	simm.s32 $0x800;
	[sflag:s17] =	ssyncadd.s32 $0xFFFFC000  }
0x23: {  	[spmem:s1] =	stream.indirect.scatter.add.f32 [tilespmem:s16], [sflag:$0x2], $0x80, s31, s15, $0xb8;
	[tilespmem:$0x19000] =	vst v63  }
0x24: {  	_ =	swait.ge [sflag:s13], $0x4000  }
0x25: {  	s20 =	simm.s32 $0x400;
	s19 =	simm.s32 $0x200;
	[sflag:s13] =	ssyncset.done $0x0  }
.LBB2_3:
0x26: {  	s21 =	sshra.s32 s19, $0x2  }
0x27: {  	[sflag:s13] =	ssyncadd.s32 $0xFFFFC000;
	s19 =	smov.u32 s20;
	s22 =	sadd.s32 $0x200, s20  }
0x28: {  	[tilespmem:s16], [sflag:$0x1] =	stream.indirect.gather [hbm4b:s9+s15], $0x80, s21, s15, $0xb8;
	[tilespmem:$0x19000] =	vst v63  }
0x29: {  	p0 =	sne.s32 s20, $0x1E00;
	_ =	swait.ge [sflag:s17], $0x4000  }
.Ltmp0:
0x2a: {  	[sflag:s17] =	ssyncset.done $0x0;
	(pc) =	sbr.rel @p0 .LBB2_3-.Ltmp0, $4  }
0x2b: {  	s20 =	sadd.s32 $0x800, s21;
	[sflag:s17] =	ssyncadd.s32 $0xFFFFC000  }
0x2c: {  	[spmem:s1] =	stream.indirect.scatter.add.f32 [tilespmem:s16], [sflag:$0x2], $0x80, s20, s15, $0xb8;
	[tilespmem:$0x19000] =	vst v63  }
0x2d: {  	_ =	swait.ge [sflag:s13], $0x4000  }
0x2e: {  	s20 =	smov.u32 s22;
	[sflag:s13] =	ssyncset.done $0x0  }
0x2f: {  	s19 =	sshra.s32 s19, $0x2;
	[sflag:s13] =	ssyncadd.s32 $0xFFFFC000  }
0x30: {  	[tilespmem:s16], [sflag:$0x1] =	stream.indirect.gather [hbm4b:s9+s15], $0x80, s19, s15, $0xb8;
	[tilespmem:$0x19000] =	vst v63  }
0x31: {  	s18 =	sadd.s32 $0x1, s18;
	_ =	swait.ge [sflag:s17], $0x4000  }
0x32: {  	p0 =	sne.s32 s18, $0xA;
	[sflag:s17] =	ssyncset.done $0x0  }
.Ltmp1:
0x33: {  	s19 =	sadd.s32 $0x800, s19;
	[sflag:s17] =	ssyncadd.s32 $0xFFFFC000;
	(pc) =	sbr.rel @p0 .LBB2_2-.Ltmp1, $4  }
0x34: {  	[spmem:s1] =	stream.indirect.scatter.add.f32 [tilespmem:s16], [sflag:$0x2], $0x80, s19, s15, $0xb8;
	[tilespmem:$0x19000] =	vst v63  }
0x35: {  	_ =	swait.ge [sflag:s13], $0x4000  }
0x36: {  	[sflag:s13] =	ssyncset.done $0x0  }
0x37: {  	[sflag:s13] =	ssyncadd.s32 $0xFFFFC000  }
0x38: {  	s3 =	sadd.s32 $0x1, s3  }
0x39: {  	p0 =	sne.s32 s3, s11  }
.Ltmp2:
0x3a: {  	[bflag:$0x0] =	sbarrier.arrive $0xFFFF;
	(pc) =	sbr.rel @p0 .LBB2_1-.Ltmp2, $4  }
0x3b: {  	[hbm:s10], [sflag:s7] =	dma.local [spmem:s12], $0x2800  }
0x3c: {  	_ =	swait.ge [sflag:s13], $0x2800  }
0x3d: {  	[sflag:s13] =	ssyncset.done $0x0  }
0x3e: {  	[sflag:s13] =	ssyncadd.s32 $0xFFFFD800  }
0x3f: {  	_ =	sfence.sel $0x180000  }
0x40: {  	[bflag:$0x0] =	sbarrier.arrive $0xFFFF  }
0x41: {  	p0 =	sne.s32 s2, $0x0;
	_ =	strace $0x90000056  }
0x42: {  	s0 =	sadd.s32 @!p0 $0x100000, s0;
	[bflag:$0x2] =	sbarrier.arrive $0xFFFF  }
0x43: {  	[sflag:s0] =	ssyncadd.tile.s32 @!p0 $0x1;
	_ =	shalt  }
.Lfunc_end2:
_tile_overlayer_lowered:
.L_overlay_start_2:
0x44: {  	(tag) =	ssettag $0x2  }
0x45: {  	s0 =	rddreg [dreg:$0x0];
	s2 =	stileid.u32  }
0x46: {  	s1 =	rddreg [dreg:$0x1];
	p0 =	sne.s32 s2, $0x0  }
0x47: {  	s3 =	rddreg [dreg:$0x2];
	[bflag:$0x3] =	sbarrier.arrive $0xFFFF;
	s2 =	simm.s32 @!p0 $0x1C02  }
0x48: {  	[timem:s3], [sflag:s2] =	dma.local @!p0 [hbm:s0], s1  }
0x49: {  	s0 =	simm.s32 @!p0 $0x2  }
0x4a: {  	_ =	swait.ge @!p0 [sflag:s0], s1  }
0x4b: {  	s1 =	ssub.s32 @!p0 $0x0, s1;
	[sflag:s0] =	ssyncset.done @!p0 $0x0  }
0x4c: {  	[sflag:s0] =	ssyncadd.s32 @!p0 s1  }
0x4d: {  	[bflag:$0x3] =	sbarrier.arrive $0xFFFF  }
0x4e: {  	_ =	shalt  }

</sc_bundles>
